<compile_context>
chip_gen: v7x
topology: tpu7x:2x2x1
jax: 0.10.2.dev20260603
libtpu: 0.0.44.dev20260713+nightly
codegen_flags: <defaults>
</compile_context>

<pallas_src>
import functools

import jax
import jax.numpy as jnp
from jax import lax
from jax.experimental import pallas as pl
from jax.experimental.pallas import tpu as pltpu
from jax.experimental.pallas import tpu_sc as plsc

N_NODES = 10000
N_EDGES = 320000
D = 128

NC = 2
NS = 16
NW = NC * NS
PER_TILE = N_EDGES // NW
CHUNK = 128
N_FULL = PER_TILE // CHUNK
TAIL = PER_TILE - N_FULL * CHUNK
NPAD = 10240
ROWS_PER_TILE = NPAD // NS


def _sc_agg_body(with_cnt, x_hbm, src_hbm, dst_hbm, *rest):
    if with_cnt:
        (p_out, c_out, agg_sh, cnt_sh, src0, src1, dst0, dst1, dst2, dst3,
         rows0, rows1, src_t, dst_t, rows_t, ones_v, ones_t, z_v,
         gsem0, gsem1, isS0, isS1, isD0, isD1, isD2, isD3,
         ss0, ss1, ss2, ss3, tsem_i, tsem_g) = rest
    else:
        (p_out, agg_sh, src0, src1, dst0, dst1, dst2, dst3,
         rows0, rows1, src_t, dst_t, rows_t,
         gsem0, gsem1, isS0, isS1, isD0, isD1, isD2, isD3,
         ss0, ss1, ss2, ss3, tsem_i, tsem_g) = rest
        c_out = cnt_sh = ones_v = ones_t = z_v = None
    srcs = (src0, src1)
    dsts = (dst0, dst1, dst2, dst3)
    rows = (rows0, rows1)
    gsems = (gsem0, gsem1)
    isems_s = (isS0, isS1)
    isems_d = (isD0, isD1, isD2, isD3)
    ssems = (ss0, ss1, ss2, ss3)

    cid = lax.axis_index("c")
    sid = lax.axis_index("s")
    wid = sid * NC + cid
    ebase = wid * PER_TILE
    tbase = ebase + N_FULL * CHUNK

    def start_src(g, p):
        pltpu.async_copy(src_hbm.at[pl.ds(ebase + g * CHUNK, CHUNK)],
                         srcs[p], isems_s[p])

    def start_dst(g, q):
        pltpu.async_copy(dst_hbm.at[pl.ds(ebase + g * CHUNK, CHUNK)],
                         dsts[q], isems_d[q])

    def wait_src(g, p):
        pltpu.make_async_copy(src_hbm.at[pl.ds(ebase + g * CHUNK, CHUNK)],
                              srcs[p], isems_s[p]).wait()

    def wait_dst(g, q):
        pltpu.make_async_copy(dst_hbm.at[pl.ds(ebase + g * CHUNK, CHUNK)],
                              dsts[q], isems_d[q]).wait()

    def start_gather(p):
        pltpu.async_copy(x_hbm.at[srcs[p]], rows[p], gsems[p])

    def wait_gather(p):
        pltpu.make_async_copy(x_hbm.at[srcs[p]], rows[p], gsems[p]).wait()

    def start_scat(q):
        pltpu.async_copy(rows[q % 2], agg_sh.at[dsts[q]], ssems[q], add=True)
        if with_cnt:
            pltpu.async_copy(ones_v, cnt_sh.at[dsts[q]], ssems[q], add=True)

    def wait_scat(q):
        pltpu.make_async_copy(rows[q % 2], agg_sh.at[dsts[q]], ssems[q]).wait()
        if with_cnt:
            pltpu.make_async_copy(ones_v, cnt_sh.at[dsts[q]], ssems[q]).wait()

    pltpu.async_copy(src_hbm.at[pl.ds(tbase, TAIL)], src_t, tsem_i)
    pltpu.async_copy(dst_hbm.at[pl.ds(tbase, TAIL)], dst_t, tsem_i)
    start_src(0, 0)
    start_dst(0, 0)
    start_src(1, 1)
    start_dst(1, 1)

    def zrows_body(r, carry):
        for j in range(D // 16):
            rows1[r, pl.ds(j * 16, 16)] = jnp.zeros((16,), jnp.float32)
        return carry

    lax.fori_loop(0, CHUNK, zrows_body, 0)

    if with_cnt:
        def zcnt_body(k, carry):
            z_v[pl.ds(k * 16, 16)] = jnp.zeros((16,), jnp.float32)
            return carry

        lax.fori_loop(0, ROWS_PER_TILE // 16, zcnt_body, 0)

        def ones_body(k, carry):
            ones_v[pl.ds(k * 16, 16)] = jnp.ones((16,), jnp.float32)
            return carry

        lax.fori_loop(0, CHUNK // 16, ones_body, 0)
        ones_t[pl.ds(0, 16)] = jnp.ones((16,), jnp.float32)

    row0 = sid * ROWS_PER_TILE
    zcopies = []
    for i in range(ROWS_PER_TILE // CHUNK):
        zcopies.append(pltpu.async_copy(
            rows1, agg_sh.at[pl.ds(row0 + i * CHUNK, CHUNK)], tsem_g))
    if with_cnt:
        zcopies.append(pltpu.async_copy(
            z_v, cnt_sh.at[pl.ds(row0, ROWS_PER_TILE)], tsem_g))

    wait_src(0, 0)
    wait_dst(0, 0)
    start_gather(0)
    pltpu.make_async_copy(src_hbm.at[pl.ds(tbase, TAIL)], src_t, tsem_i).wait()
    pltpu.make_async_copy(dst_hbm.at[pl.ds(tbase, TAIL)], dst_t, tsem_i).wait()
    tail_gather = pltpu.async_copy(x_hbm.at[src_t], rows_t, tsem_i)

    for c in zcopies:
        c.wait()

    plsc.subcore_barrier()

    def ops(g, k, first=False, n_left=3):
        p, q = k % 2, k
        if not first:
            wait_scat((q + 3) % 4)
        if n_left >= 1:
            wait_src(g + 1, (p + 1) % 2)
            wait_dst(g + 1, (q + 1) % 4)
            start_gather((p + 1) % 2)
        wait_gather(p)
        if n_left >= 2:
            start_src(g + 2, p)
        start_scat(q)
        if n_left >= 2:
            start_dst(g + 2, (q + 2) % 4)

    ops(0, 0, first=True)

    ITERS = (N_FULL - 5) // 4

    def body(i, carry):
        g0 = 4 * i + 1
        for k in range(4):
            ops(g0 + k, (1 + k) % 4)
        return carry

    lax.fori_loop(0, ITERS, body, 0)
    for g in range(4 * ITERS + 1, N_FULL):
        ops(g, g % 4, n_left=min(N_FULL - 1 - g, 3))
    wait_scat((N_FULL - 1) % 4)

    tail_gather.wait()
    pltpu.sync_copy(rows_t, agg_sh.at[dst_t], add=True)
    if with_cnt:
        pltpu.sync_copy(ones_t, cnt_sh.at[dst_t], add=True)

    plsc.subcore_barrier()
    pltpu.sync_copy(agg_sh.at[pl.ds(row0, ROWS_PER_TILE)],
                    p_out.at[cid, pl.ds(row0, ROWS_PER_TILE)])
    if with_cnt:
        pltpu.sync_copy(cnt_sh.at[pl.ds(row0, ROWS_PER_TILE)],
                        c_out.at[cid, 0, pl.ds(row0, ROWS_PER_TILE)])


def _make_sc_agg(with_cnt):
    out_type = [jax.ShapeDtypeStruct((NC, NPAD, D), jnp.float32)]
    if with_cnt:
        out_type.append(jax.ShapeDtypeStruct((NC, 8, NPAD), jnp.float32))
    scratch = [
        pltpu.VMEM_SHARED((NPAD, D), jnp.float32),
    ]
    if with_cnt:
        scratch.append(pltpu.VMEM_SHARED((NPAD,), jnp.float32))
    scratch += [
        pltpu.VMEM((CHUNK,), jnp.int32),
        pltpu.VMEM((CHUNK,), jnp.int32),
        pltpu.VMEM((CHUNK,), jnp.int32),
        pltpu.VMEM((CHUNK,), jnp.int32),
        pltpu.VMEM((CHUNK,), jnp.int32),
        pltpu.VMEM((CHUNK,), jnp.int32),
        pltpu.VMEM((CHUNK, D), jnp.float32),
        pltpu.VMEM((CHUNK, D), jnp.float32),
        pltpu.VMEM((TAIL,), jnp.int32),
        pltpu.VMEM((TAIL,), jnp.int32),
        pltpu.VMEM((TAIL, D), jnp.float32),
    ]
    if with_cnt:
        scratch.append(pltpu.VMEM((CHUNK,), jnp.float32))
        scratch.append(pltpu.VMEM((TAIL,), jnp.float32))
        scratch.append(pltpu.VMEM((ROWS_PER_TILE,), jnp.float32))
    for _ in range(14):
        scratch.append(pltpu.SemaphoreType.DMA)

    return pl.kernel(
        functools.partial(_sc_agg_body, with_cnt),
        mesh=plsc.VectorSubcoreMesh(core_axis_name="c", subcore_axis_name="s"),
        out_type=out_type,
        scratch_types=scratch,
    )


_SC_AGG_CACHE = {}


def _get_sc_agg(with_cnt):
    if with_cnt not in _SC_AGG_CACHE:
        _SC_AGG_CACHE[with_cnt] = _make_sc_agg(with_cnt)
    return _SC_AGG_CACHE[with_cnt]


TC_BLOCK = 1024
NBLK = -(-N_NODES // TC_BLOCK)


def _tc_layer_body(relu, p_ref, c_ref, x_ref, wl_ref, wr_ref, b_ref, o_ref):
    agg = p_ref[0] + p_ref[1]
    cnt = (c_ref[0, 0, :] + c_ref[1, 0, :])[:, None]
    inv = 1.0 / jnp.maximum(cnt, 1.0)
    dn = (((1,), (1,)), ((), ()))
    acc = lax.dot_general(agg * inv, wl_ref[...], dn,
                          preferred_element_type=jnp.float32)
    acc += lax.dot_general(x_ref[...], wr_ref[...], dn,
                           preferred_element_type=jnp.float32)
    acc += b_ref[...]
    if relu:
        acc = jnp.maximum(acc, 0.0)
    o_ref[...] = acc


def _tc_layer(p, c3, x, wl, wr, b, relu):
    return pl.pallas_call(
        functools.partial(_tc_layer_body, relu),
        grid=(NBLK,),
        in_specs=[
            pl.BlockSpec((NC, TC_BLOCK, D), lambda i: (0, i, 0)),
            pl.BlockSpec((NC, 8, TC_BLOCK), lambda i: (0, 0, i)),
            pl.BlockSpec((TC_BLOCK, D), lambda i: (i, 0)),
            pl.BlockSpec((D, D), lambda i: (0, 0)),
            pl.BlockSpec((D, D), lambda i: (0, 0)),
            pl.BlockSpec((1, D), lambda i: (0, 0)),
        ],
        out_specs=pl.BlockSpec((TC_BLOCK, D), lambda i: (i, 0)),
        out_shape=jax.ShapeDtypeStruct((N_NODES, D), jnp.float32),
    )(p, c3, x, wl, wr, b.reshape(1, D))


def kernel(x, edge_index, Wl1, Wr1, b1, Wl2, Wr2, b2):
    src = edge_index[0].astype(jnp.int32)
    dst = edge_index[1].astype(jnp.int32)
    p1, craw = _get_sc_agg(True)(x, src, dst)
    h = _tc_layer(p1, craw, x, Wl1, Wr1, b1, relu=True)
    (p2,) = _get_sc_agg(False)(h, src, dst)
    out = _tc_layer(p2, craw, h, Wl2, Wr2, b2, relu=False)
    return out

# --- scband reference (transcript-rebuilt; emitter-appended) ---
"""Pipeline reference for scband-sagenet-38697655336972 (READ-ONLY COPY).

The authoritative reference and input builder live on the scoring server;
editing this copy changes nothing except your own understanding.
"""

import jax, jax.numpy as jnp
import numpy as np

N_NODES = 10000
N_EDGES = 320000
D_IN = 128
D_HID = 128
D_OUT = 128

def setup_inputs(seed: int = 0) -> dict:
    key = jax.random.key(seed)
    ks = jax.random.split(key, 8)
    x = jax.random.normal(ks[0], (N_NODES, D_IN), dtype=jnp.float32)
    edge_index = jax.random.randint(ks[1], (2, N_EDGES), 0, N_NODES, dtype=jnp.int64)
    s1 = 1.0 / np.sqrt(D_IN)
    s2 = 1.0 / np.sqrt(D_HID)
    Wl1 = jax.random.uniform(ks[2], (D_HID, D_IN), jnp.float32, -s1, s1)
    Wr1 = jax.random.uniform(ks[3], (D_HID, D_IN), jnp.float32, -s1, s1)
    b1 = jnp.zeros((D_HID,), jnp.float32)
    Wl2 = jax.random.uniform(ks[4], (D_OUT, D_HID), jnp.float32, -s2, s2)
    Wr2 = jax.random.uniform(ks[5], (D_OUT, D_HID), jnp.float32, -s2, s2)
    b2 = jnp.zeros((D_OUT,), jnp.float32)
    return {"x": x, "edge_index": edge_index, "Wl1": Wl1, "Wr1": Wr1, "b1": b1, "Wl2": Wl2, "Wr2": Wr2, "b2": b2}

def _sage_conv(x, edge_index, Wl, Wr, b):
    # PyG SAGEConv with mean aggregation:
    # out = lin_l(mean_{j in N(i)} x_j) + lin_r(x_i) + bias
    src = edge_index[0]
    dst = edge_index[1]
    n = x.shape[0]
    msg = jnp.take(x, src, axis=0)                      # gather: [E, d]
    agg = jax.ops.segment_sum(msg, dst, num_segments=n) # scatter-add: [N, d]
    cnt = jax.ops.segment_sum(jnp.ones((src.shape[0],), x.dtype), dst, num_segments=n)
    agg = agg / jnp.clip(cnt, 1.0, None)[:, None]       # mean
    return agg @ Wl.T + x @ Wr.T + b

def reference(x, edge_index, Wl1, Wr1, b1, Wl2, Wr2, b2):
    h = jax.nn.relu(_sage_conv(x, edge_index, Wl1, Wr1, b1))
    # dropout with p=0 (and eval mode) is identity
    out = _sage_conv(h, edge_index, Wl2, Wr2, b2)
    return out

if __name__ == "__main__":
    import jax
    _d = setup_inputs()
    print(jax.jit(kernel)(*tuple(_d.values())))

</pallas_src>

<mosaic_0001>
#map = affine_map<(d0, d1) -> (0, 0)>
#map1 = affine_map<(d0, d1) -> (0)>
#map2 = affine_map<(d0, d1) -> (0, 0, 0)>
module attributes {stable_mosaic.version = 14 : i64} {
  func.func @_sc_agg_body(%arg0: i32, %arg1: i32, %arg2: memref<10000x128xf32, #tpu.memory_space<hbm>>, %arg3: memref<320000xi32, #tpu.memory_space<hbm>>, %arg4: memref<320000xi32, #tpu.memory_space<hbm>>, %arg5: memref<2x10240x128xf32, #tpu.memory_space<hbm>>, %arg6: memref<2x8x10240xf32, #tpu.memory_space<hbm>>, %arg7: memref<10240x128xf32, #tpu.memory_space<vmem_shared>>, %arg8: memref<10240xf32, #tpu.memory_space<vmem_shared>>, %arg9: memref<128xi32, #tpu.memory_space<vmem>>, %arg10: memref<128xi32, #tpu.memory_space<vmem>>, %arg11: memref<128xi32, #tpu.memory_space<vmem>>, %arg12: memref<128xi32, #tpu.memory_space<vmem>>, %arg13: memref<128xi32, #tpu.memory_space<vmem>>, %arg14: memref<128xi32, #tpu.memory_space<vmem>>, %arg15: memref<128x128xf32, #tpu.memory_space<vmem>>, %arg16: memref<128x128xf32, #tpu.memory_space<vmem>>, %arg17: memref<16xi32, #tpu.memory_space<vmem>>, %arg18: memref<16xi32, #tpu.memory_space<vmem>>, %arg19: memref<16x128xf32, #tpu.memory_space<vmem>>, %arg20: memref<128xf32, #tpu.memory_space<vmem>>, %arg21: memref<16xf32, #tpu.memory_space<vmem>>, %arg22: memref<640xf32, #tpu.memory_space<vmem>>, %arg23: memref<!tpu.dma_semaphore, #tpu.memory_space<semaphore_mem>>, %arg24: memref<!tpu.dma_semaphore, #tpu.memory_space<semaphore_mem>>, %arg25: memref<!tpu.dma_semaphore, #tpu.memory_space<semaphore_mem>>, %arg26: memref<!tpu.dma_semaphore, #tpu.memory_space<semaphore_mem>>, %arg27: memref<!tpu.dma_semaphore, #tpu.memory_space<semaphore_mem>>, %arg28: memref<!tpu.dma_semaphore, #tpu.memory_space<semaphore_mem>>, %arg29: memref<!tpu.dma_semaphore, #tpu.memory_space<semaphore_mem>>, %arg30: memref<!tpu.dma_semaphore, #tpu.memory_space<semaphore_mem>>, %arg31: memref<!tpu.dma_semaphore, #tpu.memory_space<semaphore_mem>>, %arg32: memref<!tpu.dma_semaphore, #tpu.memory_space<semaphore_mem>>, %arg33: memref<!tpu.dma_semaphore, #tpu.memory_space<semaphore_mem>>, %arg34: memref<!tpu.dma_semaphore, #tpu.memory_space<semaphore_mem>>, %arg35: memref<!tpu.dma_semaphore, #tpu.memory_space<semaphore_mem>>, %arg36: memref<!tpu.dma_semaphore, #tpu.memory_space<semaphore_mem>>) attributes {dimension_semantics = [#tpu.dimension_semantics<core_parallel>, #tpu.dimension_semantics<subcore_parallel>], iteration_bounds = array<i64: 2, 16>, scalar_prefetch = 0 : i64, scratch_operands = 30 : i64, tpu.core_type = #tpu.core_type<sc_vector_subcore>, window_params = [{transform_indices = #map}, {transform_indices = #map1}, {transform_indices = #map1}, {transform_indices = #map2}, {transform_indices = #map2}]} {
    %mul3A = arith.constant 2 : i32
    %mul3A_0 = arith.muli %arg1, %mul3A : i32
    %add3A = arith.addi %mul3A_0, %arg0 : i32
    %mul3A_1 = arith.constant 10000 : i32
    %mul3A_2 = arith.muli %add3A, %mul3A_1 : i32
    %add3A_3 = arith.constant 9984 : i32
    %add3A_4 = arith.addi %mul3A_2, %add3A_3 : i32
    %dma_start3A = tpu.memref_slice %arg3[%add3A_4] : memref<320000xi32, #tpu.memory_space<hbm>> -> memref<16xi32, #tpu.memory_space<hbm>>
    %dma_start3A_5 = tpu.memref_slice %arg3[%add3A_4] : memref<320000xi32, #tpu.memory_space<hbm>> -> memref<16xi32, #tpu.memory_space<hbm>>
    tpu.enqueue_dma source(%dma_start3A_5 : memref<16xi32, #tpu.memory_space<hbm>>) target(%arg17 : memref<16xi32, #tpu.memory_space<vmem>>) target_semaphore(%arg35 : memref<!tpu.dma_semaphore, #tpu.memory_space<semaphore_mem>>)
    %dma_start3A_6 = tpu.memref_slice %arg4[%add3A_4] : memref<320000xi32, #tpu.memory_space<hbm>> -> memref<16xi32, #tpu.memory_space<hbm>>
    %dma_start3A_7 = tpu.memref_slice %arg4[%add3A_4] : memref<320000xi32, #tpu.memory_space<hbm>> -> memref<16xi32, #tpu.memory_space<hbm>>
    tpu.enqueue_dma source(%dma_start3A_7 : memref<16xi32, #tpu.memory_space<hbm>>) target(%arg18 : memref<16xi32, #tpu.memory_space<vmem>>) target_semaphore(%arg35 : memref<!tpu.dma_semaphore, #tpu.memory_space<semaphore_mem>>)
    %add3A_8 = arith.constant 0 : i32
    %add3A_9 = arith.addi %mul3A_2, %add3A_8 : i32
    %dma_start3A_10 = tpu.memref_slice %arg3[%add3A_9] : memref<320000xi32, #tpu.memory_space<hbm>> -> memref<128xi32, #tpu.memory_space<hbm>>
    %dma_start3A_11 = tpu.memref_slice %arg3[%add3A_9] : memref<320000xi32, #tpu.memory_space<hbm>> -> memref<128xi32, #tpu.memory_space<hbm>>
    tpu.enqueue_dma source(%dma_start3A_11 : memref<128xi32, #tpu.memory_space<hbm>>) target(%arg9 : memref<128xi32, #tpu.memory_space<vmem>>) target_semaphore(%arg25 : memref<!tpu.dma_semaphore, #tpu.memory_space<semaphore_mem>>)
    %add3A_12 = arith.constant 0 : i32
    %add3A_13 = arith.addi %mul3A_2, %add3A_12 : i32
    %dma_start3A_14 = tpu.memref_slice %arg4[%add3A_13] : memref<320000xi32, #tpu.memory_space<hbm>> -> memref<128xi32, #tpu.memory_space<hbm>>
    %dma_start3A_15 = tpu.memref_slice %arg4[%add3A_13] : memref<320000xi32, #tpu.memory_space<hbm>> -> memref<128xi32, #tpu.memory_space<hbm>>
    tpu.enqueue_dma source(%dma_start3A_15 : memref<128xi32, #tpu.memory_space<hbm>>) target(%arg11 : memref<128xi32, #tpu.memory_space<vmem>>) target_semaphore(%arg27 : memref<!tpu.dma_semaphore, #tpu.memory_space<semaphore_mem>>)
    %add3A_16 = arith.constant 128 : i32
    %add3A_17 = arith.addi %mul3A_2, %add3A_16 : i32
    %dma_start3A_18 = tpu.memref_slice %arg3[%add3A_17] : memref<320000xi32, #tpu.memory_space<hbm>> -> memref<128xi32, #tpu.memory_space<hbm>>
    %dma_start3A_19 = tpu.memref_slice %arg3[%add3A_17] : memref<320000xi32, #tpu.memory_space<hbm>> -> memref<128xi32, #tpu.memory_space<hbm>>
    tpu.enqueue_dma source(%dma_start3A_19 : memref<128xi32, #tpu.memory_space<hbm>>) target(%arg10 : memref<128xi32, #tpu.memory_space<vmem>>) target_semaphore(%arg26 : memref<!tpu.dma_semaphore, #tpu.memory_space<semaphore_mem>>)
    %add3A_20 = arith.constant 128 : i32
    %add3A_21 = arith.addi %mul3A_2, %add3A_20 : i32
    %dma_start3A_22 = tpu.memref_slice %arg4[%add3A_21] : memref<320000xi32, #tpu.memory_space<hbm>> -> memref<128xi32, #tpu.memory_space<hbm>>
    %dma_start3A_23 = tpu.memref_slice %arg4[%add3A_21] : memref<320000xi32, #tpu.memory_space<hbm>> -> memref<128xi32, #tpu.memory_space<hbm>>
    tpu.enqueue_dma source(%dma_start3A_23 : memref<128xi32, #tpu.memory_space<hbm>>) target(%arg12 : memref<128xi32, #tpu.memory_space<vmem>>) target_semaphore(%arg28 : memref<!tpu.dma_semaphore, #tpu.memory_space<semaphore_mem>>)
    %scan3A = arith.constant 0 : i32
    %scan3A_24 = arith.constant 0 : i32
    %scan3A_25 = arith.constant 128 : i32
    %scan3A_26 = arith.addi %scan3A_24, %scan3A_25 : i32
    %scan3A_27 = arith.constant 1 : i32
    scf.for %scan3A_293 = %scan3A_24 to %scan3A_26 step %scan3A_27  : i32 {
      %broadcast_in_dim3A_294 = arith.constant 0.000000e+00 : f32
      %broadcast_in_dim3A_295 = vector.broadcast %broadcast_in_dim3A_294 : f32 to vector<16xf32>
      %swap3A_296 = arith.index_cast %scan3A_293 : i32 to index
      %swap3A_297 = arith.constant 0 : index
      %swap3A_298 = tpu.vector_load %arg16[%swap3A_296, %swap3A_297] {strides = array<i32>} : memref<128x128xf32, #tpu.memory_space<vmem>>, vector<1x16xf32>,
      %swap3A_299 = vector.shape_cast %swap3A_298 : vector<1x16xf32> to vector<16xf32>
      %swap3A_300 = vector.shape_cast %broadcast_in_dim3A_295 : vector<16xf32> to vector<1x16xf32>
      tpu.vector_store %arg16[%swap3A_296, %swap3A_297], %swap3A_300 {strides = array<i32>} : memref<128x128xf32, #tpu.memory_space<vmem>>, vector<1x16xf32>,
      %broadcast_in_dim3A_301 = arith.constant 0.000000e+00 : f32
      %broadcast_in_dim3A_302 = vector.broadcast %broadcast_in_dim3A_301 : f32 to vector<16xf32>
      %swap3A_303 = arith.index_cast %scan3A_293 : i32 to index
      %swap3A_304 = arith.constant 16 : index
      %swap3A_305 = tpu.vector_load %arg16[%swap3A_303, %swap3A_304] {strides = array<i32>} : memref<128x128xf32, #tpu.memory_space<vmem>>, vector<1x16xf32>,
      %swap3A_306 = vector.shape_cast %swap3A_305 : vector<1x16xf32> to vector<16xf32>
      %swap3A_307 = vector.shape_cast %broadcast_in_dim3A_302 : vector<16xf32> to vector<1x16xf32>
      tpu.vector_store %arg16[%swap3A_303, %swap3A_304], %swap3A_307 {strides = array<i32>} : memref<128x128xf32, #tpu.memory_space<vmem>>, vector<1x16xf32>,
      %broadcast_in_dim3A_308 = arith.constant 0.000000e+00 : f32
      %broadcast_in_dim3A_309 = vector.broadcast %broadcast_in_dim3A_308 : f32 to vector<16xf32>
      %swap3A_310 = arith.index_cast %scan3A_293 : i32 to index
      %swap3A_311 = arith.constant 32 : index
      %swap3A_312 = tpu.vector_load %arg16[%swap3A_310, %swap3A_311] {strides = array<i32>} : memref<128x128xf32, #tpu.memory_space<vmem>>, vector<1x16xf32>,
      %swap3A_313 = vector.shape_cast %swap3A_312 : vector<1x16xf32> to vector<16xf32>
      %swap3A_314 = vector.shape_cast %broadcast_in_dim3A_309 : vector<16xf32> to vector<1x16xf32>
      tpu.vector_store %arg16[%swap3A_310, %swap3A_311], %swap3A_314 {strides = array<i32>} : memref<128x128xf32, #tpu.memory_space<vmem>>, vector<1x16xf32>,
      %broadcast_in_dim3A_315 = arith.constant 0.000000e+00 : f32
      %broadcast_in_dim3A_316 = vector.broadcast %broadcast_in_dim3A_315 : f32 to vector<16xf32>
      %swap3A_317 = arith.index_cast %scan3A_293 : i32 to index
      %swap3A_318 = arith.constant 48 : index
      %swap3A_319 = tpu.vector_load %arg16[%swap3A_317, %swap3A_318] {strides = array<i32>} : memref<128x128xf32, #tpu.memory_space<vmem>>, vector<1x16xf32>,
      %swap3A_320 = vector.shape_cast %swap3A_319 : vector<1x16xf32> to vector<16xf32>
      %swap3A_321 = vector.shape_cast %broadcast_in_dim3A_316 : vector<16xf32> to vector<1x16xf32>
      tpu.vector_store %arg16[%swap3A_317, %swap3A_318], %swap3A_321 {strides = array<i32>} : memref<128x128xf32, #tpu.memory_space<vmem>>, vector<1x16xf32>,
      %broadcast_in_dim3A_322 = arith.constant 0.000000e+00 : f32
      %broadcast_in_dim3A_323 = vector.broadcast %broadcast_in_dim3A_322 : f32 to vector<16xf32>
      %swap3A_324 = arith.index_cast %scan3A_293 : i32 to index
      %swap3A_325 = arith.constant 64 : index
      %swap3A_326 = tpu.vector_load %arg16[%swap3A_324, %swap3A_325] {strides = array<i32>} : memref<128x128xf32, #tpu.memory_space<vmem>>, vector<1x16xf32>,
      %swap3A_327 = vector.shape_cast %swap3A_326 : vector<1x16xf32> to vector<16xf32>
      %swap3A_328 = vector.shape_cast %broadcast_in_dim3A_323 : vector<16xf32> to vector<1x16xf32>
      tpu.vector_store %arg16[%swap3A_324, %swap3A_325], %swap3A_328 {strides = array<i32>} : memref<128x128xf32, #tpu.memory_space<vmem>>, vector<1x16xf32>,
      %broadcast_in_dim3A_329 = arith.constant 0.000000e+00 : f32
      %broadcast_in_dim3A_330 = vector.broadcast %broadcast_in_dim3A_329 : f32 to vector<16xf32>
      %swap3A_331 = arith.index_cast %scan3A_293 : i32 to index
      %swap3A_332 = arith.constant 80 : index
      %swap3A_333 = tpu.vector_load %arg16[%swap3A_331, %swap3A_332] {strides = array<i32>} : memref<128x128xf32, #tpu.memory_space<vmem>>, vector<1x16xf32>,
      %swap3A_334 = vector.shape_cast %swap3A_333 : vector<1x16xf32> to vector<16xf32>
      %swap3A_335 = vector.shape_cast %broadcast_in_dim3A_330 : vector<16xf32> to vector<1x16xf32>
      tpu.vector_store %arg16[%swap3A_331, %swap3A_332], %swap3A_335 {strides = array<i32>} : memref<128x128xf32, #tpu.memory_space<vmem>>, vector<1x16xf32>,
      %broadcast_in_dim3A_336 = arith.constant 0.000000e+00 : f32
      %broadcast_in_dim3A_337 = vector.broadcast %broadcast_in_dim3A_336 : f32 to vector<16xf32>
      %swap3A_338 = arith.index_cast %scan3A_293 : i32 to index
      %swap3A_339 = arith.constant 96 : index
      %swap3A_340 = tpu.vector_load %arg16[%swap3A_338, %swap3A_339] {strides = array<i32>} : memref<128x128xf32, #tpu.memory_space<vmem>>, vector<1x16xf32>,
      %swap3A_341 = vector.shape_cast %swap3A_340 : vector<1x16xf32> to vector<16xf32>
      %swap3A_342 = vector.shape_cast %broadcast_in_dim3A_337 : vector<16xf32> to vector<1x16xf32>
      tpu.vector_store %arg16[%swap3A_338, %swap3A_339], %swap3A_342 {strides = array<i32>} : memref<128x128xf32, #tpu.memory_space<vmem>>, vector<1x16xf32>,
      %broadcast_in_dim3A_343 = arith.constant 0.000000e+00 : f32
      %broadcast_in_dim3A_344 = vector.broadcast %broadcast_in_dim3A_343 : f32 to vector<16xf32>
      %swap3A_345 = arith.index_cast %scan3A_293 : i32 to index
      %swap3A_346 = arith.constant 112 : index
      %swap3A_347 = tpu.vector_load %arg16[%swap3A_345, %swap3A_346] {strides = array<i32>} : memref<128x128xf32, #tpu.memory_space<vmem>>, vector<1x16xf32>,
      %swap3A_348 = vector.shape_cast %swap3A_347 : vector<1x16xf32> to vector<16xf32>
      %swap3A_349 = vector.shape_cast %broadcast_in_dim3A_344 : vector<16xf32> to vector<1x16xf32>
      tpu.vector_store %arg16[%swap3A_345, %swap3A_346], %swap3A_349 {strides = array<i32>} : memref<128x128xf32, #tpu.memory_space<vmem>>, vector<1x16xf32>,
    }
    %scan3A_28 = arith.constant 128 : i32
    %scan3A_29 = arith.constant 0 : i32
    %scan3A_30 = arith.constant 0 : i32
    %scan3A_31 = arith.constant 40 : i32
    %scan3A_32 = arith.addi %scan3A_30, %scan3A_31 : i32
    %scan3A_33 = arith.constant 1 : i32
    scf.for %scan3A_293 = %scan3A_30 to %scan3A_32 step %scan3A_33  : i32 {
      %broadcast_in_dim3A_294 = arith.constant 0.000000e+00 : f32
      %broadcast_in_dim3A_295 = vector.broadcast %broadcast_in_dim3A_294 : f32 to vector<16xf32>
      %mul3A_296 = arith.constant 16 : i32
      %mul3A_297 = arith.muli %scan3A_293, %mul3A_296 : i32
      %swap3A_298 = arith.index_cast %mul3A_297 : i32 to index
      %swap3A_299 = tpu.vector_load %arg22[%swap3A_298] {strides = array<i32>} : memref<640xf32, #tpu.memory_space<vmem>>, vector<16xf32>,
      %swap3A_300 = vector.shape_cast %swap3A_299 : vector<16xf32> to vector<16xf32>
      %swap3A_301 = vector.shape_cast %broadcast_in_dim3A_295 : vector<16xf32> to vector<16xf32>
      tpu.vector_store %arg22[%swap3A_298], %swap3A_301 {strides = array<i32>} : memref<640xf32, #tpu.memory_space<vmem>>, vector<16xf32>,
    }
    %scan3A_34 = arith.constant 40 : i32
    %scan3A_35 = arith.constant 0 : i32
    %scan3A_36 = arith.constant 0 : i32
    %scan3A_37 = arith.constant 8 : i32
    %scan3A_38 = arith.addi %scan3A_36, %scan3A_37 : i32
    %scan3A_39 = arith.constant 1 : i32
    scf.for %scan3A_293 = %scan3A_36 to %scan3A_38 step %scan3A_39  : i32 {
      %broadcast_in_dim3A_294 = arith.constant 1.000000e+00 : f32
      %broadcast_in_dim3A_295 = vector.broadcast %broadcast_in_dim3A_294 : f32 to vector<16xf32>
      %mul3A_296 = arith.constant 16 : i32
      %mul3A_297 = arith.muli %scan3A_293, %mul3A_296 : i32
      %swap3A_298 = arith.index_cast %mul3A_297 : i32 to index
      %swap3A_299 = tpu.vector_load %arg20[%swap3A_298] {strides = array<i32>} : memref<128xf32, #tpu.memory_space<vmem>>, vector<16xf32>,
      %swap3A_300 = vector.shape_cast %swap3A_299 : vector<16xf32> to vector<16xf32>
      %swap3A_301 = vector.shape_cast %broadcast_in_dim3A_295 : vector<16xf32> to vector<16xf32>
      tpu.vector_store %arg20[%swap3A_298], %swap3A_301 {strides = array<i32>} : memref<128xf32, #tpu.memory_space<vmem>>, vector<16xf32>,
    }
    %scan3A_40 = arith.constant 8 : i32
    %broadcast_in_dim3A = arith.constant 1.000000e+00 : f32
    %broadcast_in_dim3A_41 = vector.broadcast %broadcast_in_dim3A : f32 to vector<16xf32>
    %swap3A = arith.constant 0 : index
    %swap3A_42 = tpu.vector_load %arg21[%swap3A] {strides = array<i32>} : memref<16xf32, #tpu.memory_space<vmem>>, vector<16xf32>,
    %swap3A_43 = vector.shape_cast %swap3A_42 : vector<16xf32> to vector<16xf32>
    %swap3A_44 = vector.shape_cast %broadcast_in_dim3A_41 : vector<16xf32> to vector<16xf32>
    tpu.vector_store %arg21[%swap3A], %swap3A_44 {strides = array<i32>} : memref<16xf32, #tpu.memory_space<vmem>>, vector<16xf32>,
    %mul3A_45 = arith.constant 640 : i32
    %mul3A_46 = arith.muli %arg1, %mul3A_45 : i32
    %add3A_47 = arith.constant 0 : i32
    %add3A_48 = arith.addi %mul3A_46, %add3A_47 : i32
    %dma_start3A_49 = arith.constant 0 : i32
    %dma_start3A_50 = tpu.memref_slice %arg7[%add3A_48, %dma_start3A_49] : memref<10240x128xf32, #tpu.memory_space<vmem_shared>> -> memref<128x128xf32, #tpu.memory_space<vmem_shared>>
    %dma_start3A_51 = arith.constant 0 : i32
    %dma_start3A_52 = tpu.memref_slice %arg7[%add3A_48, %dma_start3A_51] : memref<10240x128xf32, #tpu.memory_space<vmem_shared>> -> memref<128x128xf32, #tpu.memory_space<vmem_shared>>
    tpu.enqueue_dma source(%arg16 : memref<128x128xf32, #tpu.memory_space<vmem>>) target(%dma_start3A_52 : memref<128x128xf32, #tpu.memory_space<vmem_shared>>) target_semaphore(%arg36 : memref<!tpu.dma_semaphore, #tpu.memory_space<semaphore_mem>>)
    %add3A_53 = arith.constant 128 : i32
    %add3A_54 = arith.addi %mul3A_46, %add3A_53 : i32
    %dma_start3A_55 = arith.constant 0 : i32
    %dma_start3A_56 = tpu.memref_slice %arg7[%add3A_54, %dma_start3A_55] : memref<10240x128xf32, #tpu.memory_space<vmem_shared>> -> memref<128x128xf32, #tpu.memory_space<vmem_shared>>
    %dma_start3A_57 = arith.constant 0 : i32
    %dma_start3A_58 = tpu.memref_slice %arg7[%add3A_54, %dma_start3A_57] : memref<10240x128xf32, #tpu.memory_space<vmem_shared>> -> memref<128x128xf32, #tpu.memory_space<vmem_shared>>
    tpu.enqueue_dma source(%arg16 : memref<128x128xf32, #tpu.memory_space<vmem>>) target(%dma_start3A_58 : memref<128x128xf32, #tpu.memory_space<vmem_shared>>) target_semaphore(%arg36 : memref<!tpu.dma_semaphore, #tpu.memory_space<semaphore_mem>>)
    %add3A_59 = arith.constant 256 : i32
    %add3A_60 = arith.addi %mul3A_46, %add3A_59 : i32
    %dma_start3A_61 = arith.constant 0 : i32
    %dma_start3A_62 = tpu.memref_slice %arg7[%add3A_60, %dma_start3A_61] : memref<10240x128xf32, #tpu.memory_space<vmem_shared>> -> memref<128x128xf32, #tpu.memory_space<vmem_shared>>
    %dma_start3A_63 = arith.constant 0 : i32
    %dma_start3A_64 = tpu.memref_slice %arg7[%add3A_60, %dma_start3A_63] : memref<10240x128xf32, #tpu.memory_space<vmem_shared>> -> memref<128x128xf32, #tpu.memory_space<vmem_shared>>
    tpu.enqueue_dma source(%arg16 : memref<128x128xf32, #tpu.memory_space<vmem>>) target(%dma_start3A_64 : memref<128x128xf32, #tpu.memory_space<vmem_shared>>) target_semaphore(%arg36 : memref<!tpu.dma_semaphore, #tpu.memory_space<semaphore_mem>>)
    %add3A_65 = arith.constant 384 : i32
    %add3A_66 = arith.addi %mul3A_46, %add3A_65 : i32
    %dma_start3A_67 = arith.constant 0 : i32
    %dma_start3A_68 = tpu.memref_slice %arg7[%add3A_66, %dma_start3A_67] : memref<10240x128xf32, #tpu.memory_space<vmem_shared>> -> memref<128x128xf32, #tpu.memory_space<vmem_shared>>
    %dma_start3A_69 = arith.constant 0 : i32
    %dma_start3A_70 = tpu.memref_slice %arg7[%add3A_66, %dma_start3A_69] : memref<10240x128xf32, #tpu.memory_space<vmem_shared>> -> memref<128x128xf32, #tpu.memory_space<vmem_shared>>
    tpu.enqueue_dma source(%arg16 : memref<128x128xf32, #tpu.memory_space<vmem>>) target(%dma_start3A_70 : memref<128x128xf32, #tpu.memory_space<vmem_shared>>) target_semaphore(%arg36 : memref<!tpu.dma_semaphore, #tpu.memory_space<semaphore_mem>>)
    %add3A_71 = arith.constant 512 : i32
    %add3A_72 = arith.addi %mul3A_46, %add3A_71 : i32
    %dma_start3A_73 = arith.constant 0 : i32
    %dma_start3A_74 = tpu.memref_slice %arg7[%add3A_72, %dma_start3A_73] : memref<10240x128xf32, #tpu.memory_space<vmem_shared>> -> memref<128x128xf32, #tpu.memory_space<vmem_shared>>
    %dma_start3A_75 = arith.constant 0 : i32
    %dma_start3A_76 = tpu.memref_slice %arg7[%add3A_72, %dma_start3A_75] : memref<10240x128xf32, #tpu.memory_space<vmem_shared>> -> memref<128x128xf32, #tpu.memory_space<vmem_shared>>
    tpu.enqueue_dma source(%arg16 : memref<128x128xf32, #tpu.memory_space<vmem>>) target(%dma_start3A_76 : memref<128x128xf32, #tpu.memory_space<vmem_shared>>) target_semaphore(%arg36 : memref<!tpu.dma_semaphore, #tpu.memory_space<semaphore_mem>>)
    %dma_start3A_77 = tpu.memref_slice %arg8[%mul3A_46] : memref<10240xf32, #tpu.memory_space<vmem_shared>> -> memref<640xf32, #tpu.memory_space<vmem_shared>>
    %dma_start3A_78 = tpu.memref_slice %arg8[%mul3A_46] : memref<10240xf32, #tpu.memory_space<vmem_shared>> -> memref<640xf32, #tpu.memory_space<vmem_shared>>
    tpu.enqueue_dma source(%arg22 : memref<640xf32, #tpu.memory_space<vmem>>) target(%dma_start3A_78 : memref<640xf32, #tpu.memory_space<vmem_shared>>) target_semaphore(%arg36 : memref<!tpu.dma_semaphore, #tpu.memory_space<semaphore_mem>>)
    %add3A_79 = arith.constant 0 : i32
    %add3A_80 = arith.addi %mul3A_2, %add3A_79 : i32
    %dma_wait3A = tpu.memref_slice %arg3[%add3A_80] : memref<320000xi32, #tpu.memory_space<hbm>> -> memref<128xi32, #tpu.memory_space<hbm>>
    %dma_wait3A_81 = tpu.memref_slice %arg3[%add3A_80] : memref<320000xi32, #tpu.memory_space<hbm>> -> memref<128xi32, #tpu.memory_space<hbm>>
    tpu.wait_dma2 semaphore(%arg25 : memref<!tpu.dma_semaphore, #tpu.memory_space<semaphore_mem>>) src(%dma_wait3A_81 : memref<128xi32, #tpu.memory_space<hbm>>) dst(%arg9 : memref<128xi32, #tpu.memory_space<vmem>>)
    %add3A_82 = arith.constant 0 : i32
    %add3A_83 = arith.addi %mul3A_2, %add3A_82 : i32
    %dma_wait3A_84 = tpu.memref_slice %arg4[%add3A_83] : memref<320000xi32, #tpu.memory_space<hbm>> -> memref<128xi32, #tpu.memory_space<hbm>>
    %dma_wait3A_85 = tpu.memref_slice %arg4[%add3A_83] : memref<320000xi32, #tpu.memory_space<hbm>> -> memref<128xi32, #tpu.memory_space<hbm>>
    tpu.wait_dma2 semaphore(%arg27 : memref<!tpu.dma_semaphore, #tpu.memory_space<semaphore_mem>>) src(%dma_wait3A_85 : memref<128xi32, #tpu.memory_space<hbm>>) dst(%arg11 : memref<128xi32, #tpu.memory_space<vmem>>)
    %dma_start3A_86 = arith.constant 0 : i32
    %dma_start3A_87 = arith.constant 0 : i32
    %dma_start3A_88 = tpu.memref_slice %arg2[%dma_start3A_86, %dma_start3A_87] : memref<10000x128xf32, #tpu.memory_space<hbm>> -> memref<10000x128xf32, #tpu.memory_space<hbm>>
    tpu.enqueue_indirect_dma source(%dma_start3A_88 : memref<10000x128xf32, #tpu.memory_space<hbm>>) target(%arg15 : memref<128x128xf32, #tpu.memory_space<vmem>>) offsets(%arg9 : memref<128xi32, #tpu.memory_space<vmem>>) semaphore(%arg23 : memref<!tpu.dma_semaphore, #tpu.memory_space<semaphore_mem>>)
    %dma_wait3A_89 = tpu.memref_slice %arg3[%add3A_4] : memref<320000xi32, #tpu.memory_space<hbm>> -> memref<16xi32, #tpu.memory_space<hbm>>
    %dma_wait3A_90 = tpu.memref_slice %arg3[%add3A_4] : memref<320000xi32, #tpu.memory_space<hbm>> -> memref<16xi32, #tpu.memory_space<hbm>>
    tpu.wait_dma2 semaphore(%arg35 : memref<!tpu.dma_semaphore, #tpu.memory_space<semaphore_mem>>) src(%dma_wait3A_90 : memref<16xi32, #tpu.memory_space<hbm>>) dst(%arg17 : memref<16xi32, #tpu.memory_space<vmem>>)
    %dma_wait3A_91 = tpu.memref_slice %arg4[%add3A_4] : memref<320000xi32, #tpu.memory_space<hbm>> -> memref<16xi32, #tpu.memory_space<hbm>>
    %dma_wait3A_92 = tpu.memref_slice %arg4[%add3A_4] : memref<320000xi32, #tpu.memory_space<hbm>> -> memref<16xi32, #tpu.memory_space<hbm>>
    tpu.wait_dma2 semaphore(%arg35 : memref<!tpu.dma_semaphore, #tpu.memory_space<semaphore_mem>>) src(%dma_wait3A_92 : memref<16xi32, #tpu.memory_space<hbm>>) dst(%arg18 : memref<16xi32, #tpu.memory_space<vmem>>)
    %dma_start3A_93 = arith.constant 0 : i32
    %dma_start3A_94 = arith.constant 0 : i32
    %dma_start3A_95 = tpu.memref_slice %arg2[%dma_start3A_93, %dma_start3A_94] : memref<10000x128xf32, #tpu.memory_space<hbm>> -> memref<10000x128xf32, #tpu.memory_space<hbm>>
    tpu.enqueue_indirect_dma source(%dma_start3A_95 : memref<10000x128xf32, #tpu.memory_space<hbm>>) target(%arg19 : memref<16x128xf32, #tpu.memory_space<vmem>>) offsets(%arg17 : memref<16xi32, #tpu.memory_space<vmem>>) semaphore(%arg35 : memref<!tpu.dma_semaphore, #tpu.memory_space<semaphore_mem>>)
    %dma_wait3A_96 = arith.constant 0 : i32
    %dma_wait3A_97 = tpu.memref_slice %arg7[%add3A_48, %dma_wait3A_96] : memref<10240x128xf32, #tpu.memory_space<vmem_shared>> -> memref<128x128xf32, #tpu.memory_space<vmem_shared>>
    %dma_wait3A_98 = arith.constant 0 : i32
    %dma_wait3A_99 = tpu.memref_slice %arg7[%add3A_48, %dma_wait3A_98] : memref<10240x128xf32, #tpu.memory_space<vmem_shared>> -> memref<128x128xf32, #tpu.memory_space<vmem_shared>>
    tpu.wait_dma2 semaphore(%arg36 : memref<!tpu.dma_semaphore, #tpu.memory_space<semaphore_mem>>) src(%arg16 : memref<128x128xf32, #tpu.memory_space<vmem>>) dst(%dma_wait3A_99 : memref<128x128xf32, #tpu.memory_space<vmem_shared>>)
    %dma_wait3A_100 = arith.constant 0 : i32
    %dma_wait3A_101 = tpu.memref_slice %arg7[%add3A_54, %dma_wait3A_100] : memref<10240x128xf32, #tpu.memory_space<vmem_shared>> -> memref<128x128xf32, #tpu.memory_space<vmem_shared>>
    %dma_wait3A_102 = arith.constant 0 : i32
    %dma_wait3A_103 = tpu.memref_slice %arg7[%add3A_54, %dma_wait3A_102] : memref<10240x128xf32, #tpu.memory_space<vmem_shared>> -> memref<128x128xf32, #tpu.memory_space<vmem_shared>>
    tpu.wait_dma2 semaphore(%arg36 : memref<!tpu.dma_semaphore, #tpu.memory_space<semaphore_mem>>) src(%arg16 : memref<128x128xf32, #tpu.memory_space<vmem>>) dst(%dma_wait3A_103 : memref<128x128xf32, #tpu.memory_space<vmem_shared>>)
    %dma_wait3A_104 = arith.constant 0 : i32
    %dma_wait3A_105 = tpu.memref_slice %arg7[%add3A_60, %dma_wait3A_104] : memref<10240x128xf32, #tpu.memory_space<vmem_shared>> -> memref<128x128xf32, #tpu.memory_space<vmem_shared>>
    %dma_wait3A_106 = arith.constant 0 : i32
    %dma_wait3A_107 = tpu.memref_slice %arg7[%add3A_60, %dma_wait3A_106] : memref<10240x128xf32, #tpu.memory_space<vmem_shared>> -> memref<128x128xf32, #tpu.memory_space<vmem_shared>>
    tpu.wait_dma2 semaphore(%arg36 : memref<!tpu.dma_semaphore, #tpu.memory_space<semaphore_mem>>) src(%arg16 : memref<128x128xf32, #tpu.memory_space<vmem>>) dst(%dma_wait3A_107 : memref<128x128xf32, #tpu.memory_space<vmem_shared>>)
    %dma_wait3A_108 = arith.constant 0 : i32
    %dma_wait3A_109 = tpu.memref_slice %arg7[%add3A_66, %dma_wait3A_108] : memref<10240x128xf32, #tpu.memory_space<vmem_shared>> -> memref<128x128xf32, #tpu.memory_space<vmem_shared>>
    %dma_wait3A_110 = arith.constant 0 : i32
    %dma_wait3A_111 = tpu.memref_slice %arg7[%add3A_66, %dma_wait3A_110] : memref<10240x128xf32, #tpu.memory_space<vmem_shared>> -> memref<128x128xf32, #tpu.memory_space<vmem_shared>>
    tpu.wait_dma2 semaphore(%arg36 : memref<!tpu.dma_semaphore, #tpu.memory_space<semaphore_mem>>) src(%arg16 : memref<128x128xf32, #tpu.memory_space<vmem>>) dst(%dma_wait3A_111 : memref<128x128xf32, #tpu.memory_space<vmem_shared>>)
    %dma_wait3A_112 = arith.constant 0 : i32
    %dma_wait3A_113 = tpu.memref_slice %arg7[%add3A_72, %dma_wait3A_112] : memref<10240x128xf32, #tpu.memory_space<vmem_shared>> -> memref<128x128xf32, #tpu.memory_space<vmem_shared>>
    %dma_wait3A_114 = arith.constant 0 : i32
    %dma_wait3A_115 = tpu.memref_slice %arg7[%add3A_72, %dma_wait3A_114] : memref<10240x128xf32, #tpu.memory_space<vmem_shared>> -> memref<128x128xf32, #tpu.memory_space<vmem_shared>>
    tpu.wait_dma2 semaphore(%arg36 : memref<!tpu.dma_semaphore, #tpu.memory_space<semaphore_mem>>) src(%arg16 : memref<128x128xf32, #tpu.memory_space<vmem>>) dst(%dma_wait3A_115 : memref<128x128xf32, #tpu.memory_space<vmem_shared>>)
    %dma_wait3A_116 = tpu.memref_slice %arg8[%mul3A_46] : memref<10240xf32, #tpu.memory_space<vmem_shared>> -> memref<640xf32, #tpu.memory_space<vmem_shared>>
    %dma_wait3A_117 = tpu.memref_slice %arg8[%mul3A_46] : memref<10240xf32, #tpu.memory_space<vmem_shared>> -> memref<640xf32, #tpu.memory_space<vmem_shared>>
    tpu.wait_dma2 semaphore(%arg36 : memref<!tpu.dma_semaphore, #tpu.memory_space<semaphore_mem>>) src(%arg22 : memref<640xf32, #tpu.memory_space<vmem>>) dst(%dma_wait3A_117 : memref<640xf32, #tpu.memory_space<vmem_shared>>)
    %barrier3A = arith.constant 0 : index
    tpu.barrier barrier_id(%barrier3A)
    %add3A_118 = arith.constant 128 : i32
    %add3A_119 = arith.addi %mul3A_2, %add3A_118 : i32
    %dma_wait3A_120 = tpu.memref_slice %arg3[%add3A_119] : memref<320000xi32, #tpu.memory_space<hbm>> -> memref<128xi32, #tpu.memory_space<hbm>>
    %dma_wait3A_121 = tpu.memref_slice %arg3[%add3A_119] : memref<320000xi32, #tpu.memory_space<hbm>> -> memref<128xi32, #tpu.memory_space<hbm>>
    tpu.wait_dma2 semaphore(%arg26 : memref<!tpu.dma_semaphore, #tpu.memory_space<semaphore_mem>>) src(%dma_wait3A_121 : memref<128xi32, #tpu.memory_space<hbm>>) dst(%arg10 : memref<128xi32, #tpu.memory_space<vmem>>)
    %add3A_122 = arith.constant 128 : i32
    %add3A_123 = arith.addi %mul3A_2, %add3A_122 : i32
    %dma_wait3A_124 = tpu.memref_slice %arg4[%add3A_123] : memref<320000xi32, #tpu.memory_space<hbm>> -> memref<128xi32, #tpu.memory_space<hbm>>
    %dma_wait3A_125 = tpu.memref_slice %arg4[%add3A_123] : memref<320000xi32, #tpu.memory_space<hbm>> -> memref<128xi32, #tpu.memory_space<hbm>>
    tpu.wait_dma2 semaphore(%arg28 : memref<!tpu.dma_semaphore, #tpu.memory_space<semaphore_mem>>) src(%dma_wait3A_125 : memref<128xi32, #tpu.memory_space<hbm>>) dst(%arg12 : memref<128xi32, #tpu.memory_space<vmem>>)
    %dma_start3A_126 = arith.constant 0 : i32
    %dma_start3A_127 = arith.constant 0 : i32
    %dma_start3A_128 = tpu.memref_slice %arg2[%dma_start3A_126, %dma_start3A_127] : memref<10000x128xf32, #tpu.memory_space<hbm>> -> memref<10000x128xf32, #tpu.memory_space<hbm>>
    tpu.enqueue_indirect_dma source(%dma_start3A_128 : memref<10000x128xf32, #tpu.memory_space<hbm>>) target(%arg16 : memref<128x128xf32, #tpu.memory_space<vmem>>) offsets(%arg10 : memref<128xi32, #tpu.memory_space<vmem>>) semaphore(%arg24 : memref<!tpu.dma_semaphore, #tpu.memory_space<semaphore_mem>>)
    %dma_wait3A_129 = arith.constant 0 : i32
    %dma_wait3A_130 = arith.constant 0 : i32
    %dma_wait3A_131 = tpu.memref_slice %arg2[%dma_wait3A_129, %dma_wait3A_130] : memref<10000x128xf32, #tpu.memory_space<hbm>> -> memref<10000x128xf32, #tpu.memory_space<hbm>>
    tpu.wait_indirect_dma semaphore(%arg23 : memref<!tpu.dma_semaphore, #tpu.memory_space<semaphore_mem>>) src(%dma_wait3A_131 : memref<10000x128xf32, #tpu.memory_space<hbm>>) dst(%arg15 : memref<128x128xf32, #tpu.memory_space<vmem>>)
    %add3A_132 = arith.constant 256 : i32
    %add3A_133 = arith.addi %mul3A_2, %add3A_132 : i32
    %dma_start3A_134 = tpu.memref_slice %arg3[%add3A_133] : memref<320000xi32, #tpu.memory_space<hbm>> -> memref<128xi32, #tpu.memory_space<hbm>>
    %dma_start3A_135 = tpu.memref_slice %arg3[%add3A_133] : memref<320000xi32, #tpu.memory_space<hbm>> -> memref<128xi32, #tpu.memory_space<hbm>>
    tpu.enqueue_dma source(%dma_start3A_135 : memref<128xi32, #tpu.memory_space<hbm>>) target(%arg9 : memref<128xi32, #tpu.memory_space<vmem>>) target_semaphore(%arg25 : memref<!tpu.dma_semaphore, #tpu.memory_space<semaphore_mem>>)
    %dma_start3A_136 = arith.constant 0 : i32
    %dma_start3A_137 = arith.constant 0 : i32
    %dma_start3A_138 = tpu.memref_slice %arg7[%dma_start3A_136, %dma_start3A_137] : memref<10240x128xf32, #tpu.memory_space<vmem_shared>> -> memref<10240x128xf32, #tpu.memory_space<vmem_shared>>
    tpu.enqueue_indirect_dma source(%arg15 : memref<128x128xf32, #tpu.memory_space<vmem>>) target(%dma_start3A_138 : memref<10240x128xf32, #tpu.memory_space<vmem_shared>>) offsets(%arg11 : memref<128xi32, #tpu.memory_space<vmem>>) semaphore(%arg31 : memref<!tpu.dma_semaphore, #tpu.memory_space<semaphore_mem>>) {add = true}
    %dma_start3A_139 = arith.constant 0 : i32
    %dma_start3A_140 = tpu.memref_slice %arg8[%dma_start3A_139] : memref<10240xf32, #tpu.memory_space<vmem_shared>> -> memref<10240xf32, #tpu.memory_space<vmem_shared>>
    tpu.enqueue_indirect_dma source(%arg20 : memref<128xf32, #tpu.memory_space<vmem>>) target(%dma_start3A_140 : memref<10240xf32, #tpu.memory_space<vmem_shared>>) offsets(%arg11 : memref<128xi32, #tpu.memory_space<vmem>>) semaphore(%arg31 : memref<!tpu.dma_semaphore, #tpu.memory_space<semaphore_mem>>) {add = true}
    %add3A_141 = arith.constant 256 : i32
    %add3A_142 = arith.addi %mul3A_2, %add3A_141 : i32
    %dma_start3A_143 = tpu.memref_slice %arg4[%add3A_142] : memref<320000xi32, #tpu.memory_space<hbm>> -> memref<128xi32, #tpu.memory_space<hbm>>
    %dma_start3A_144 = tpu.memref_slice %arg4[%add3A_142] : memref<320000xi32, #tpu.memory_space<hbm>> -> memref<128xi32, #tpu.memory_space<hbm>>
    tpu.enqueue_dma source(%dma_start3A_144 : memref<128xi32, #tpu.memory_space<hbm>>) target(%arg13 : memref<128xi32, #tpu.memory_space<vmem>>) target_semaphore(%arg29 : memref<!tpu.dma_semaphore, #tpu.memory_space<semaphore_mem>>)
    %scan3A_145 = arith.constant 0 : i32
    %scan3A_146 = arith.constant 0 : i32
    %scan3A_147 = arith.constant 18 : i32
    %scan3A_148 = arith.addi %scan3A_146, %scan3A_147 : i32
    %scan3A_149 = arith.constant 1 : i32
    scf.for %scan3A_293 = %scan3A_146 to %scan3A_148 step %scan3A_149  : i32 {
      %mul3A_294 = arith.constant 4 : i32
      %mul3A_295 = arith.muli %mul3A_294, %scan3A_293 : i32
      %add3A_296 = arith.constant 1 : i32
      %add3A_297 = arith.addi %mul3A_295, %add3A_296 : i32
      %add3A_298 = arith.constant 0 : i32
      %add3A_299 = arith.addi %add3A_297, %add3A_298 : i32
      %dma_wait3A_300 = arith.constant 0 : i32
      %dma_wait3A_301 = arith.constant 0 : i32
      %dma_wait3A_302 = tpu.memref_slice %arg7[%dma_wait3A_300, %dma_wait3A_301] : memref<10240x128xf32, #tpu.memory_space<vmem_shared>> -> memref<10240x128xf32, #tpu.memory_space<vmem_shared>>
      tpu.wait_indirect_dma semaphore(%arg31 : memref<!tpu.dma_semaphore, #tpu.memory_space<semaphore_mem>>) src(%arg15 : memref<128x128xf32, #tpu.memory_space<vmem>>) dst(%dma_wait3A_302 : memref<10240x128xf32, #tpu.memory_space<vmem_shared>>)
      %dma_wait3A_303 = arith.constant 0 : i32
      %dma_wait3A_304 = tpu.memref_slice %arg8[%dma_wait3A_303] : memref<10240xf32, #tpu.memory_space<vmem_shared>> -> memref<10240xf32, #tpu.memory_space<vmem_shared>>
      tpu.wait_indirect_dma semaphore(%arg31 : memref<!tpu.dma_semaphore, #tpu.memory_space<semaphore_mem>>) src(%arg20 : memref<128xf32, #tpu.memory_space<vmem>>) dst(%dma_wait3A_304 : memref<10240xf32, #tpu.memory_space<vmem_shared>>)
      %add3A_305 = arith.constant 1 : i32
      %add3A_306 = arith.addi %add3A_299, %add3A_305 : i32
      %mul3A_307 = arith.constant 128 : i32
      %mul3A_308 = arith.muli %add3A_306, %mul3A_307 : i32
      %add3A_309 = arith.addi %mul3A_2, %mul3A_308 : i32
      %dma_wait3A_310 = tpu.memref_slice %arg3[%add3A_309] : memref<320000xi32, #tpu.memory_space<hbm>> -> memref<128xi32, #tpu.memory_space<hbm>>
      %dma_wait3A_311 = tpu.memref_slice %arg3[%add3A_309] : memref<320000xi32, #tpu.memory_space<hbm>> -> memref<128xi32, #tpu.memory_space<hbm>>
      tpu.wait_dma2 semaphore(%arg25 : memref<!tpu.dma_semaphore, #tpu.memory_space<semaphore_mem>>) src(%dma_wait3A_311 : memref<128xi32, #tpu.memory_space<hbm>>) dst(%arg9 : memref<128xi32, #tpu.memory_space<vmem>>)
      %add3A_312 = arith.constant 1 : i32
      %add3A_313 = arith.addi %add3A_299, %add3A_312 : i32
      %mul3A_314 = arith.constant 128 : i32
      %mul3A_315 = arith.muli %add3A_313, %mul3A_314 : i32
      %add3A_316 = arith.addi %mul3A_2, %mul3A_315 : i32
      %dma_wait3A_317 = tpu.memref_slice %arg4[%add3A_316] : memref<320000xi32, #tpu.memory_space<hbm>> -> memref<128xi32, #tpu.memory_space<hbm>>
      %dma_wait3A_318 = tpu.memref_slice %arg4[%add3A_316] : memref<320000xi32, #tpu.memory_space<hbm>> -> memref<128xi32, #tpu.memory_space<hbm>>
      tpu.wait_dma2 semaphore(%arg29 : memref<!tpu.dma_semaphore, #tpu.memory_space<semaphore_mem>>) src(%dma_wait3A_318 : memref<128xi32, #tpu.memory_space<hbm>>) dst(%arg13 : memref<128xi32, #tpu.memory_space<vmem>>)
      %dma_start3A_319 = arith.constant 0 : i32
      %dma_start3A_320 = arith.constant 0 : i32
      %dma_start3A_321 = tpu.memref_slice %arg2[%dma_start3A_319, %dma_start3A_320] : memref<10000x128xf32, #tpu.memory_space<hbm>> -> memref<10000x128xf32, #tpu.memory_space<hbm>>
      tpu.enqueue_indirect_dma source(%dma_start3A_321 : memref<10000x128xf32, #tpu.memory_space<hbm>>) target(%arg15 : memref<128x128xf32, #tpu.memory_space<vmem>>) offsets(%arg9 : memref<128xi32, #tpu.memory_space<vmem>>) semaphore(%arg23 : memref<!tpu.dma_semaphore, #tpu.memory_space<semaphore_mem>>)
      %dma_wait3A_322 = arith.constant 0 : i32
      %dma_wait3A_323 = arith.constant 0 : i32
      %dma_wait3A_324 = tpu.memref_slice %arg2[%dma_wait3A_322, %dma_wait3A_323] : memref<10000x128xf32, #tpu.memory_space<hbm>> -> memref<10000x128xf32, #tpu.memory_space<hbm>>
      tpu.wait_indirect_dma semaphore(%arg24 : memref<!tpu.dma_semaphore, #tpu.memory_space<semaphore_mem>>) src(%dma_wait3A_324 : memref<10000x128xf32, #tpu.memory_space<hbm>>) dst(%arg16 : memref<128x128xf32, #tpu.memory_space<vmem>>)
      %add3A_325 = arith.constant 2 : i32
      %add3A_326 = arith.addi %add3A_299, %add3A_325 : i32
      %mul3A_327 = arith.constant 128 : i32
      %mul3A_328 = arith.muli %add3A_326, %mul3A_327 : i32
      %add3A_329 = arith.addi %mul3A_2, %mul3A_328 : i32
      %dma_start3A_330 = tpu.memref_slice %arg3[%add3A_329] : memref<320000xi32, #tpu.memory_space<hbm>> -> memref<128xi32, #tpu.memory_space<hbm>>
      %dma_start3A_331 = tpu.memref_slice %arg3[%add3A_329] : memref<320000xi32, #tpu.memory_space<hbm>> -> memref<128xi32, #tpu.memory_space<hbm>>
      tpu.enqueue_dma source(%dma_start3A_331 : memref<128xi32, #tpu.memory_space<hbm>>) target(%arg10 : memref<128xi32, #tpu.memory_space<vmem>>) target_semaphore(%arg26 : memref<!tpu.dma_semaphore, #tpu.memory_space<semaphore_mem>>)
      %dma_start3A_332 = arith.constant 0 : i32
      %dma_start3A_333 = arith.constant 0 : i32
      %dma_start3A_334 = tpu.memref_slice %arg7[%dma_start3A_332, %dma_start3A_333] : memref<10240x128xf32, #tpu.memory_space<vmem_shared>> -> memref<10240x128xf32, #tpu.memory_space<vmem_shared>>
      tpu.enqueue_indirect_dma source(%arg16 : memref<128x128xf32, #tpu.memory_space<vmem>>) target(%dma_start3A_334 : memref<10240x128xf32, #tpu.memory_space<vmem_shared>>) offsets(%arg12 : memref<128xi32, #tpu.memory_space<vmem>>) semaphore(%arg32 : memref<!tpu.dma_semaphore, #tpu.memory_space<semaphore_mem>>) {add = true}
      %dma_start3A_335 = arith.constant 0 : i32
      %dma_start3A_336 = tpu.memref_slice %arg8[%dma_start3A_335] : memref<10240xf32, #tpu.memory_space<vmem_shared>> -> memref<10240xf32, #tpu.memory_space<vmem_shared>>
      tpu.enqueue_indirect_dma source(%arg20 : memref<128xf32, #tpu.memory_space<vmem>>) target(%dma_start3A_336 : memref<10240xf32, #tpu.memory_space<vmem_shared>>) offsets(%arg12 : memref<128xi32, #tpu.memory_space<vmem>>) semaphore(%arg32 : memref<!tpu.dma_semaphore, #tpu.memory_space<semaphore_mem>>) {add = true}
      %add3A_337 = arith.constant 2 : i32
      %add3A_338 = arith.addi %add3A_299, %add3A_337 : i32
      %mul3A_339 = arith.constant 128 : i32
      %mul3A_340 = arith.muli %add3A_338, %mul3A_339 : i32
      %add3A_341 = arith.addi %mul3A_2, %mul3A_340 : i32
      %dma_start3A_342 = tpu.memref_slice %arg4[%add3A_341] : memref<320000xi32, #tpu.memory_space<hbm>> -> memref<128xi32, #tpu.memory_space<hbm>>
      %dma_start3A_343 = tpu.memref_slice %arg4[%add3A_341] : memref<320000xi32, #tpu.memory_space<hbm>> -> memref<128xi32, #tpu.memory_space<hbm>>
      tpu.enqueue_dma source(%dma_start3A_343 : memref<128xi32, #tpu.memory_space<hbm>>) target(%arg14 : memref<128xi32, #tpu.memory_space<vmem>>) target_semaphore(%arg30 : memref<!tpu.dma_semaphore, #tpu.memory_space<semaphore_mem>>)
      %add3A_344 = arith.constant 1 : i32
      %add3A_345 = arith.addi %add3A_297, %add3A_344 : i32
      %dma_wait3A_346 = arith.constant 0 : i32
      %dma_wait3A_347 = arith.constant 0 : i32
      %dma_wait3A_348 = tpu.memref_slice %arg7[%dma_wait3A_346, %dma_wait3A_347] : memref<10240x128xf32, #tpu.memory_space<vmem_shared>> -> memref<10240x128xf32, #tpu.memory_space<vmem_shared>>
      tpu.wait_indirect_dma semaphore(%arg32 : memref<!tpu.dma_semaphore, #tpu.memory_space<semaphore_mem>>) src(%arg16 : memref<128x128xf32, #tpu.memory_space<vmem>>) dst(%dma_wait3A_348 : memref<10240x128xf32, #tpu.memory_space<vmem_shared>>)
      %dma_wait3A_349 = arith.constant 0 : i32
      %dma_wait3A_350 = tpu.memref_slice %arg8[%dma_wait3A_349] : memref<10240xf32, #tpu.memory_space<vmem_shared>> -> memref<10240xf32, #tpu.memory_space<vmem_shared>>
      tpu.wait_indirect_dma semaphore(%arg32 : memref<!tpu.dma_semaphore, #tpu.memory_space<semaphore_mem>>) src(%arg20 : memref<128xf32, #tpu.memory_space<vmem>>) dst(%dma_wait3A_350 : memref<10240xf32, #tpu.memory_space<vmem_shared>>)
      %add3A_351 = arith.constant 1 : i32
      %add3A_352 = arith.addi %add3A_345, %add3A_351 : i32
      %mul3A_353 = arith.constant 128 : i32
      %mul3A_354 = arith.muli %add3A_352, %mul3A_353 : i32
      %add3A_355 = arith.addi %mul3A_2, %mul3A_354 : i32
      %dma_wait3A_356 = tpu.memref_slice %arg3[%add3A_355] : memref<320000xi32, #tpu.memory_space<hbm>> -> memref<128xi32, #tpu.memory_space<hbm>>
      %dma_wait3A_357 = tpu.memref_slice %arg3[%add3A_355] : memref<320000xi32, #tpu.memory_space<hbm>> -> memref<128xi32, #tpu.memory_space<hbm>>
      tpu.wait_dma2 semaphore(%arg26 : memref<!tpu.dma_semaphore, #tpu.memory_space<semaphore_mem>>) src(%dma_wait3A_357 : memref<128xi32, #tpu.memory_space<hbm>>) dst(%arg10 : memref<128xi32, #tpu.memory_space<vmem>>)
      %add3A_358 = arith.constant 1 : i32
      %add3A_359 = arith.addi %add3A_345, %add3A_358 : i32
      %mul3A_360 = arith.constant 128 : i32
      %mul3A_361 = arith.muli %add3A_359, %mul3A_360 : i32
      %add3A_362 = arith.addi %mul3A_2, %mul3A_361 : i32
      %dma_wait3A_363 = tpu.memref_slice %arg4[%add3A_362] : memref<320000xi32, #tpu.memory_space<hbm>> -> memref<128xi32, #tpu.memory_space<hbm>>
      %dma_wait3A_364 = tpu.memref_slice %arg4[%add3A_362] : memref<320000xi32, #tpu.memory_space<hbm>> -> memref<128xi32, #tpu.memory_space<hbm>>
      tpu.wait_dma2 semaphore(%arg30 : memref<!tpu.dma_semaphore, #tpu.memory_space<semaphore_mem>>) src(%dma_wait3A_364 : memref<128xi32, #tpu.memory_space<hbm>>) dst(%arg14 : memref<128xi32, #tpu.memory_space<vmem>>)
      %dma_start3A_365 = arith.constant 0 : i32
      %dma_start3A_366 = arith.constant 0 : i32
      %dma_start3A_367 = tpu.memref_slice %arg2[%dma_start3A_365, %dma_start3A_366] : memref<10000x128xf32, #tpu.memory_space<hbm>> -> memref<10000x128xf32, #tpu.memory_space<hbm>>
      tpu.enqueue_indirect_dma source(%dma_start3A_367 : memref<10000x128xf32, #tpu.memory_space<hbm>>) target(%arg16 : memref<128x128xf32, #tpu.memory_space<vmem>>) offsets(%arg10 : memref<128xi32, #tpu.memory_space<vmem>>) semaphore(%arg24 : memref<!tpu.dma_semaphore, #tpu.memory_space<semaphore_mem>>)
      %dma_wait3A_368 = arith.constant 0 : i32
      %dma_wait3A_369 = arith.constant 0 : i32
      %dma_wait3A_370 = tpu.memref_slice %arg2[%dma_wait3A_368, %dma_wait3A_369] : memref<10000x128xf32, #tpu.memory_space<hbm>> -> memref<10000x128xf32, #tpu.memory_space<hbm>>
      tpu.wait_indirect_dma semaphore(%arg23 : memref<!tpu.dma_semaphore, #tpu.memory_space<semaphore_mem>>) src(%dma_wait3A_370 : memref<10000x128xf32, #tpu.memory_space<hbm>>) dst(%arg15 : memref<128x128xf32, #tpu.memory_space<vmem>>)
      %add3A_371 = arith.constant 2 : i32
      %add3A_372 = arith.addi %add3A_345, %add3A_371 : i32
      %mul3A_373 = arith.constant 128 : i32
      %mul3A_374 = arith.muli %add3A_372, %mul3A_373 : i32
      %add3A_375 = arith.addi %mul3A_2, %mul3A_374 : i32
      %dma_start3A_376 = tpu.memref_slice %arg3[%add3A_375] : memref<320000xi32, #tpu.memory_space<hbm>> -> memref<128xi32, #tpu.memory_space<hbm>>
      %dma_start3A_377 = tpu.memref_slice %arg3[%add3A_375] : memref<320000xi32, #tpu.memory_space<hbm>> -> memref<128xi32, #tpu.memory_space<hbm>>
      tpu.enqueue_dma source(%dma_start3A_377 : memref<128xi32, #tpu.memory_space<hbm>>) target(%arg9 : memref<128xi32, #tpu.memory_space<vmem>>) target_semaphore(%arg25 : memref<!tpu.dma_semaphore, #tpu.memory_space<semaphore_mem>>)
      %dma_start3A_378 = arith.constant 0 : i32
      %dma_start3A_379 = arith.constant 0 : i32
      %dma_start3A_380 = tpu.memref_slice %arg7[%dma_start3A_378, %dma_start3A_379] : memref<10240x128xf32, #tpu.memory_space<vmem_shared>> -> memref<10240x128xf32, #tpu.memory_space<vmem_shared>>
      tpu.enqueue_indirect_dma source(%arg15 : memref<128x128xf32, #tpu.memory_space<vmem>>) target(%dma_start3A_380 : memref<10240x128xf32, #tpu.memory_space<vmem_shared>>) offsets(%arg13 : memref<128xi32, #tpu.memory_space<vmem>>) semaphore(%arg33 : memref<!tpu.dma_semaphore, #tpu.memory_space<semaphore_mem>>) {add = true}
      %dma_start3A_381 = arith.constant 0 : i32
      %dma_start3A_382 = tpu.memref_slice %arg8[%dma_start3A_381] : memref<10240xf32, #tpu.memory_space<vmem_shared>> -> memref<10240xf32, #tpu.memory_space<vmem_shared>>
      tpu.enqueue_indirect_dma source(%arg20 : memref<128xf32, #tpu.memory_space<vmem>>) target(%dma_start3A_382 : memref<10240xf32, #tpu.memory_space<vmem_shared>>) offsets(%arg13 : memref<128xi32, #tpu.memory_space<vmem>>) semaphore(%arg33 : memref<!tpu.dma_semaphore, #tpu.memory_space<semaphore_mem>>) {add = true}
      %add3A_383 = arith.constant 2 : i32
      %add3A_384 = arith.addi %add3A_345, %add3A_383 : i32
      %mul3A_385 = arith.constant 128 : i32
      %mul3A_386 = arith.muli %add3A_384, %mul3A_385 : i32
      %add3A_387 = arith.addi %mul3A_2, %mul3A_386 : i32
      %dma_start3A_388 = tpu.memref_slice %arg4[%add3A_387] : memref<320000xi32, #tpu.memory_space<hbm>> -> memref<128xi32, #tpu.memory_space<hbm>>
      %dma_start3A_389 = tpu.memref_slice %arg4[%add3A_387] : memref<320000xi32, #tpu.memory_space<hbm>> -> memref<128xi32, #tpu.memory_space<hbm>>
      tpu.enqueue_dma source(%dma_start3A_389 : memref<128xi32, #tpu.memory_space<hbm>>) target(%arg11 : memref<128xi32, #tpu.memory_space<vmem>>) target_semaphore(%arg27 : memref<!tpu.dma_semaphore, #tpu.memory_space<semaphore_mem>>)
      %add3A_390 = arith.constant 2 : i32
      %add3A_391 = arith.addi %add3A_297, %add3A_390 : i32
      %dma_wait3A_392 = arith.constant 0 : i32
      %dma_wait3A_393 = arith.constant 0 : i32
      %dma_wait3A_394 = tpu.memref_slice %arg7[%dma_wait3A_392, %dma_wait3A_393] : memref<10240x128xf32, #tpu.memory_space<vmem_shared>> -> memref<10240x128xf32, #tpu.memory_space<vmem_shared>>
      tpu.wait_indirect_dma semaphore(%arg33 : memref<!tpu.dma_semaphore, #tpu.memory_space<semaphore_mem>>) src(%arg15 : memref<128x128xf32, #tpu.memory_space<vmem>>) dst(%dma_wait3A_394 : memref<10240x128xf32, #tpu.memory_space<vmem_shared>>)
      %dma_wait3A_395 = arith.constant 0 : i32
      %dma_wait3A_396 = tpu.memref_slice %arg8[%dma_wait3A_395] : memref<10240xf32, #tpu.memory_space<vmem_shared>> -> memref<10240xf32, #tpu.memory_space<vmem_shared>>
      tpu.wait_indirect_dma semaphore(%arg33 : memref<!tpu.dma_semaphore, #tpu.memory_space<semaphore_mem>>) src(%arg20 : memref<128xf32, #tpu.memory_space<vmem>>) dst(%dma_wait3A_396 : memref<10240xf32, #tpu.memory_space<vmem_shared>>)
      %add3A_397 = arith.constant 1 : i32
      %add3A_398 = arith.addi %add3A_391, %add3A_397 : i32
      %mul3A_399 = arith.constant 128 : i32
      %mul3A_400 = arith.muli %add3A_398, %mul3A_399 : i32
      %add3A_401 = arith.addi %mul3A_2, %mul3A_400 : i32
      %dma_wait3A_402 = tpu.memref_slice %arg3[%add3A_401] : memref<320000xi32, #tpu.memory_space<hbm>> -> memref<128xi32, #tpu.memory_space<hbm>>
      %dma_wait3A_403 = tpu.memref_slice %arg3[%add3A_401] : memref<320000xi32, #tpu.memory_space<hbm>> -> memref<128xi32, #tpu.memory_space<hbm>>
      tpu.wait_dma2 semaphore(%arg25 : memref<!tpu.dma_semaphore, #tpu.memory_space<semaphore_mem>>) src(%dma_wait3A_403 : memref<128xi32, #tpu.memory_space<hbm>>) dst(%arg9 : memref<128xi32, #tpu.memory_space<vmem>>)
      %add3A_404 = arith.constant 1 : i32
      %add3A_405 = arith.addi %add3A_391, %add3A_404 : i32
      %mul3A_406 = arith.constant 128 : i32
      %mul3A_407 = arith.muli %add3A_405, %mul3A_406 : i32
      %add3A_408 = arith.addi %mul3A_2, %mul3A_407 : i32
      %dma_wait3A_409 = tpu.memref_slice %arg4[%add3A_408] : memref<320000xi32, #tpu.memory_space<hbm>> -> memref<128xi32, #tpu.memory_space<hbm>>
      %dma_wait3A_410 = tpu.memref_slice %arg4[%add3A_408] : memref<320000xi32, #tpu.memory_space<hbm>> -> memref<128xi32, #tpu.memory_space<hbm>>
      tpu.wait_dma2 semaphore(%arg27 : memref<!tpu.dma_semaphore, #tpu.memory_space<semaphore_mem>>) src(%dma_wait3A_410 : memref<128xi32, #tpu.memory_space<hbm>>) dst(%arg11 : memref<128xi32, #tpu.memory_space<vmem>>)
      %dma_start3A_411 = arith.constant 0 : i32
      %dma_start3A_412 = arith.constant 0 : i32
      %dma_start3A_413 = tpu.memref_slice %arg2[%dma_start3A_411, %dma_start3A_412] : memref<10000x128xf32, #tpu.memory_space<hbm>> -> memref<10000x128xf32, #tpu.memory_space<hbm>>
      tpu.enqueue_indirect_dma source(%dma_start3A_413 : memref<10000x128xf32, #tpu.memory_space<hbm>>) target(%arg15 : memref<128x128xf32, #tpu.memory_space<vmem>>) offsets(%arg9 : memref<128xi32, #tpu.memory_space<vmem>>) semaphore(%arg23 : memref<!tpu.dma_semaphore, #tpu.memory_space<semaphore_mem>>)
      %dma_wait3A_414 = arith.constant 0 : i32
      %dma_wait3A_415 = arith.constant 0 : i32
      %dma_wait3A_416 = tpu.memref_slice %arg2[%dma_wait3A_414, %dma_wait3A_415] : memref<10000x128xf32, #tpu.memory_space<hbm>> -> memref<10000x128xf32, #tpu.memory_space<hbm>>
      tpu.wait_indirect_dma semaphore(%arg24 : memref<!tpu.dma_semaphore, #tpu.memory_space<semaphore_mem>>) src(%dma_wait3A_416 : memref<10000x128xf32, #tpu.memory_space<hbm>>) dst(%arg16 : memref<128x128xf32, #tpu.memory_space<vmem>>)
      %add3A_417 = arith.constant 2 : i32
      %add3A_418 = arith.addi %add3A_391, %add3A_417 : i32
      %mul3A_419 = arith.constant 128 : i32
      %mul3A_420 = arith.muli %add3A_418, %mul3A_419 : i32
      %add3A_421 = arith.addi %mul3A_2, %mul3A_420 : i32
      %dma_start3A_422 = tpu.memref_slice %arg3[%add3A_421] : memref<320000xi32, #tpu.memory_space<hbm>> -> memref<128xi32, #tpu.memory_space<hbm>>
      %dma_start3A_423 = tpu.memref_slice %arg3[%add3A_421] : memref<320000xi32, #tpu.memory_space<hbm>> -> memref<128xi32, #tpu.memory_space<hbm>>
      tpu.enqueue_dma source(%dma_start3A_423 : memref<128xi32, #tpu.memory_space<hbm>>) target(%arg10 : memref<128xi32, #tpu.memory_space<vmem>>) target_semaphore(%arg26 : memref<!tpu.dma_semaphore, #tpu.memory_space<semaphore_mem>>)
      %dma_start3A_424 = arith.constant 0 : i32
      %dma_start3A_425 = arith.constant 0 : i32
      %dma_start3A_426 = tpu.memref_slice %arg7[%dma_start3A_424, %dma_start3A_425] : memref<10240x128xf32, #tpu.memory_space<vmem_shared>> -> memref<10240x128xf32, #tpu.memory_space<vmem_shared>>
      tpu.enqueue_indirect_dma source(%arg16 : memref<128x128xf32, #tpu.memory_space<vmem>>) target(%dma_start3A_426 : memref<10240x128xf32, #tpu.memory_space<vmem_shared>>) offsets(%arg14 : memref<128xi32, #tpu.memory_space<vmem>>) semaphore(%arg34 : memref<!tpu.dma_semaphore, #tpu.memory_space<semaphore_mem>>) {add = true}
      %dma_start3A_427 = arith.constant 0 : i32
      %dma_start3A_428 = tpu.memref_slice %arg8[%dma_start3A_427] : memref<10240xf32, #tpu.memory_space<vmem_shared>> -> memref<10240xf32, #tpu.memory_space<vmem_shared>>
      tpu.enqueue_indirect_dma source(%arg20 : memref<128xf32, #tpu.memory_space<vmem>>) target(%dma_start3A_428 : memref<10240xf32, #tpu.memory_space<vmem_shared>>) offsets(%arg14 : memref<128xi32, #tpu.memory_space<vmem>>) semaphore(%arg34 : memref<!tpu.dma_semaphore, #tpu.memory_space<semaphore_mem>>) {add = true}
      %add3A_429 = arith.constant 2 : i32
      %add3A_430 = arith.addi %add3A_391, %add3A_429 : i32
      %mul3A_431 = arith.constant 128 : i32
      %mul3A_432 = arith.muli %add3A_430, %mul3A_431 : i32
      %add3A_433 = arith.addi %mul3A_2, %mul3A_432 : i32
      %dma_start3A_434 = tpu.memref_slice %arg4[%add3A_433] : memref<320000xi32, #tpu.memory_space<hbm>> -> memref<128xi32, #tpu.memory_space<hbm>>
      %dma_start3A_435 = tpu.memref_slice %arg4[%add3A_433] : memref<320000xi32, #tpu.memory_space<hbm>> -> memref<128xi32, #tpu.memory_space<hbm>>
      tpu.enqueue_dma source(%dma_start3A_435 : memref<128xi32, #tpu.memory_space<hbm>>) target(%arg12 : memref<128xi32, #tpu.memory_space<vmem>>) target_semaphore(%arg28 : memref<!tpu.dma_semaphore, #tpu.memory_space<semaphore_mem>>)
      %add3A_436 = arith.constant 3 : i32
      %add3A_437 = arith.addi %add3A_297, %add3A_436 : i32
      %dma_wait3A_438 = arith.constant 0 : i32
      %dma_wait3A_439 = arith.constant 0 : i32
      %dma_wait3A_440 = tpu.memref_slice %arg7[%dma_wait3A_438, %dma_wait3A_439] : memref<10240x128xf32, #tpu.memory_space<vmem_shared>> -> memref<10240x128xf32, #tpu.memory_space<vmem_shared>>
      tpu.wait_indirect_dma semaphore(%arg34 : memref<!tpu.dma_semaphore, #tpu.memory_space<semaphore_mem>>) src(%arg16 : memref<128x128xf32, #tpu.memory_space<vmem>>) dst(%dma_wait3A_440 : memref<10240x128xf32, #tpu.memory_space<vmem_shared>>)
      %dma_wait3A_441 = arith.constant 0 : i32
      %dma_wait3A_442 = tpu.memref_slice %arg8[%dma_wait3A_441] : memref<10240xf32, #tpu.memory_space<vmem_shared>> -> memref<10240xf32, #tpu.memory_space<vmem_shared>>
      tpu.wait_indirect_dma semaphore(%arg34 : memref<!tpu.dma_semaphore, #tpu.memory_space<semaphore_mem>>) src(%arg20 : memref<128xf32, #tpu.memory_space<vmem>>) dst(%dma_wait3A_442 : memref<10240xf32, #tpu.memory_space<vmem_shared>>)
      %add3A_443 = arith.constant 1 : i32
      %add3A_444 = arith.addi %add3A_437, %add3A_443 : i32
      %mul3A_445 = arith.constant 128 : i32
      %mul3A_446 = arith.muli %add3A_444, %mul3A_445 : i32
      %add3A_447 = arith.addi %mul3A_2, %mul3A_446 : i32
      %dma_wait3A_448 = tpu.memref_slice %arg3[%add3A_447] : memref<320000xi32, #tpu.memory_space<hbm>> -> memref<128xi32, #tpu.memory_space<hbm>>
      %dma_wait3A_449 = tpu.memref_slice %arg3[%add3A_447] : memref<320000xi32, #tpu.memory_space<hbm>> -> memref<128xi32, #tpu.memory_space<hbm>>
      tpu.wait_dma2 semaphore(%arg26 : memref<!tpu.dma_semaphore, #tpu.memory_space<semaphore_mem>>) src(%dma_wait3A_449 : memref<128xi32, #tpu.memory_space<hbm>>) dst(%arg10 : memref<128xi32, #tpu.memory_space<vmem>>)
      %add3A_450 = arith.constant 1 : i32
      %add3A_451 = arith.addi %add3A_437, %add3A_450 : i32
      %mul3A_452 = arith.constant 128 : i32
      %mul3A_453 = arith.muli %add3A_451, %mul3A_452 : i32
      %add3A_454 = arith.addi %mul3A_2, %mul3A_453 : i32
      %dma_wait3A_455 = tpu.memref_slice %arg4[%add3A_454] : memref<320000xi32, #tpu.memory_space<hbm>> -> memref<128xi32, #tpu.memory_space<hbm>>
      %dma_wait3A_456 = tpu.memref_slice %arg4[%add3A_454] : memref<320000xi32, #tpu.memory_space<hbm>> -> memref<128xi32, #tpu.memory_space<hbm>>
      tpu.wait_dma2 semaphore(%arg28 : memref<!tpu.dma_semaphore, #tpu.memory_space<semaphore_mem>>) src(%dma_wait3A_456 : memref<128xi32, #tpu.memory_space<hbm>>) dst(%arg12 : memref<128xi32, #tpu.memory_space<vmem>>)
      %dma_start3A_457 = arith.constant 0 : i32
      %dma_start3A_458 = arith.constant 0 : i32
      %dma_start3A_459 = tpu.memref_slice %arg2[%dma_start3A_457, %dma_start3A_458] : memref<10000x128xf32, #tpu.memory_space<hbm>> -> memref<10000x128xf32, #tpu.memory_space<hbm>>
      tpu.enqueue_indirect_dma source(%dma_start3A_459 : memref<10000x128xf32, #tpu.memory_space<hbm>>) target(%arg16 : memref<128x128xf32, #tpu.memory_space<vmem>>) offsets(%arg10 : memref<128xi32, #tpu.memory_space<vmem>>) semaphore(%arg24 : memref<!tpu.dma_semaphore, #tpu.memory_space<semaphore_mem>>)
      %dma_wait3A_460 = arith.constant 0 : i32
      %dma_wait3A_461 = arith.constant 0 : i32
      %dma_wait3A_462 = tpu.memref_slice %arg2[%dma_wait3A_460, %dma_wait3A_461] : memref<10000x128xf32, #tpu.memory_space<hbm>> -> memref<10000x128xf32, #tpu.memory_space<hbm>>
      tpu.wait_indirect_dma semaphore(%arg23 : memref<!tpu.dma_semaphore, #tpu.memory_space<semaphore_mem>>) src(%dma_wait3A_462 : memref<10000x128xf32, #tpu.memory_space<hbm>>) dst(%arg15 : memref<128x128xf32, #tpu.memory_space<vmem>>)
      %add3A_463 = arith.constant 2 : i32
      %add3A_464 = arith.addi %add3A_437, %add3A_463 : i32
      %mul3A_465 = arith.constant 128 : i32
      %mul3A_466 = arith.muli %add3A_464, %mul3A_465 : i32
      %add3A_467 = arith.addi %mul3A_2, %mul3A_466 : i32
      %dma_start3A_468 = tpu.memref_slice %arg3[%add3A_467] : memref<320000xi32, #tpu.memory_space<hbm>> -> memref<128xi32, #tpu.memory_space<hbm>>
      %dma_start3A_469 = tpu.memref_slice %arg3[%add3A_467] : memref<320000xi32, #tpu.memory_space<hbm>> -> memref<128xi32, #tpu.memory_space<hbm>>
      tpu.enqueue_dma source(%dma_start3A_469 : memref<128xi32, #tpu.memory_space<hbm>>) target(%arg9 : memref<128xi32, #tpu.memory_space<vmem>>) target_semaphore(%arg25 : memref<!tpu.dma_semaphore, #tpu.memory_space<semaphore_mem>>)
      %dma_start3A_470 = arith.constant 0 : i32
      %dma_start3A_471 = arith.constant 0 : i32
      %dma_start3A_472 = tpu.memref_slice %arg7[%dma_start3A_470, %dma_start3A_471] : memref<10240x128xf32, #tpu.memory_space<vmem_shared>> -> memref<10240x128xf32, #tpu.memory_space<vmem_shared>>
      tpu.enqueue_indirect_dma source(%arg15 : memref<128x128xf32, #tpu.memory_space<vmem>>) target(%dma_start3A_472 : memref<10240x128xf32, #tpu.memory_space<vmem_shared>>) offsets(%arg11 : memref<128xi32, #tpu.memory_space<vmem>>) semaphore(%arg31 : memref<!tpu.dma_semaphore, #tpu.memory_space<semaphore_mem>>) {add = true}
      %dma_start3A_473 = arith.constant 0 : i32
      %dma_start3A_474 = tpu.memref_slice %arg8[%dma_start3A_473] : memref<10240xf32, #tpu.memory_space<vmem_shared>> -> memref<10240xf32, #tpu.memory_space<vmem_shared>>
      tpu.enqueue_indirect_dma source(%arg20 : memref<128xf32, #tpu.memory_space<vmem>>) target(%dma_start3A_474 : memref<10240xf32, #tpu.memory_space<vmem_shared>>) offsets(%arg11 : memref<128xi32, #tpu.memory_space<vmem>>) semaphore(%arg31 : memref<!tpu.dma_semaphore, #tpu.memory_space<semaphore_mem>>) {add = true}
      %add3A_475 = arith.constant 2 : i32
      %add3A_476 = arith.addi %add3A_437, %add3A_475 : i32
      %mul3A_477 = arith.constant 128 : i32
      %mul3A_478 = arith.muli %add3A_476, %mul3A_477 : i32
      %add3A_479 = arith.addi %mul3A_2, %mul3A_478 : i32
      %dma_start3A_480 = tpu.memref_slice %arg4[%add3A_479] : memref<320000xi32, #tpu.memory_space<hbm>> -> memref<128xi32, #tpu.memory_space<hbm>>
      %dma_start3A_481 = tpu.memref_slice %arg4[%add3A_479] : memref<320000xi32, #tpu.memory_space<hbm>> -> memref<128xi32, #tpu.memory_space<hbm>>
      tpu.enqueue_dma source(%dma_start3A_481 : memref<128xi32, #tpu.memory_space<hbm>>) target(%arg13 : memref<128xi32, #tpu.memory_space<vmem>>) target_semaphore(%arg29 : memref<!tpu.dma_semaphore, #tpu.memory_space<semaphore_mem>>)
    }
    %scan3A_150 = arith.constant 18 : i32
    %dma_wait3A_151 = arith.constant 0 : i32
    %dma_wait3A_152 = arith.constant 0 : i32
    %dma_wait3A_153 = tpu.memref_slice %arg7[%dma_wait3A_151, %dma_wait3A_152] : memref<10240x128xf32, #tpu.memory_space<vmem_shared>> -> memref<10240x128xf32, #tpu.memory_space<vmem_shared>>
    tpu.wait_indirect_dma semaphore(%arg31 : memref<!tpu.dma_semaphore, #tpu.memory_space<semaphore_mem>>) src(%arg15 : memref<128x128xf32, #tpu.memory_space<vmem>>) dst(%dma_wait3A_153 : memref<10240x128xf32, #tpu.memory_space<vmem_shared>>)
    %dma_wait3A_154 = arith.constant 0 : i32
    %dma_wait3A_155 = tpu.memref_slice %arg8[%dma_wait3A_154] : memref<10240xf32, #tpu.memory_space<vmem_shared>> -> memref<10240xf32, #tpu.memory_space<vmem_shared>>
    tpu.wait_indirect_dma semaphore(%arg31 : memref<!tpu.dma_semaphore, #tpu.memory_space<semaphore_mem>>) src(%arg20 : memref<128xf32, #tpu.memory_space<vmem>>) dst(%dma_wait3A_155 : memref<10240xf32, #tpu.memory_space<vmem_shared>>)
    %add3A_156 = arith.constant 9472 : i32
    %add3A_157 = arith.addi %mul3A_2, %add3A_156 : i32
    %dma_wait3A_158 = tpu.memref_slice %arg3[%add3A_157] : memref<320000xi32, #tpu.memory_space<hbm>> -> memref<128xi32, #tpu.memory_space<hbm>>
    %dma_wait3A_159 = tpu.memref_slice %arg3[%add3A_157] : memref<320000xi32, #tpu.memory_space<hbm>> -> memref<128xi32, #tpu.memory_space<hbm>>
    tpu.wait_dma2 semaphore(%arg25 : memref<!tpu.dma_semaphore, #tpu.memory_space<semaphore_mem>>) src(%dma_wait3A_159 : memref<128xi32, #tpu.memory_space<hbm>>) dst(%arg9 : memref<128xi32, #tpu.memory_space<vmem>>)
    %add3A_160 = arith.constant 9472 : i32
    %add3A_161 = arith.addi %mul3A_2, %add3A_160 : i32
    %dma_wait3A_162 = tpu.memref_slice %arg4[%add3A_161] : memref<320000xi32, #tpu.memory_space<hbm>> -> memref<128xi32, #tpu.memory_space<hbm>>
    %dma_wait3A_163 = tpu.memref_slice %arg4[%add3A_161] : memref<320000xi32, #tpu.memory_space<hbm>> -> memref<128xi32, #tpu.memory_space<hbm>>
    tpu.wait_dma2 semaphore(%arg29 : memref<!tpu.dma_semaphore, #tpu.memory_space<semaphore_mem>>) src(%dma_wait3A_163 : memref<128xi32, #tpu.memory_space<hbm>>) dst(%arg13 : memref<128xi32, #tpu.memory_space<vmem>>)
    %dma_start3A_164 = arith.constant 0 : i32
    %dma_start3A_165 = arith.constant 0 : i32
    %dma_start3A_166 = tpu.memref_slice %arg2[%dma_start3A_164, %dma_start3A_165] : memref<10000x128xf32, #tpu.memory_space<hbm>> -> memref<10000x128xf32, #tpu.memory_space<hbm>>
    tpu.enqueue_indirect_dma source(%dma_start3A_166 : memref<10000x128xf32, #tpu.memory_space<hbm>>) target(%arg15 : memref<128x128xf32, #tpu.memory_space<vmem>>) offsets(%arg9 : memref<128xi32, #tpu.memory_space<vmem>>) semaphore(%arg23 : memref<!tpu.dma_semaphore, #tpu.memory_space<semaphore_mem>>)
    %dma_wait3A_167 = arith.constant 0 : i32
    %dma_wait3A_168 = arith.constant 0 : i32
    %dma_wait3A_169 = tpu.memref_slice %arg2[%dma_wait3A_167, %dma_wait3A_168] : memref<10000x128xf32, #tpu.memory_space<hbm>> -> memref<10000x128xf32, #tpu.memory_space<hbm>>
    tpu.wait_indirect_dma semaphore(%arg24 : memref<!tpu.dma_semaphore, #tpu.memory_space<semaphore_mem>>) src(%dma_wait3A_169 : memref<10000x128xf32, #tpu.memory_space<hbm>>) dst(%arg16 : memref<128x128xf32, #tpu.memory_space<vmem>>)
    %add3A_170 = arith.constant 9600 : i32
    %add3A_171 = arith.addi %mul3A_2, %add3A_170 : i32
    %dma_start3A_172 = tpu.memref_slice %arg3[%add3A_171] : memref<320000xi32, #tpu.memory_space<hbm>> -> memref<128xi32, #tpu.memory_space<hbm>>
    %dma_start3A_173 = tpu.memref_slice %arg3[%add3A_171] : memref<320000xi32, #tpu.memory_space<hbm>> -> memref<128xi32, #tpu.memory_space<hbm>>
    tpu.enqueue_dma source(%dma_start3A_173 : memref<128xi32, #tpu.memory_space<hbm>>) target(%arg10 : memref<128xi32, #tpu.memory_space<vmem>>) target_semaphore(%arg26 : memref<!tpu.dma_semaphore, #tpu.memory_space<semaphore_mem>>)
    %dma_start3A_174 = arith.constant 0 : i32
    %dma_start3A_175 = arith.constant 0 : i32
    %dma_start3A_176 = tpu.memref_slice %arg7[%dma_start3A_174, %dma_start3A_175] : memref<10240x128xf32, #tpu.memory_space<vmem_shared>> -> memref<10240x128xf32, #tpu.memory_space<vmem_shared>>
    tpu.enqueue_indirect_dma source(%arg16 : memref<128x128xf32, #tpu.memory_space<vmem>>) target(%dma_start3A_176 : memref<10240x128xf32, #tpu.memory_space<vmem_shared>>) offsets(%arg12 : memref<128xi32, #tpu.memory_space<vmem>>) semaphore(%arg32 : memref<!tpu.dma_semaphore, #tpu.memory_space<semaphore_mem>>) {add = true}
    %dma_start3A_177 = arith.constant 0 : i32
    %dma_start3A_178 = tpu.memref_slice %arg8[%dma_start3A_177] : memref<10240xf32, #tpu.memory_space<vmem_shared>> -> memref<10240xf32, #tpu.memory_space<vmem_shared>>
    tpu.enqueue_indirect_dma source(%arg20 : memref<128xf32, #tpu.memory_space<vmem>>) target(%dma_start3A_178 : memref<10240xf32, #tpu.memory_space<vmem_shared>>) offsets(%arg12 : memref<128xi32, #tpu.memory_space<vmem>>) semaphore(%arg32 : memref<!tpu.dma_semaphore, #tpu.memory_space<semaphore_mem>>) {add = true}
    %add3A_179 = arith.constant 9600 : i32
    %add3A_180 = arith.addi %mul3A_2, %add3A_179 : i32
    %dma_start3A_181 = tpu.memref_slice %arg4[%add3A_180] : memref<320000xi32, #tpu.memory_space<hbm>> -> memref<128xi32, #tpu.memory_space<hbm>>
    %dma_start3A_182 = tpu.memref_slice %arg4[%add3A_180] : memref<320000xi32, #tpu.memory_space<hbm>> -> memref<128xi32, #tpu.memory_space<hbm>>
    tpu.enqueue_dma source(%dma_start3A_182 : memref<128xi32, #tpu.memory_space<hbm>>) target(%arg14 : memref<128xi32, #tpu.memory_space<vmem>>) target_semaphore(%arg30 : memref<!tpu.dma_semaphore, #tpu.memory_space<semaphore_mem>>)
    %dma_wait3A_183 = arith.constant 0 : i32
    %dma_wait3A_184 = arith.constant 0 : i32
    %dma_wait3A_185 = tpu.memref_slice %arg7[%dma_wait3A_183, %dma_wait3A_184] : memref<10240x128xf32, #tpu.memory_space<vmem_shared>> -> memref<10240x128xf32, #tpu.memory_space<vmem_shared>>
    tpu.wait_indirect_dma semaphore(%arg32 : memref<!tpu.dma_semaphore, #tpu.memory_space<semaphore_mem>>) src(%arg16 : memref<128x128xf32, #tpu.memory_space<vmem>>) dst(%dma_wait3A_185 : memref<10240x128xf32, #tpu.memory_space<vmem_shared>>)
    %dma_wait3A_186 = arith.constant 0 : i32
    %dma_wait3A_187 = tpu.memref_slice %arg8[%dma_wait3A_186] : memref<10240xf32, #tpu.memory_space<vmem_shared>> -> memref<10240xf32, #tpu.memory_space<vmem_shared>>
    tpu.wait_indirect_dma semaphore(%arg32 : memref<!tpu.dma_semaphore, #tpu.memory_space<semaphore_mem>>) src(%arg20 : memref<128xf32, #tpu.memory_space<vmem>>) dst(%dma_wait3A_187 : memref<10240xf32, #tpu.memory_space<vmem_shared>>)
    %add3A_188 = arith.constant 9600 : i32
    %add3A_189 = arith.addi %mul3A_2, %add3A_188 : i32
    %dma_wait3A_190 = tpu.memref_slice %arg3[%add3A_189] : memref<320000xi32, #tpu.memory_space<hbm>> -> memref<128xi32, #tpu.memory_space<hbm>>
    %dma_wait3A_191 = tpu.memref_slice %arg3[%add3A_189] : memref<320000xi32, #tpu.memory_space<hbm>> -> memref<128xi32, #tpu.memory_space<hbm>>
    tpu.wait_dma2 semaphore(%arg26 : memref<!tpu.dma_semaphore, #tpu.memory_space<semaphore_mem>>) src(%dma_wait3A_191 : memref<128xi32, #tpu.memory_space<hbm>>) dst(%arg10 : memref<128xi32, #tpu.memory_space<vmem>>)
    %add3A_192 = arith.constant 9600 : i32
    %add3A_193 = arith.addi %mul3A_2, %add3A_192 : i32
    %dma_wait3A_194 = tpu.memref_slice %arg4[%add3A_193] : memref<320000xi32, #tpu.memory_space<hbm>> -> memref<128xi32, #tpu.memory_space<hbm>>
    %dma_wait3A_195 = tpu.memref_slice %arg4[%add3A_193] : memref<320000xi32, #tpu.memory_space<hbm>> -> memref<128xi32, #tpu.memory_space<hbm>>
    tpu.wait_dma2 semaphore(%arg30 : memref<!tpu.dma_semaphore, #tpu.memory_space<semaphore_mem>>) src(%dma_wait3A_195 : memref<128xi32, #tpu.memory_space<hbm>>) dst(%arg14 : memref<128xi32, #tpu.memory_space<vmem>>)
    %dma_start3A_196 = arith.constant 0 : i32
    %dma_start3A_197 = arith.constant 0 : i32
    %dma_start3A_198 = tpu.memref_slice %arg2[%dma_start3A_196, %dma_start3A_197] : memref<10000x128xf32, #tpu.memory_space<hbm>> -> memref<10000x128xf32, #tpu.memory_space<hbm>>
    tpu.enqueue_indirect_dma source(%dma_start3A_198 : memref<10000x128xf32, #tpu.memory_space<hbm>>) target(%arg16 : memref<128x128xf32, #tpu.memory_space<vmem>>) offsets(%arg10 : memref<128xi32, #tpu.memory_space<vmem>>) semaphore(%arg24 : memref<!tpu.dma_semaphore, #tpu.memory_space<semaphore_mem>>)
    %dma_wait3A_199 = arith.constant 0 : i32
    %dma_wait3A_200 = arith.constant 0 : i32
    %dma_wait3A_201 = tpu.memref_slice %arg2[%dma_wait3A_199, %dma_wait3A_200] : memref<10000x128xf32, #tpu.memory_space<hbm>> -> memref<10000x128xf32, #tpu.memory_space<hbm>>
    tpu.wait_indirect_dma semaphore(%arg23 : memref<!tpu.dma_semaphore, #tpu.memory_space<semaphore_mem>>) src(%dma_wait3A_201 : memref<10000x128xf32, #tpu.memory_space<hbm>>) dst(%arg15 : memref<128x128xf32, #tpu.memory_space<vmem>>)
    %add3A_202 = arith.constant 9728 : i32
    %add3A_203 = arith.addi %mul3A_2, %add3A_202 : i32
    %dma_start3A_204 = tpu.memref_slice %arg3[%add3A_203] : memref<320000xi32, #tpu.memory_space<hbm>> -> memref<128xi32, #tpu.memory_space<hbm>>
    %dma_start3A_205 = tpu.memref_slice %arg3[%add3A_203] : memref<320000xi32, #tpu.memory_space<hbm>> -> memref<128xi32, #tpu.memory_space<hbm>>
    tpu.enqueue_dma source(%dma_start3A_205 : memref<128xi32, #tpu.memory_space<hbm>>) target(%arg9 : memref<128xi32, #tpu.memory_space<vmem>>) target_semaphore(%arg25 : memref<!tpu.dma_semaphore, #tpu.memory_space<semaphore_mem>>)
    %dma_start3A_206 = arith.constant 0 : i32
    %dma_start3A_207 = arith.constant 0 : i32
    %dma_start3A_208 = tpu.memref_slice %arg7[%dma_start3A_206, %dma_start3A_207] : memref<10240x128xf32, #tpu.memory_space<vmem_shared>> -> memref<10240x128xf32, #tpu.memory_space<vmem_shared>>
    tpu.enqueue_indirect_dma source(%arg15 : memref<128x128xf32, #tpu.memory_space<vmem>>) target(%dma_start3A_208 : memref<10240x128xf32, #tpu.memory_space<vmem_shared>>) offsets(%arg13 : memref<128xi32, #tpu.memory_space<vmem>>) semaphore(%arg33 : memref<!tpu.dma_semaphore, #tpu.memory_space<semaphore_mem>>) {add = true}
    %dma_start3A_209 = arith.constant 0 : i32
    %dma_start3A_210 = tpu.memref_slice %arg8[%dma_start3A_209] : memref<10240xf32, #tpu.memory_space<vmem_shared>> -> memref<10240xf32, #tpu.memory_space<vmem_shared>>
    tpu.enqueue_indirect_dma source(%arg20 : memref<128xf32, #tpu.memory_space<vmem>>) target(%dma_start3A_210 : memref<10240xf32, #tpu.memory_space<vmem_shared>>) offsets(%arg13 : memref<128xi32, #tpu.memory_space<vmem>>) semaphore(%arg33 : memref<!tpu.dma_semaphore, #tpu.memory_space<semaphore_mem>>) {add = true}
    %add3A_211 = arith.constant 9728 : i32
    %add3A_212 = arith.addi %mul3A_2, %add3A_211 : i32
    %dma_start3A_213 = tpu.memref_slice %arg4[%add3A_212] : memref<320000xi32, #tpu.memory_space<hbm>> -> memref<128xi32, #tpu.memory_space<hbm>>
    %dma_start3A_214 = tpu.memref_slice %arg4[%add3A_212] : memref<320000xi32, #tpu.memory_space<hbm>> -> memref<128xi32, #tpu.memory_space<hbm>>
    tpu.enqueue_dma source(%dma_start3A_214 : memref<128xi32, #tpu.memory_space<hbm>>) target(%arg11 : memref<128xi32, #tpu.memory_space<vmem>>) target_semaphore(%arg27 : memref<!tpu.dma_semaphore, #tpu.memory_space<semaphore_mem>>)
    %dma_wait3A_215 = arith.constant 0 : i32
    %dma_wait3A_216 = arith.constant 0 : i32
    %dma_wait3A_217 = tpu.memref_slice %arg7[%dma_wait3A_215, %dma_wait3A_216] : memref<10240x128xf32, #tpu.memory_space<vmem_shared>> -> memref<10240x128xf32, #tpu.memory_space<vmem_shared>>
    tpu.wait_indirect_dma semaphore(%arg33 : memref<!tpu.dma_semaphore, #tpu.memory_space<semaphore_mem>>) src(%arg15 : memref<128x128xf32, #tpu.memory_space<vmem>>) dst(%dma_wait3A_217 : memref<10240x128xf32, #tpu.memory_space<vmem_shared>>)
    %dma_wait3A_218 = arith.constant 0 : i32
    %dma_wait3A_219 = tpu.memref_slice %arg8[%dma_wait3A_218] : memref<10240xf32, #tpu.memory_space<vmem_shared>> -> memref<10240xf32, #tpu.memory_space<vmem_shared>>
    tpu.wait_indirect_dma semaphore(%arg33 : memref<!tpu.dma_semaphore, #tpu.memory_space<semaphore_mem>>) src(%arg20 : memref<128xf32, #tpu.memory_space<vmem>>) dst(%dma_wait3A_219 : memref<10240xf32, #tpu.memory_space<vmem_shared>>)
    %add3A_220 = arith.constant 9728 : i32
    %add3A_221 = arith.addi %mul3A_2, %add3A_220 : i32
    %dma_wait3A_222 = tpu.memref_slice %arg3[%add3A_221] : memref<320000xi32, #tpu.memory_space<hbm>> -> memref<128xi32, #tpu.memory_space<hbm>>
    %dma_wait3A_223 = tpu.memref_slice %arg3[%add3A_221] : memref<320000xi32, #tpu.memory_space<hbm>> -> memref<128xi32, #tpu.memory_space<hbm>>
    tpu.wait_dma2 semaphore(%arg25 : memref<!tpu.dma_semaphore, #tpu.memory_space<semaphore_mem>>) src(%dma_wait3A_223 : memref<128xi32, #tpu.memory_space<hbm>>) dst(%arg9 : memref<128xi32, #tpu.memory_space<vmem>>)
    %add3A_224 = arith.constant 9728 : i32
    %add3A_225 = arith.addi %mul3A_2, %add3A_224 : i32
    %dma_wait3A_226 = tpu.memref_slice %arg4[%add3A_225] : memref<320000xi32, #tpu.memory_space<hbm>> -> memref<128xi32, #tpu.memory_space<hbm>>
    %dma_wait3A_227 = tpu.memref_slice %arg4[%add3A_225] : memref<320000xi32, #tpu.memory_space<hbm>> -> memref<128xi32, #tpu.memory_space<hbm>>
    tpu.wait_dma2 semaphore(%arg27 : memref<!tpu.dma_semaphore, #tpu.memory_space<semaphore_mem>>) src(%dma_wait3A_227 : memref<128xi32, #tpu.memory_space<hbm>>) dst(%arg11 : memref<128xi32, #tpu.memory_space<vmem>>)
    %dma_start3A_228 = arith.constant 0 : i32
    %dma_start3A_229 = arith.constant 0 : i32
    %dma_start3A_230 = tpu.memref_slice %arg2[%dma_start3A_228, %dma_start3A_229] : memref<10000x128xf32, #tpu.memory_space<hbm>> -> memref<10000x128xf32, #tpu.memory_space<hbm>>
    tpu.enqueue_indirect_dma source(%dma_start3A_230 : memref<10000x128xf32, #tpu.memory_space<hbm>>) target(%arg15 : memref<128x128xf32, #tpu.memory_space<vmem>>) offsets(%arg9 : memref<128xi32, #tpu.memory_space<vmem>>) semaphore(%arg23 : memref<!tpu.dma_semaphore, #tpu.memory_space<semaphore_mem>>)
    %dma_wait3A_231 = arith.constant 0 : i32
    %dma_wait3A_232 = arith.constant 0 : i32
    %dma_wait3A_233 = tpu.memref_slice %arg2[%dma_wait3A_231, %dma_wait3A_232] : memref<10000x128xf32, #tpu.memory_space<hbm>> -> memref<10000x128xf32, #tpu.memory_space<hbm>>
    tpu.wait_indirect_dma semaphore(%arg24 : memref<!tpu.dma_semaphore, #tpu.memory_space<semaphore_mem>>) src(%dma_wait3A_233 : memref<10000x128xf32, #tpu.memory_space<hbm>>) dst(%arg16 : memref<128x128xf32, #tpu.memory_space<vmem>>)
    %add3A_234 = arith.constant 9856 : i32
    %add3A_235 = arith.addi %mul3A_2, %add3A_234 : i32
    %dma_start3A_236 = tpu.memref_slice %arg3[%add3A_235] : memref<320000xi32, #tpu.memory_space<hbm>> -> memref<128xi32, #tpu.memory_space<hbm>>
    %dma_start3A_237 = tpu.memref_slice %arg3[%add3A_235] : memref<320000xi32, #tpu.memory_space<hbm>> -> memref<128xi32, #tpu.memory_space<hbm>>
    tpu.enqueue_dma source(%dma_start3A_237 : memref<128xi32, #tpu.memory_space<hbm>>) target(%arg10 : memref<128xi32, #tpu.memory_space<vmem>>) target_semaphore(%arg26 : memref<!tpu.dma_semaphore, #tpu.memory_space<semaphore_mem>>)
    %dma_start3A_238 = arith.constant 0 : i32
    %dma_start3A_239 = arith.constant 0 : i32
    %dma_start3A_240 = tpu.memref_slice %arg7[%dma_start3A_238, %dma_start3A_239] : memref<10240x128xf32, #tpu.memory_space<vmem_shared>> -> memref<10240x128xf32, #tpu.memory_space<vmem_shared>>
    tpu.enqueue_indirect_dma source(%arg16 : memref<128x128xf32, #tpu.memory_space<vmem>>) target(%dma_start3A_240 : memref<10240x128xf32, #tpu.memory_space<vmem_shared>>) offsets(%arg14 : memref<128xi32, #tpu.memory_space<vmem>>) semaphore(%arg34 : memref<!tpu.dma_semaphore, #tpu.memory_space<semaphore_mem>>) {add = true}
    %dma_start3A_241 = arith.constant 0 : i32
    %dma_start3A_242 = tpu.memref_slice %arg8[%dma_start3A_241] : memref<10240xf32, #tpu.memory_space<vmem_shared>> -> memref<10240xf32, #tpu.memory_space<vmem_shared>>
    tpu.enqueue_indirect_dma source(%arg20 : memref<128xf32, #tpu.memory_space<vmem>>) target(%dma_start3A_242 : memref<10240xf32, #tpu.memory_space<vmem_shared>>) offsets(%arg14 : memref<128xi32, #tpu.memory_space<vmem>>) semaphore(%arg34 : memref<!tpu.dma_semaphore, #tpu.memory_space<semaphore_mem>>) {add = true}
    %add3A_243 = arith.constant 9856 : i32
    %add3A_244 = arith.addi %mul3A_2, %add3A_243 : i32
    %dma_start3A_245 = tpu.memref_slice %arg4[%add3A_244] : memref<320000xi32, #tpu.memory_space<hbm>> -> memref<128xi32, #tpu.memory_space<hbm>>
    %dma_start3A_246 = tpu.memref_slice %arg4[%add3A_244] : memref<320000xi32, #tpu.memory_space<hbm>> -> memref<128xi32, #tpu.memory_space<hbm>>
    tpu.enqueue_dma source(%dma_start3A_246 : memref<128xi32, #tpu.memory_space<hbm>>) target(%arg12 : memref<128xi32, #tpu.memory_space<vmem>>) target_semaphore(%arg28 : memref<!tpu.dma_semaphore, #tpu.memory_space<semaphore_mem>>)
    %dma_wait3A_247 = arith.constant 0 : i32
    %dma_wait3A_248 = arith.constant 0 : i32
    %dma_wait3A_249 = tpu.memref_slice %arg7[%dma_wait3A_247, %dma_wait3A_248] : memref<10240x128xf32, #tpu.memory_space<vmem_shared>> -> memref<10240x128xf32, #tpu.memory_space<vmem_shared>>
    tpu.wait_indirect_dma semaphore(%arg34 : memref<!tpu.dma_semaphore, #tpu.memory_space<semaphore_mem>>) src(%arg16 : memref<128x128xf32, #tpu.memory_space<vmem>>) dst(%dma_wait3A_249 : memref<10240x128xf32, #tpu.memory_space<vmem_shared>>)
    %dma_wait3A_250 = arith.constant 0 : i32
    %dma_wait3A_251 = tpu.memref_slice %arg8[%dma_wait3A_250] : memref<10240xf32, #tpu.memory_space<vmem_shared>> -> memref<10240xf32, #tpu.memory_space<vmem_shared>>
    tpu.wait_indirect_dma semaphore(%arg34 : memref<!tpu.dma_semaphore, #tpu.memory_space<semaphore_mem>>) src(%arg20 : memref<128xf32, #tpu.memory_space<vmem>>) dst(%dma_wait3A_251 : memref<10240xf32, #tpu.memory_space<vmem_shared>>)
    %add3A_252 = arith.constant 9856 : i32
    %add3A_253 = arith.addi %mul3A_2, %add3A_252 : i32
    %dma_wait3A_254 = tpu.memref_slice %arg3[%add3A_253] : memref<320000xi32, #tpu.memory_space<hbm>> -> memref<128xi32, #tpu.memory_space<hbm>>
    %dma_wait3A_255 = tpu.memref_slice %arg3[%add3A_253] : memref<320000xi32, #tpu.memory_space<hbm>> -> memref<128xi32, #tpu.memory_space<hbm>>
    tpu.wait_dma2 semaphore(%arg26 : memref<!tpu.dma_semaphore, #tpu.memory_space<semaphore_mem>>) src(%dma_wait3A_255 : memref<128xi32, #tpu.memory_space<hbm>>) dst(%arg10 : memref<128xi32, #tpu.memory_space<vmem>>)
    %add3A_256 = arith.constant 9856 : i32
    %add3A_257 = arith.addi %mul3A_2, %add3A_256 : i32
    %dma_wait3A_258 = tpu.memref_slice %arg4[%add3A_257] : memref<320000xi32, #tpu.memory_space<hbm>> -> memref<128xi32, #tpu.memory_space<hbm>>
    %dma_wait3A_259 = tpu.memref_slice %arg4[%add3A_257] : memref<320000xi32, #tpu.memory_space<hbm>> -> memref<128xi32, #tpu.memory_space<hbm>>
    tpu.wait_dma2 semaphore(%arg28 : memref<!tpu.dma_semaphore, #tpu.memory_space<semaphore_mem>>) src(%dma_wait3A_259 : memref<128xi32, #tpu.memory_space<hbm>>) dst(%arg12 : memref<128xi32, #tpu.memory_space<vmem>>)
    %dma_start3A_260 = arith.constant 0 : i32
    %dma_start3A_261 = arith.constant 0 : i32
    %dma_start3A_262 = tpu.memref_slice %arg2[%dma_start3A_260, %dma_start3A_261] : memref<10000x128xf32, #tpu.memory_space<hbm>> -> memref<10000x128xf32, #tpu.memory_space<hbm>>
    tpu.enqueue_indirect_dma source(%dma_start3A_262 : memref<10000x128xf32, #tpu.memory_space<hbm>>) target(%arg16 : memref<128x128xf32, #tpu.memory_space<vmem>>) offsets(%arg10 : memref<128xi32, #tpu.memory_space<vmem>>) semaphore(%arg24 : memref<!tpu.dma_semaphore, #tpu.memory_space<semaphore_mem>>)
    %dma_wait3A_263 = arith.constant 0 : i32
    %dma_wait3A_264 = arith.constant 0 : i32
    %dma_wait3A_265 = tpu.memref_slice %arg2[%dma_wait3A_263, %dma_wait3A_264] : memref<10000x128xf32, #tpu.memory_space<hbm>> -> memref<10000x128xf32, #tpu.memory_space<hbm>>
    tpu.wait_indirect_dma semaphore(%arg23 : memref<!tpu.dma_semaphore, #tpu.memory_space<semaphore_mem>>) src(%dma_wait3A_265 : memref<10000x128xf32, #tpu.memory_space<hbm>>) dst(%arg15 : memref<128x128xf32, #tpu.memory_space<vmem>>)
    %dma_start3A_266 = arith.constant 0 : i32
    %dma_start3A_267 = arith.constant 0 : i32
    %dma_start3A_268 = tpu.memref_slice %arg7[%dma_start3A_266, %dma_start3A_267] : memref<10240x128xf32, #tpu.memory_space<vmem_shared>> -> memref<10240x128xf32, #tpu.memory_space<vmem_shared>>
    tpu.enqueue_indirect_dma source(%arg15 : memref<128x128xf32, #tpu.memory_space<vmem>>) target(%dma_start3A_268 : memref<10240x128xf32, #tpu.memory_space<vmem_shared>>) offsets(%arg11 : memref<128xi32, #tpu.memory_space<vmem>>) semaphore(%arg31 : memref<!tpu.dma_semaphore, #tpu.memory_space<semaphore_mem>>) {add = true}
    %dma_start3A_269 = arith.constant 0 : i32
    %dma_start3A_270 = tpu.memref_slice %arg8[%dma_start3A_269] : memref<10240xf32, #tpu.memory_space<vmem_shared>> -> memref<10240xf32, #tpu.memory_space<vmem_shared>>
    tpu.enqueue_indirect_dma source(%arg20 : memref<128xf32, #tpu.memory_space<vmem>>) target(%dma_start3A_270 : memref<10240xf32, #tpu.memory_space<vmem_shared>>) offsets(%arg11 : memref<128xi32, #tpu.memory_space<vmem>>) semaphore(%arg31 : memref<!tpu.dma_semaphore, #tpu.memory_space<semaphore_mem>>) {add = true}
    %dma_wait3A_271 = arith.constant 0 : i32
    %dma_wait3A_272 = arith.constant 0 : i32
    %dma_wait3A_273 = tpu.memref_slice %arg7[%dma_wait3A_271, %dma_wait3A_272] : memref<10240x128xf32, #tpu.memory_space<vmem_shared>> -> memref<10240x128xf32, #tpu.memory_space<vmem_shared>>
    tpu.wait_indirect_dma semaphore(%arg31 : memref<!tpu.dma_semaphore, #tpu.memory_space<semaphore_mem>>) src(%arg15 : memref<128x128xf32, #tpu.memory_space<vmem>>) dst(%dma_wait3A_273 : memref<10240x128xf32, #tpu.memory_space<vmem_shared>>)
    %dma_wait3A_274 = arith.constant 0 : i32
    %dma_wait3A_275 = tpu.memref_slice %arg8[%dma_wait3A_274] : memref<10240xf32, #tpu.memory_space<vmem_shared>> -> memref<10240xf32, #tpu.memory_space<vmem_shared>>
    tpu.wait_indirect_dma semaphore(%arg31 : memref<!tpu.dma_semaphore, #tpu.memory_space<semaphore_mem>>) src(%arg20 : memref<128xf32, #tpu.memory_space<vmem>>) dst(%dma_wait3A_275 : memref<10240xf32, #tpu.memory_space<vmem_shared>>)
    %dma_wait3A_276 = arith.constant 0 : i32
    %dma_wait3A_277 = arith.constant 0 : i32
    %dma_wait3A_278 = tpu.memref_slice %arg2[%dma_wait3A_276, %dma_wait3A_277] : memref<10000x128xf32, #tpu.memory_space<hbm>> -> memref<10000x128xf32, #tpu.memory_space<hbm>>
    tpu.wait_indirect_dma semaphore(%arg24 : memref<!tpu.dma_semaphore, #tpu.memory_space<semaphore_mem>>) src(%dma_wait3A_278 : memref<10000x128xf32, #tpu.memory_space<hbm>>) dst(%arg16 : memref<128x128xf32, #tpu.memory_space<vmem>>)
    %dma_start3A_279 = arith.constant 0 : i32
    %dma_start3A_280 = arith.constant 0 : i32
    %dma_start3A_281 = tpu.memref_slice %arg7[%dma_start3A_279, %dma_start3A_280] : memref<10240x128xf32, #tpu.memory_space<vmem_shared>> -> memref<10240x128xf32, #tpu.memory_space<vmem_shared>>
    tpu.enqueue_indirect_dma source(%arg16 : memref<128x128xf32, #tpu.memory_space<vmem>>) target(%dma_start3A_281 : memref<10240x128xf32, #tpu.memory_space<vmem_shared>>) offsets(%arg12 : memref<128xi32, #tpu.memory_space<vmem>>) semaphore(%arg32 : memref<!tpu.dma_semaphore, #tpu.memory_space<semaphore_mem>>) {add = true}
    %dma_start3A_282 = arith.constant 0 : i32
    %dma_start3A_283 = tpu.memref_slice %arg8[%dma_start3A_282] : memref<10240xf32, #tpu.memory_space<vmem_shared>> -> memref<10240xf32, #tpu.memory_space<vmem_shared>>
    tpu.enqueue_indirect_dma source(%arg20 : memref<128xf32, #tpu.memory_space<vmem>>) target(%dma_start3A_283 : memref<10240xf32, #tpu.memory_space<vmem_shared>>) offsets(%arg12 : memref<128xi32, #tpu.memory_space<vmem>>) semaphore(%arg32 : memref<!tpu.dma_semaphore, #tpu.memory_space<semaphore_mem>>) {add = true}
    %dma_wait3A_284 = arith.constant 0 : i32
    %dma_wait3A_285 = arith.constant 0 : i32
    %dma_wait3A_286 = tpu.memref_slice %arg7[%dma_wait3A_284, %dma_wait3A_285] : memref<10240x128xf32, #tpu.memory_space<vmem_shared>> -> memref<10240x128xf32, #tpu.memory_space<vmem_shared>>
    tpu.wait_indirect_dma semaphore(%arg32 : memref<!tpu.dma_semaphore, #tpu.memory_space<semaphore_mem>>) src(%arg16 : memref<128x128xf32, #tpu.memory_space<vmem>>) dst(%dma_wait3A_286 : memref<10240x128xf32, #tpu.memory_space<vmem_shared>>)
    %dma_wait3A_287 = arith.constant 0 : i32
    %dma_wait3A_288 = tpu.memref_slice %arg8[%dma_wait3A_287] : memref<10240xf32, #tpu.memory_space<vmem_shared>> -> memref<10240xf32, #tpu.memory_space<vmem_shared>>
    tpu.wait_indirect_dma semaphore(%arg32 : memref<!tpu.dma_semaphore, #tpu.memory_space<semaphore_mem>>) src(%arg20 : memref<128xf32, #tpu.memory_space<vmem>>) dst(%dma_wait3A_288 : memref<10240xf32, #tpu.memory_space<vmem_shared>>)
    %dma_wait3A_289 = arith.constant 0 : i32
    %dma_wait3A_290 = arith.constant 0 : i32
    %dma_wait3A_291 = tpu.memref_slice %arg2[%dma_wait3A_289, %dma_wait3A_290] : memref<10000x128xf32, #tpu.memory_space<hbm>> -> memref<10000x128xf32, #tpu.memory_space<hbm>>
    tpu.wait_indirect_dma semaphore(%arg35 : memref<!tpu.dma_semaphore, #tpu.memory_space<semaphore_mem>>) src(%dma_wait3A_291 : memref<10000x128xf32, #tpu.memory_space<hbm>>) dst(%arg19 : memref<16x128xf32, #tpu.memory_space<vmem>>)
    "tpu.region"() ({
      %run_scoped3A_293 = tpu.sem_alloc : memref<!tpu.dma_semaphore, #tpu.memory_space<semaphore_mem>>
      %dma_start3A_294 = arith.constant 0 : i32
      %dma_start3A_295 = arith.constant 0 : i32
      %dma_start3A_296 = tpu.memref_slice %arg7[%dma_start3A_294, %dma_start3A_295] : memref<10240x128xf32, #tpu.memory_space<vmem_shared>> -> memref<10240x128xf32, #tpu.memory_space<vmem_shared>>
      tpu.enqueue_indirect_dma source(%arg19 : memref<16x128xf32, #tpu.memory_space<vmem>>) target(%dma_start3A_296 : memref<10240x128xf32, #tpu.memory_space<vmem_shared>>) offsets(%arg18 : memref<16xi32, #tpu.memory_space<vmem>>) semaphore(%run_scoped3A_293 : memref<!tpu.dma_semaphore, #tpu.memory_space<semaphore_mem>>) {add = true}
      %dma_wait3A_297 = arith.constant 0 : i32
      %dma_wait3A_298 = arith.constant 0 : i32
      %dma_wait3A_299 = tpu.memref_slice %arg7[%dma_wait3A_297, %dma_wait3A_298] : memref<10240x128xf32, #tpu.memory_space<vmem_shared>> -> memref<10240x128xf32, #tpu.memory_space<vmem_shared>>
      tpu.wait_indirect_dma semaphore(%run_scoped3A_293 : memref<!tpu.dma_semaphore, #tpu.memory_space<semaphore_mem>>) src(%arg19 : memref<16x128xf32, #tpu.memory_space<vmem>>) dst(%dma_wait3A_299 : memref<10240x128xf32, #tpu.memory_space<vmem_shared>>)
      tpu.yield
    }) : () -> ()
    "tpu.region"() ({
      %run_scoped3A_293 = tpu.sem_alloc : memref<!tpu.dma_semaphore, #tpu.memory_space<semaphore_mem>>
      %dma_start3A_294 = arith.constant 0 : i32
      %dma_start3A_295 = tpu.memref_slice %arg8[%dma_start3A_294] : memref<10240xf32, #tpu.memory_space<vmem_shared>> -> memref<10240xf32, #tpu.memory_space<vmem_shared>>
      tpu.enqueue_indirect_dma source(%arg21 : memref<16xf32, #tpu.memory_space<vmem>>) target(%dma_start3A_295 : memref<10240xf32, #tpu.memory_space<vmem_shared>>) offsets(%arg18 : memref<16xi32, #tpu.memory_space<vmem>>) semaphore(%run_scoped3A_293 : memref<!tpu.dma_semaphore, #tpu.memory_space<semaphore_mem>>) {add = true}
      %dma_wait3A_296 = arith.constant 0 : i32
      %dma_wait3A_297 = tpu.memref_slice %arg8[%dma_wait3A_296] : memref<10240xf32, #tpu.memory_space<vmem_shared>> -> memref<10240xf32, #tpu.memory_space<vmem_shared>>
      tpu.wait_indirect_dma semaphore(%run_scoped3A_293 : memref<!tpu.dma_semaphore, #tpu.memory_space<semaphore_mem>>) src(%arg21 : memref<16xf32, #tpu.memory_space<vmem>>) dst(%dma_wait3A_297 : memref<10240xf32, #tpu.memory_space<vmem_shared>>)
      tpu.yield
    }) : () -> ()
    %barrier3A_292 = arith.constant 0 : index
    tpu.barrier barrier_id(%barrier3A_292)
    "tpu.region"() ({
      %run_scoped3A_293 = tpu.sem_alloc : memref<!tpu.dma_semaphore, #tpu.memory_space<semaphore_mem>>
      %dma_start3A_294 = arith.constant 0 : i32
      %dma_start3A_295 = tpu.memref_slice %arg5[%arg0, %mul3A_46, %dma_start3A_294] : memref<2x10240x128xf32, #tpu.memory_space<hbm>> -> memref<1x640x128xf32, #tpu.memory_space<hbm>>
      %dma_start3A_296 = tpu.memref_squeeze %dma_start3A_295 : memref<1x640x128xf32, #tpu.memory_space<hbm>> -> memref<640x128xf32, #tpu.memory_space<hbm>>
      %dma_start3A_297 = arith.constant 0 : i32
      %dma_start3A_298 = tpu.memref_slice %arg7[%mul3A_46, %dma_start3A_297] : memref<10240x128xf32, #tpu.memory_space<vmem_shared>> -> memref<640x128xf32, #tpu.memory_space<vmem_shared>>
      tpu.enqueue_dma source(%dma_start3A_298 : memref<640x128xf32, #tpu.memory_space<vmem_shared>>) target(%dma_start3A_296 : memref<640x128xf32, #tpu.memory_space<hbm>>) target_semaphore(%run_scoped3A_293 : memref<!tpu.dma_semaphore, #tpu.memory_space<semaphore_mem>>)
      %dma_wait3A_299 = arith.constant 0 : i32
      %dma_wait3A_300 = tpu.memref_slice %arg5[%arg0, %mul3A_46, %dma_wait3A_299] : memref<2x10240x128xf32, #tpu.memory_space<hbm>> -> memref<1x640x128xf32, #tpu.memory_space<hbm>>
      %dma_wait3A_301 = tpu.memref_squeeze %dma_wait3A_300 : memref<1x640x128xf32, #tpu.memory_space<hbm>> -> memref<640x128xf32, #tpu.memory_space<hbm>>
      %dma_wait3A_302 = arith.constant 0 : i32
      %dma_wait3A_303 = tpu.memref_slice %arg7[%mul3A_46, %dma_wait3A_302] : memref<10240x128xf32, #tpu.memory_space<vmem_shared>> -> memref<640x128xf32, #tpu.memory_space<vmem_shared>>
      tpu.wait_dma2 semaphore(%run_scoped3A_293 : memref<!tpu.dma_semaphore, #tpu.memory_space<semaphore_mem>>) src(%dma_wait3A_303 : memref<640x128xf32, #tpu.memory_space<vmem_shared>>) dst(%dma_wait3A_301 : memref<640x128xf32, #tpu.memory_space<hbm>>)
      tpu.yield
    }) : () -> ()
    %run_scoped3A = arith.constant 0 : i32
    "tpu.region"() ({
      %run_scoped3A_293 = tpu.sem_alloc : memref<!tpu.dma_semaphore, #tpu.memory_space<semaphore_mem>>
      %dma_start3A_294 = tpu.memref_slice %arg6[%arg0, %run_scoped3A, %mul3A_46] : memref<2x8x10240xf32, #tpu.memory_space<hbm>> -> memref<1x1x640xf32, #tpu.memory_space<hbm>>
      %dma_start3A_295 = tpu.memref_squeeze %dma_start3A_294 : memref<1x1x640xf32, #tpu.memory_space<hbm>> -> memref<640xf32, #tpu.memory_space<hbm>>
      %dma_start3A_296 = tpu.memref_slice %arg8[%mul3A_46] : memref<10240xf32, #tpu.memory_space<vmem_shared>> -> memref<640xf32, #tpu.memory_space<vmem_shared>>
      tpu.enqueue_dma source(%dma_start3A_296 : memref<640xf32, #tpu.memory_space<vmem_shared>>) target(%dma_start3A_295 : memref<640xf32, #tpu.memory_space<hbm>>) target_semaphore(%run_scoped3A_293 : memref<!tpu.dma_semaphore, #tpu.memory_space<semaphore_mem>>)
      %dma_wait3A_297 = tpu.memref_slice %arg6[%arg0, %run_scoped3A, %mul3A_46] : memref<2x8x10240xf32, #tpu.memory_space<hbm>> -> memref<1x1x640xf32, #tpu.memory_space<hbm>>
      %dma_wait3A_298 = tpu.memref_squeeze %dma_wait3A_297 : memref<1x1x640xf32, #tpu.memory_space<hbm>> -> memref<640xf32, #tpu.memory_space<hbm>>
      %dma_wait3A_299 = tpu.memref_slice %arg8[%mul3A_46] : memref<10240xf32, #tpu.memory_space<vmem_shared>> -> memref<640xf32, #tpu.memory_space<vmem_shared>>
      tpu.wait_dma2 semaphore(%run_scoped3A_293 : memref<!tpu.dma_semaphore, #tpu.memory_space<semaphore_mem>>) src(%dma_wait3A_299 : memref<640xf32, #tpu.memory_space<vmem_shared>>) dst(%dma_wait3A_298 : memref<640xf32, #tpu.memory_space<hbm>>)
      tpu.yield
    }) : () -> ()
    return
  }
}

#map = affine_map<(d0, d1) -> (0, 0)>
#map1 = affine_map<(d0, d1) -> (0)>
#map2 = affine_map<(d0, d1) -> (0, 0, 0)>
module attributes {stable_mosaic.version = 14 : i64} {
  func.func @_sc_agg_body(%arg0: i32, %arg1: i32, %arg2: memref<10000x128xf32, #tpu.memory_space<hbm>>, %arg3: memref<320000xi32, #tpu.memory_space<hbm>>, %arg4: memref<320000xi32, #tpu.memory_space<hbm>>, %arg5: memref<2x10240x128xf32, #tpu.memory_space<hbm>>, %arg6: memref<10240x128xf32, #tpu.memory_space<vmem_shared>>, %arg7: memref<128xi32, #tpu.memory_space<vmem>>, %arg8: memref<128xi32, #tpu.memory_space<vmem>>, %arg9: memref<128xi32, #tpu.memory_space<vmem>>, %arg10: memref<128xi32, #tpu.memory_space<vmem>>, %arg11: memref<128xi32, #tpu.memory_space<vmem>>, %arg12: memref<128xi32, #tpu.memory_space<vmem>>, %arg13: memref<128x128xf32, #tpu.memory_space<vmem>>, %arg14: memref<128x128xf32, #tpu.memory_space<vmem>>, %arg15: memref<16xi32, #tpu.memory_space<vmem>>, %arg16: memref<16xi32, #tpu.memory_space<vmem>>, %arg17: memref<16x128xf32, #tpu.memory_space<vmem>>, %arg18: memref<!tpu.dma_semaphore, #tpu.memory_space<semaphore_mem>>, %arg19: memref<!tpu.dma_semaphore, #tpu.memory_space<semaphore_mem>>, %arg20: memref<!tpu.dma_semaphore, #tpu.memory_space<semaphore_mem>>, %arg21: memref<!tpu.dma_semaphore, #tpu.memory_space<semaphore_mem>>, %arg22: memref<!tpu.dma_semaphore, #tpu.memory_space<semaphore_mem>>, %arg23: memref<!tpu.dma_semaphore, #tpu.memory_space<semaphore_mem>>, %arg24: memref<!tpu.dma_semaphore, #tpu.memory_space<semaphore_mem>>, %arg25: memref<!tpu.dma_semaphore, #tpu.memory_space<semaphore_mem>>, %arg26: memref<!tpu.dma_semaphore, #tpu.memory_space<semaphore_mem>>, %arg27: memref<!tpu.dma_semaphore, #tpu.memory_space<semaphore_mem>>, %arg28: memref<!tpu.dma_semaphore, #tpu.memory_space<semaphore_mem>>, %arg29: memref<!tpu.dma_semaphore, #tpu.memory_space<semaphore_mem>>, %arg30: memref<!tpu.dma_semaphore, #tpu.memory_space<semaphore_mem>>, %arg31: memref<!tpu.dma_semaphore, #tpu.memory_space<semaphore_mem>>) attributes {dimension_semantics = [#tpu.dimension_semantics<core_parallel>, #tpu.dimension_semantics<subcore_parallel>], iteration_bounds = array<i64: 2, 16>, scalar_prefetch = 0 : i64, scratch_operands = 26 : i64, tpu.core_type = #tpu.core_type<sc_vector_subcore>, window_params = [{transform_indices = #map}, {transform_indices = #map1}, {transform_indices = #map1}, {transform_indices = #map2}]} {
    %mul3A = arith.constant 2 : i32
    %mul3A_0 = arith.muli %arg1, %mul3A : i32
    %add3A = arith.addi %mul3A_0, %arg0 : i32
    %mul3A_1 = arith.constant 10000 : i32
    %mul3A_2 = arith.muli %add3A, %mul3A_1 : i32
    %add3A_3 = arith.constant 9984 : i32
    %add3A_4 = arith.addi %mul3A_2, %add3A_3 : i32
    %dma_start3A = tpu.memref_slice %arg3[%add3A_4] : memref<320000xi32, #tpu.memory_space<hbm>> -> memref<16xi32, #tpu.memory_space<hbm>>
    %dma_start3A_5 = tpu.memref_slice %arg3[%add3A_4] : memref<320000xi32, #tpu.memory_space<hbm>> -> memref<16xi32, #tpu.memory_space<hbm>>
    tpu.enqueue_dma source(%dma_start3A_5 : memref<16xi32, #tpu.memory_space<hbm>>) target(%arg15 : memref<16xi32, #tpu.memory_space<vmem>>) target_semaphore(%arg30 : memref<!tpu.dma_semaphore, #tpu.memory_space<semaphore_mem>>)
    %dma_start3A_6 = tpu.memref_slice %arg4[%add3A_4] : memref<320000xi32, #tpu.memory_space<hbm>> -> memref<16xi32, #tpu.memory_space<hbm>>
    %dma_start3A_7 = tpu.memref_slice %arg4[%add3A_4] : memref<320000xi32, #tpu.memory_space<hbm>> -> memref<16xi32, #tpu.memory_space<hbm>>
    tpu.enqueue_dma source(%dma_start3A_7 : memref<16xi32, #tpu.memory_space<hbm>>) target(%arg16 : memref<16xi32, #tpu.memory_space<vmem>>) target_semaphore(%arg30 : memref<!tpu.dma_semaphore, #tpu.memory_space<semaphore_mem>>)
    %add3A_8 = arith.constant 0 : i32
    %add3A_9 = arith.addi %mul3A_2, %add3A_8 : i32
    %dma_start3A_10 = tpu.memref_slice %arg3[%add3A_9] : memref<320000xi32, #tpu.memory_space<hbm>> -> memref<128xi32, #tpu.memory_space<hbm>>
    %dma_start3A_11 = tpu.memref_slice %arg3[%add3A_9] : memref<320000xi32, #tpu.memory_space<hbm>> -> memref<128xi32, #tpu.memory_space<hbm>>
    tpu.enqueue_dma source(%dma_start3A_11 : memref<128xi32, #tpu.memory_space<hbm>>) target(%arg7 : memref<128xi32, #tpu.memory_space<vmem>>) target_semaphore(%arg20 : memref<!tpu.dma_semaphore, #tpu.memory_space<semaphore_mem>>)
    %add3A_12 = arith.constant 0 : i32
    %add3A_13 = arith.addi %mul3A_2, %add3A_12 : i32
    %dma_start3A_14 = tpu.memref_slice %arg4[%add3A_13] : memref<320000xi32, #tpu.memory_space<hbm>> -> memref<128xi32, #tpu.memory_space<hbm>>
    %dma_start3A_15 = tpu.memref_slice %arg4[%add3A_13] : memref<320000xi32, #tpu.memory_space<hbm>> -> memref<128xi32, #tpu.memory_space<hbm>>
    tpu.enqueue_dma source(%dma_start3A_15 : memref<128xi32, #tpu.memory_space<hbm>>) target(%arg9 : memref<128xi32, #tpu.memory_space<vmem>>) target_semaphore(%arg22 : memref<!tpu.dma_semaphore, #tpu.memory_space<semaphore_mem>>)
    %add3A_16 = arith.constant 128 : i32
    %add3A_17 = arith.addi %mul3A_2, %add3A_16 : i32
    %dma_start3A_18 = tpu.memref_slice %arg3[%add3A_17] : memref<320000xi32, #tpu.memory_space<hbm>> -> memref<128xi32, #tpu.memory_space<hbm>>
    %dma_start3A_19 = tpu.memref_slice %arg3[%add3A_17] : memref<320000xi32, #tpu.memory_space<hbm>> -> memref<128xi32, #tpu.memory_space<hbm>>
    tpu.enqueue_dma source(%dma_start3A_19 : memref<128xi32, #tpu.memory_space<hbm>>) target(%arg8 : memref<128xi32, #tpu.memory_space<vmem>>) target_semaphore(%arg21 : memref<!tpu.dma_semaphore, #tpu.memory_space<semaphore_mem>>)
    %add3A_20 = arith.constant 128 : i32
    %add3A_21 = arith.addi %mul3A_2, %add3A_20 : i32
    %dma_start3A_22 = tpu.memref_slice %arg4[%add3A_21] : memref<320000xi32, #tpu.memory_space<hbm>> -> memref<128xi32, #tpu.memory_space<hbm>>
    %dma_start3A_23 = tpu.memref_slice %arg4[%add3A_21] : memref<320000xi32, #tpu.memory_space<hbm>> -> memref<128xi32, #tpu.memory_space<hbm>>
    tpu.enqueue_dma source(%dma_start3A_23 : memref<128xi32, #tpu.memory_space<hbm>>) target(%arg10 : memref<128xi32, #tpu.memory_space<vmem>>) target_semaphore(%arg23 : memref<!tpu.dma_semaphore, #tpu.memory_space<semaphore_mem>>)
    %scan3A = arith.constant 0 : i32
    %scan3A_24 = arith.constant 0 : i32
    %scan3A_25 = arith.constant 128 : i32
    %scan3A_26 = arith.addi %scan3A_24, %scan3A_25 : i32
    %scan3A_27 = arith.constant 1 : i32
    scf.for %scan3A_249 = %scan3A_24 to %scan3A_26 step %scan3A_27  : i32 {
      %broadcast_in_dim3A = arith.constant 0.000000e+00 : f32
      %broadcast_in_dim3A_250 = vector.broadcast %broadcast_in_dim3A : f32 to vector<16xf32>
      %swap3A = arith.index_cast %scan3A_249 : i32 to index
      %swap3A_251 = arith.constant 0 : index
      %swap3A_252 = tpu.vector_load %arg14[%swap3A, %swap3A_251] {strides = array<i32>} : memref<128x128xf32, #tpu.memory_space<vmem>>, vector<1x16xf32>,
      %swap3A_253 = vector.shape_cast %swap3A_252 : vector<1x16xf32> to vector<16xf32>
      %swap3A_254 = vector.shape_cast %broadcast_in_dim3A_250 : vector<16xf32> to vector<1x16xf32>
      tpu.vector_store %arg14[%swap3A, %swap3A_251], %swap3A_254 {strides = array<i32>} : memref<128x128xf32, #tpu.memory_space<vmem>>, vector<1x16xf32>,
      %broadcast_in_dim3A_255 = arith.constant 0.000000e+00 : f32
      %broadcast_in_dim3A_256 = vector.broadcast %broadcast_in_dim3A_255 : f32 to vector<16xf32>
      %swap3A_257 = arith.index_cast %scan3A_249 : i32 to index
      %swap3A_258 = arith.constant 16 : index
      %swap3A_259 = tpu.vector_load %arg14[%swap3A_257, %swap3A_258] {strides = array<i32>} : memref<128x128xf32, #tpu.memory_space<vmem>>, vector<1x16xf32>,
      %swap3A_260 = vector.shape_cast %swap3A_259 : vector<1x16xf32> to vector<16xf32>
      %swap3A_261 = vector.shape_cast %broadcast_in_dim3A_256 : vector<16xf32> to vector<1x16xf32>
      tpu.vector_store %arg14[%swap3A_257, %swap3A_258], %swap3A_261 {strides = array<i32>} : memref<128x128xf32, #tpu.memory_space<vmem>>, vector<1x16xf32>,
      %broadcast_in_dim3A_262 = arith.constant 0.000000e+00 : f32
      %broadcast_in_dim3A_263 = vector.broadcast %broadcast_in_dim3A_262 : f32 to vector<16xf32>
      %swap3A_264 = arith.index_cast %scan3A_249 : i32 to index
      %swap3A_265 = arith.constant 32 : index
      %swap3A_266 = tpu.vector_load %arg14[%swap3A_264, %swap3A_265] {strides = array<i32>} : memref<128x128xf32, #tpu.memory_space<vmem>>, vector<1x16xf32>,
      %swap3A_267 = vector.shape_cast %swap3A_266 : vector<1x16xf32> to vector<16xf32>
      %swap3A_268 = vector.shape_cast %broadcast_in_dim3A_263 : vector<16xf32> to vector<1x16xf32>
      tpu.vector_store %arg14[%swap3A_264, %swap3A_265], %swap3A_268 {strides = array<i32>} : memref<128x128xf32, #tpu.memory_space<vmem>>, vector<1x16xf32>,
      %broadcast_in_dim3A_269 = arith.constant 0.000000e+00 : f32
      %broadcast_in_dim3A_270 = vector.broadcast %broadcast_in_dim3A_269 : f32 to vector<16xf32>
      %swap3A_271 = arith.index_cast %scan3A_249 : i32 to index
      %swap3A_272 = arith.constant 48 : index
      %swap3A_273 = tpu.vector_load %arg14[%swap3A_271, %swap3A_272] {strides = array<i32>} : memref<128x128xf32, #tpu.memory_space<vmem>>, vector<1x16xf32>,
      %swap3A_274 = vector.shape_cast %swap3A_273 : vector<1x16xf32> to vector<16xf32>
      %swap3A_275 = vector.shape_cast %broadcast_in_dim3A_270 : vector<16xf32> to vector<1x16xf32>
      tpu.vector_store %arg14[%swap3A_271, %swap3A_272], %swap3A_275 {strides = array<i32>} : memref<128x128xf32, #tpu.memory_space<vmem>>, vector<1x16xf32>,
      %broadcast_in_dim3A_276 = arith.constant 0.000000e+00 : f32
      %broadcast_in_dim3A_277 = vector.broadcast %broadcast_in_dim3A_276 : f32 to vector<16xf32>
      %swap3A_278 = arith.index_cast %scan3A_249 : i32 to index
      %swap3A_279 = arith.constant 64 : index
      %swap3A_280 = tpu.vector_load %arg14[%swap3A_278, %swap3A_279] {strides = array<i32>} : memref<128x128xf32, #tpu.memory_space<vmem>>, vector<1x16xf32>,
      %swap3A_281 = vector.shape_cast %swap3A_280 : vector<1x16xf32> to vector<16xf32>
      %swap3A_282 = vector.shape_cast %broadcast_in_dim3A_277 : vector<16xf32> to vector<1x16xf32>
      tpu.vector_store %arg14[%swap3A_278, %swap3A_279], %swap3A_282 {strides = array<i32>} : memref<128x128xf32, #tpu.memory_space<vmem>>, vector<1x16xf32>,
      %broadcast_in_dim3A_283 = arith.constant 0.000000e+00 : f32
      %broadcast_in_dim3A_284 = vector.broadcast %broadcast_in_dim3A_283 : f32 to vector<16xf32>
      %swap3A_285 = arith.index_cast %scan3A_249 : i32 to index
      %swap3A_286 = arith.constant 80 : index
      %swap3A_287 = tpu.vector_load %arg14[%swap3A_285, %swap3A_286] {strides = array<i32>} : memref<128x128xf32, #tpu.memory_space<vmem>>, vector<1x16xf32>,
      %swap3A_288 = vector.shape_cast %swap3A_287 : vector<1x16xf32> to vector<16xf32>
      %swap3A_289 = vector.shape_cast %broadcast_in_dim3A_284 : vector<16xf32> to vector<1x16xf32>
      tpu.vector_store %arg14[%swap3A_285, %swap3A_286], %swap3A_289 {strides = array<i32>} : memref<128x128xf32, #tpu.memory_space<vmem>>, vector<1x16xf32>,
      %broadcast_in_dim3A_290 = arith.constant 0.000000e+00 : f32
      %broadcast_in_dim3A_291 = vector.broadcast %broadcast_in_dim3A_290 : f32 to vector<16xf32>
      %swap3A_292 = arith.index_cast %scan3A_249 : i32 to index
      %swap3A_293 = arith.constant 96 : index
      %swap3A_294 = tpu.vector_load %arg14[%swap3A_292, %swap3A_293] {strides = array<i32>} : memref<128x128xf32, #tpu.memory_space<vmem>>, vector<1x16xf32>,
      %swap3A_295 = vector.shape_cast %swap3A_294 : vector<1x16xf32> to vector<16xf32>
      %swap3A_296 = vector.shape_cast %broadcast_in_dim3A_291 : vector<16xf32> to vector<1x16xf32>
      tpu.vector_store %arg14[%swap3A_292, %swap3A_293], %swap3A_296 {strides = array<i32>} : memref<128x128xf32, #tpu.memory_space<vmem>>, vector<1x16xf32>,
      %broadcast_in_dim3A_297 = arith.constant 0.000000e+00 : f32
      %broadcast_in_dim3A_298 = vector.broadcast %broadcast_in_dim3A_297 : f32 to vector<16xf32>
      %swap3A_299 = arith.index_cast %scan3A_249 : i32 to index
      %swap3A_300 = arith.constant 112 : index
      %swap3A_301 = tpu.vector_load %arg14[%swap3A_299, %swap3A_300] {strides = array<i32>} : memref<128x128xf32, #tpu.memory_space<vmem>>, vector<1x16xf32>,
      %swap3A_302 = vector.shape_cast %swap3A_301 : vector<1x16xf32> to vector<16xf32>
      %swap3A_303 = vector.shape_cast %broadcast_in_dim3A_298 : vector<16xf32> to vector<1x16xf32>
      tpu.vector_store %arg14[%swap3A_299, %swap3A_300], %swap3A_303 {strides = array<i32>} : memref<128x128xf32, #tpu.memory_space<vmem>>, vector<1x16xf32>,
    }
    %scan3A_28 = arith.constant 128 : i32
    %mul3A_29 = arith.constant 640 : i32
    %mul3A_30 = arith.muli %arg1, %mul3A_29 : i32
    %add3A_31 = arith.constant 0 : i32
    %add3A_32 = arith.addi %mul3A_30, %add3A_31 : i32
    %dma_start3A_33 = arith.constant 0 : i32
    %dma_start3A_34 = tpu.memref_slice %arg6[%add3A_32, %dma_start3A_33] : memref<10240x128xf32, #tpu.memory_space<vmem_shared>> -> memref<128x128xf32, #tpu.memory_space<vmem_shared>>
    %dma_start3A_35 = arith.constant 0 : i32
    %dma_start3A_36 = tpu.memref_slice %arg6[%add3A_32, %dma_start3A_35] : memref<10240x128xf32, #tpu.memory_space<vmem_shared>> -> memref<128x128xf32, #tpu.memory_space<vmem_shared>>
    tpu.enqueue_dma source(%arg14 : memref<128x128xf32, #tpu.memory_space<vmem>>) target(%dma_start3A_36 : memref<128x128xf32, #tpu.memory_space<vmem_shared>>) target_semaphore(%arg31 : memref<!tpu.dma_semaphore, #tpu.memory_space<semaphore_mem>>)
    %add3A_37 = arith.constant 128 : i32
    %add3A_38 = arith.addi %mul3A_30, %add3A_37 : i32
    %dma_start3A_39 = arith.constant 0 : i32
    %dma_start3A_40 = tpu.memref_slice %arg6[%add3A_38, %dma_start3A_39] : memref<10240x128xf32, #tpu.memory_space<vmem_shared>> -> memref<128x128xf32, #tpu.memory_space<vmem_shared>>
    %dma_start3A_41 = arith.constant 0 : i32
    %dma_start3A_42 = tpu.memref_slice %arg6[%add3A_38, %dma_start3A_41] : memref<10240x128xf32, #tpu.memory_space<vmem_shared>> -> memref<128x128xf32, #tpu.memory_space<vmem_shared>>
    tpu.enqueue_dma source(%arg14 : memref<128x128xf32, #tpu.memory_space<vmem>>) target(%dma_start3A_42 : memref<128x128xf32, #tpu.memory_space<vmem_shared>>) target_semaphore(%arg31 : memref<!tpu.dma_semaphore, #tpu.memory_space<semaphore_mem>>)
    %add3A_43 = arith.constant 256 : i32
    %add3A_44 = arith.addi %mul3A_30, %add3A_43 : i32
    %dma_start3A_45 = arith.constant 0 : i32
    %dma_start3A_46 = tpu.memref_slice %arg6[%add3A_44, %dma_start3A_45] : memref<10240x128xf32, #tpu.memory_space<vmem_shared>> -> memref<128x128xf32, #tpu.memory_space<vmem_shared>>
    %dma_start3A_47 = arith.constant 0 : i32
    %dma_start3A_48 = tpu.memref_slice %arg6[%add3A_44, %dma_start3A_47] : memref<10240x128xf32, #tpu.memory_space<vmem_shared>> -> memref<128x128xf32, #tpu.memory_space<vmem_shared>>
    tpu.enqueue_dma source(%arg14 : memref<128x128xf32, #tpu.memory_space<vmem>>) target(%dma_start3A_48 : memref<128x128xf32, #tpu.memory_space<vmem_shared>>) target_semaphore(%arg31 : memref<!tpu.dma_semaphore, #tpu.memory_space<semaphore_mem>>)
    %add3A_49 = arith.constant 384 : i32
    %add3A_50 = arith.addi %mul3A_30, %add3A_49 : i32
    %dma_start3A_51 = arith.constant 0 : i32
    %dma_start3A_52 = tpu.memref_slice %arg6[%add3A_50, %dma_start3A_51] : memref<10240x128xf32, #tpu.memory_space<vmem_shared>> -> memref<128x128xf32, #tpu.memory_space<vmem_shared>>
    %dma_start3A_53 = arith.constant 0 : i32
    %dma_start3A_54 = tpu.memref_slice %arg6[%add3A_50, %dma_start3A_53] : memref<10240x128xf32, #tpu.memory_space<vmem_shared>> -> memref<128x128xf32, #tpu.memory_space<vmem_shared>>
    tpu.enqueue_dma source(%arg14 : memref<128x128xf32, #tpu.memory_space<vmem>>) target(%dma_start3A_54 : memref<128x128xf32, #tpu.memory_space<vmem_shared>>) target_semaphore(%arg31 : memref<!tpu.dma_semaphore, #tpu.memory_space<semaphore_mem>>)
    %add3A_55 = arith.constant 512 : i32
    %add3A_56 = arith.addi %mul3A_30, %add3A_55 : i32
    %dma_start3A_57 = arith.constant 0 : i32
    %dma_start3A_58 = tpu.memref_slice %arg6[%add3A_56, %dma_start3A_57] : memref<10240x128xf32, #tpu.memory_space<vmem_shared>> -> memref<128x128xf32, #tpu.memory_space<vmem_shared>>
    %dma_start3A_59 = arith.constant 0 : i32
    %dma_start3A_60 = tpu.memref_slice %arg6[%add3A_56, %dma_start3A_59] : memref<10240x128xf32, #tpu.memory_space<vmem_shared>> -> memref<128x128xf32, #tpu.memory_space<vmem_shared>>
    tpu.enqueue_dma source(%arg14 : memref<128x128xf32, #tpu.memory_space<vmem>>) target(%dma_start3A_60 : memref<128x128xf32, #tpu.memory_space<vmem_shared>>) target_semaphore(%arg31 : memref<!tpu.dma_semaphore, #tpu.memory_space<semaphore_mem>>)
    %add3A_61 = arith.constant 0 : i32
    %add3A_62 = arith.addi %mul3A_2, %add3A_61 : i32
    %dma_wait3A = tpu.memref_slice %arg3[%add3A_62] : memref<320000xi32, #tpu.memory_space<hbm>> -> memref<128xi32, #tpu.memory_space<hbm>>
    %dma_wait3A_63 = tpu.memref_slice %arg3[%add3A_62] : memref<320000xi32, #tpu.memory_space<hbm>> -> memref<128xi32, #tpu.memory_space<hbm>>
    tpu.wait_dma2 semaphore(%arg20 : memref<!tpu.dma_semaphore, #tpu.memory_space<semaphore_mem>>) src(%dma_wait3A_63 : memref<128xi32, #tpu.memory_space<hbm>>) dst(%arg7 : memref<128xi32, #tpu.memory_space<vmem>>)
    %add3A_64 = arith.constant 0 : i32
    %add3A_65 = arith.addi %mul3A_2, %add3A_64 : i32
    %dma_wait3A_66 = tpu.memref_slice %arg4[%add3A_65] : memref<320000xi32, #tpu.memory_space<hbm>> -> memref<128xi32, #tpu.memory_space<hbm>>
    %dma_wait3A_67 = tpu.memref_slice %arg4[%add3A_65] : memref<320000xi32, #tpu.memory_space<hbm>> -> memref<128xi32, #tpu.memory_space<hbm>>
    tpu.wait_dma2 semaphore(%arg22 : memref<!tpu.dma_semaphore, #tpu.memory_space<semaphore_mem>>) src(%dma_wait3A_67 : memref<128xi32, #tpu.memory_space<hbm>>) dst(%arg9 : memref<128xi32, #tpu.memory_space<vmem>>)
    %dma_start3A_68 = arith.constant 0 : i32
    %dma_start3A_69 = arith.constant 0 : i32
    %dma_start3A_70 = tpu.memref_slice %arg2[%dma_start3A_68, %dma_start3A_69] : memref<10000x128xf32, #tpu.memory_space<hbm>> -> memref<10000x128xf32, #tpu.memory_space<hbm>>
    tpu.enqueue_indirect_dma source(%dma_start3A_70 : memref<10000x128xf32, #tpu.memory_space<hbm>>) target(%arg13 : memref<128x128xf32, #tpu.memory_space<vmem>>) offsets(%arg7 : memref<128xi32, #tpu.memory_space<vmem>>) semaphore(%arg18 : memref<!tpu.dma_semaphore, #tpu.memory_space<semaphore_mem>>)
    %dma_wait3A_71 = tpu.memref_slice %arg3[%add3A_4] : memref<320000xi32, #tpu.memory_space<hbm>> -> memref<16xi32, #tpu.memory_space<hbm>>
    %dma_wait3A_72 = tpu.memref_slice %arg3[%add3A_4] : memref<320000xi32, #tpu.memory_space<hbm>> -> memref<16xi32, #tpu.memory_space<hbm>>
    tpu.wait_dma2 semaphore(%arg30 : memref<!tpu.dma_semaphore, #tpu.memory_space<semaphore_mem>>) src(%dma_wait3A_72 : memref<16xi32, #tpu.memory_space<hbm>>) dst(%arg15 : memref<16xi32, #tpu.memory_space<vmem>>)
    %dma_wait3A_73 = tpu.memref_slice %arg4[%add3A_4] : memref<320000xi32, #tpu.memory_space<hbm>> -> memref<16xi32, #tpu.memory_space<hbm>>
    %dma_wait3A_74 = tpu.memref_slice %arg4[%add3A_4] : memref<320000xi32, #tpu.memory_space<hbm>> -> memref<16xi32, #tpu.memory_space<hbm>>
    tpu.wait_dma2 semaphore(%arg30 : memref<!tpu.dma_semaphore, #tpu.memory_space<semaphore_mem>>) src(%dma_wait3A_74 : memref<16xi32, #tpu.memory_space<hbm>>) dst(%arg16 : memref<16xi32, #tpu.memory_space<vmem>>)
    %dma_start3A_75 = arith.constant 0 : i32
    %dma_start3A_76 = arith.constant 0 : i32
    %dma_start3A_77 = tpu.memref_slice %arg2[%dma_start3A_75, %dma_start3A_76] : memref<10000x128xf32, #tpu.memory_space<hbm>> -> memref<10000x128xf32, #tpu.memory_space<hbm>>
    tpu.enqueue_indirect_dma source(%dma_start3A_77 : memref<10000x128xf32, #tpu.memory_space<hbm>>) target(%arg17 : memref<16x128xf32, #tpu.memory_space<vmem>>) offsets(%arg15 : memref<16xi32, #tpu.memory_space<vmem>>) semaphore(%arg30 : memref<!tpu.dma_semaphore, #tpu.memory_space<semaphore_mem>>)
    %dma_wait3A_78 = arith.constant 0 : i32
    %dma_wait3A_79 = tpu.memref_slice %arg6[%add3A_32, %dma_wait3A_78] : memref<10240x128xf32, #tpu.memory_space<vmem_shared>> -> memref<128x128xf32, #tpu.memory_space<vmem_shared>>
    %dma_wait3A_80 = arith.constant 0 : i32
    %dma_wait3A_81 = tpu.memref_slice %arg6[%add3A_32, %dma_wait3A_80] : memref<10240x128xf32, #tpu.memory_space<vmem_shared>> -> memref<128x128xf32, #tpu.memory_space<vmem_shared>>
    tpu.wait_dma2 semaphore(%arg31 : memref<!tpu.dma_semaphore, #tpu.memory_space<semaphore_mem>>) src(%arg14 : memref<128x128xf32, #tpu.memory_space<vmem>>) dst(%dma_wait3A_81 : memref<128x128xf32, #tpu.memory_space<vmem_shared>>)
    %dma_wait3A_82 = arith.constant 0 : i32
    %dma_wait3A_83 = tpu.memref_slice %arg6[%add3A_38, %dma_wait3A_82] : memref<10240x128xf32, #tpu.memory_space<vmem_shared>> -> memref<128x128xf32, #tpu.memory_space<vmem_shared>>
    %dma_wait3A_84 = arith.constant 0 : i32
    %dma_wait3A_85 = tpu.memref_slice %arg6[%add3A_38, %dma_wait3A_84] : memref<10240x128xf32, #tpu.memory_space<vmem_shared>> -> memref<128x128xf32, #tpu.memory_space<vmem_shared>>
    tpu.wait_dma2 semaphore(%arg31 : memref<!tpu.dma_semaphore, #tpu.memory_space<semaphore_mem>>) src(%arg14 : memref<128x128xf32, #tpu.memory_space<vmem>>) dst(%dma_wait3A_85 : memref<128x128xf32, #tpu.memory_space<vmem_shared>>)
    %dma_wait3A_86 = arith.constant 0 : i32
    %dma_wait3A_87 = tpu.memref_slice %arg6[%add3A_44, %dma_wait3A_86] : memref<10240x128xf32, #tpu.memory_space<vmem_shared>> -> memref<128x128xf32, #tpu.memory_space<vmem_shared>>
    %dma_wait3A_88 = arith.constant 0 : i32
    %dma_wait3A_89 = tpu.memref_slice %arg6[%add3A_44, %dma_wait3A_88] : memref<10240x128xf32, #tpu.memory_space<vmem_shared>> -> memref<128x128xf32, #tpu.memory_space<vmem_shared>>
    tpu.wait_dma2 semaphore(%arg31 : memref<!tpu.dma_semaphore, #tpu.memory_space<semaphore_mem>>) src(%arg14 : memref<128x128xf32, #tpu.memory_space<vmem>>) dst(%dma_wait3A_89 : memref<128x128xf32, #tpu.memory_space<vmem_shared>>)
    %dma_wait3A_90 = arith.constant 0 : i32
    %dma_wait3A_91 = tpu.memref_slice %arg6[%add3A_50, %dma_wait3A_90] : memref<10240x128xf32, #tpu.memory_space<vmem_shared>> -> memref<128x128xf32, #tpu.memory_space<vmem_shared>>
    %dma_wait3A_92 = arith.constant 0 : i32
    %dma_wait3A_93 = tpu.memref_slice %arg6[%add3A_50, %dma_wait3A_92] : memref<10240x128xf32, #tpu.memory_space<vmem_shared>> -> memref<128x128xf32, #tpu.memory_space<vmem_shared>>
    tpu.wait_dma2 semaphore(%arg31 : memref<!tpu.dma_semaphore, #tpu.memory_space<semaphore_mem>>) src(%arg14 : memref<128x128xf32, #tpu.memory_space<vmem>>) dst(%dma_wait3A_93 : memref<128x128xf32, #tpu.memory_space<vmem_shared>>)
    %dma_wait3A_94 = arith.constant 0 : i32
    %dma_wait3A_95 = tpu.memref_slice %arg6[%add3A_56, %dma_wait3A_94] : memref<10240x128xf32, #tpu.memory_space<vmem_shared>> -> memref<128x128xf32, #tpu.memory_space<vmem_shared>>
    %dma_wait3A_96 = arith.constant 0 : i32
    %dma_wait3A_97 = tpu.memref_slice %arg6[%add3A_56, %dma_wait3A_96] : memref<10240x128xf32, #tpu.memory_space<vmem_shared>> -> memref<128x128xf32, #tpu.memory_space<vmem_shared>>
    tpu.wait_dma2 semaphore(%arg31 : memref<!tpu.dma_semaphore, #tpu.memory_space<semaphore_mem>>) src(%arg14 : memref<128x128xf32, #tpu.memory_space<vmem>>) dst(%dma_wait3A_97 : memref<128x128xf32, #tpu.memory_space<vmem_shared>>)
    %barrier3A = arith.constant 0 : index
    tpu.barrier barrier_id(%barrier3A)
    %add3A_98 = arith.constant 128 : i32
    %add3A_99 = arith.addi %mul3A_2, %add3A_98 : i32
    %dma_wait3A_100 = tpu.memref_slice %arg3[%add3A_99] : memref<320000xi32, #tpu.memory_space<hbm>> -> memref<128xi32, #tpu.memory_space<hbm>>
    %dma_wait3A_101 = tpu.memref_slice %arg3[%add3A_99] : memref<320000xi32, #tpu.memory_space<hbm>> -> memref<128xi32, #tpu.memory_space<hbm>>
    tpu.wait_dma2 semaphore(%arg21 : memref<!tpu.dma_semaphore, #tpu.memory_space<semaphore_mem>>) src(%dma_wait3A_101 : memref<128xi32, #tpu.memory_space<hbm>>) dst(%arg8 : memref<128xi32, #tpu.memory_space<vmem>>)
    %add3A_102 = arith.constant 128 : i32
    %add3A_103 = arith.addi %mul3A_2, %add3A_102 : i32
    %dma_wait3A_104 = tpu.memref_slice %arg4[%add3A_103] : memref<320000xi32, #tpu.memory_space<hbm>> -> memref<128xi32, #tpu.memory_space<hbm>>
    %dma_wait3A_105 = tpu.memref_slice %arg4[%add3A_103] : memref<320000xi32, #tpu.memory_space<hbm>> -> memref<128xi32, #tpu.memory_space<hbm>>
    tpu.wait_dma2 semaphore(%arg23 : memref<!tpu.dma_semaphore, #tpu.memory_space<semaphore_mem>>) src(%dma_wait3A_105 : memref<128xi32, #tpu.memory_space<hbm>>) dst(%arg10 : memref<128xi32, #tpu.memory_space<vmem>>)
    %dma_start3A_106 = arith.constant 0 : i32
    %dma_start3A_107 = arith.constant 0 : i32
    %dma_start3A_108 = tpu.memref_slice %arg2[%dma_start3A_106, %dma_start3A_107] : memref<10000x128xf32, #tpu.memory_space<hbm>> -> memref<10000x128xf32, #tpu.memory_space<hbm>>
    tpu.enqueue_indirect_dma source(%dma_start3A_108 : memref<10000x128xf32, #tpu.memory_space<hbm>>) target(%arg14 : memref<128x128xf32, #tpu.memory_space<vmem>>) offsets(%arg8 : memref<128xi32, #tpu.memory_space<vmem>>) semaphore(%arg19 : memref<!tpu.dma_semaphore, #tpu.memory_space<semaphore_mem>>)
    %dma_wait3A_109 = arith.constant 0 : i32
    %dma_wait3A_110 = arith.constant 0 : i32
    %dma_wait3A_111 = tpu.memref_slice %arg2[%dma_wait3A_109, %dma_wait3A_110] : memref<10000x128xf32, #tpu.memory_space<hbm>> -> memref<10000x128xf32, #tpu.memory_space<hbm>>
    tpu.wait_indirect_dma semaphore(%arg18 : memref<!tpu.dma_semaphore, #tpu.memory_space<semaphore_mem>>) src(%dma_wait3A_111 : memref<10000x128xf32, #tpu.memory_space<hbm>>) dst(%arg13 : memref<128x128xf32, #tpu.memory_space<vmem>>)
    %add3A_112 = arith.constant 256 : i32
    %add3A_113 = arith.addi %mul3A_2, %add3A_112 : i32
    %dma_start3A_114 = tpu.memref_slice %arg3[%add3A_113] : memref<320000xi32, #tpu.memory_space<hbm>> -> memref<128xi32, #tpu.memory_space<hbm>>
    %dma_start3A_115 = tpu.memref_slice %arg3[%add3A_113] : memref<320000xi32, #tpu.memory_space<hbm>> -> memref<128xi32, #tpu.memory_space<hbm>>
    tpu.enqueue_dma source(%dma_start3A_115 : memref<128xi32, #tpu.memory_space<hbm>>) target(%arg7 : memref<128xi32, #tpu.memory_space<vmem>>) target_semaphore(%arg20 : memref<!tpu.dma_semaphore, #tpu.memory_space<semaphore_mem>>)
    %dma_start3A_116 = arith.constant 0 : i32
    %dma_start3A_117 = arith.constant 0 : i32
    %dma_start3A_118 = tpu.memref_slice %arg6[%dma_start3A_116, %dma_start3A_117] : memref<10240x128xf32, #tpu.memory_space<vmem_shared>> -> memref<10240x128xf32, #tpu.memory_space<vmem_shared>>
    tpu.enqueue_indirect_dma source(%arg13 : memref<128x128xf32, #tpu.memory_space<vmem>>) target(%dma_start3A_118 : memref<10240x128xf32, #tpu.memory_space<vmem_shared>>) offsets(%arg9 : memref<128xi32, #tpu.memory_space<vmem>>) semaphore(%arg26 : memref<!tpu.dma_semaphore, #tpu.memory_space<semaphore_mem>>) {add = true}
    %add3A_119 = arith.constant 256 : i32
    %add3A_120 = arith.addi %mul3A_2, %add3A_119 : i32
    %dma_start3A_121 = tpu.memref_slice %arg4[%add3A_120] : memref<320000xi32, #tpu.memory_space<hbm>> -> memref<128xi32, #tpu.memory_space<hbm>>
    %dma_start3A_122 = tpu.memref_slice %arg4[%add3A_120] : memref<320000xi32, #tpu.memory_space<hbm>> -> memref<128xi32, #tpu.memory_space<hbm>>
    tpu.enqueue_dma source(%dma_start3A_122 : memref<128xi32, #tpu.memory_space<hbm>>) target(%arg11 : memref<128xi32, #tpu.memory_space<vmem>>) target_semaphore(%arg24 : memref<!tpu.dma_semaphore, #tpu.memory_space<semaphore_mem>>)
    %scan3A_123 = arith.constant 0 : i32
    %scan3A_124 = arith.constant 0 : i32
    %scan3A_125 = arith.constant 18 : i32
    %scan3A_126 = arith.addi %scan3A_124, %scan3A_125 : i32
    %scan3A_127 = arith.constant 1 : i32
    scf.for %scan3A_249 = %scan3A_124 to %scan3A_126 step %scan3A_127  : i32 {
      %mul3A_250 = arith.constant 4 : i32
      %mul3A_251 = arith.muli %mul3A_250, %scan3A_249 : i32
      %add3A_252 = arith.constant 1 : i32
      %add3A_253 = arith.addi %mul3A_251, %add3A_252 : i32
      %add3A_254 = arith.constant 0 : i32
      %add3A_255 = arith.addi %add3A_253, %add3A_254 : i32
      %dma_wait3A_256 = arith.constant 0 : i32
      %dma_wait3A_257 = arith.constant 0 : i32
      %dma_wait3A_258 = tpu.memref_slice %arg6[%dma_wait3A_256, %dma_wait3A_257] : memref<10240x128xf32, #tpu.memory_space<vmem_shared>> -> memref<10240x128xf32, #tpu.memory_space<vmem_shared>>
      tpu.wait_indirect_dma semaphore(%arg26 : memref<!tpu.dma_semaphore, #tpu.memory_space<semaphore_mem>>) src(%arg13 : memref<128x128xf32, #tpu.memory_space<vmem>>) dst(%dma_wait3A_258 : memref<10240x128xf32, #tpu.memory_space<vmem_shared>>)
      %add3A_259 = arith.constant 1 : i32
      %add3A_260 = arith.addi %add3A_255, %add3A_259 : i32
      %mul3A_261 = arith.constant 128 : i32
      %mul3A_262 = arith.muli %add3A_260, %mul3A_261 : i32
      %add3A_263 = arith.addi %mul3A_2, %mul3A_262 : i32
      %dma_wait3A_264 = tpu.memref_slice %arg3[%add3A_263] : memref<320000xi32, #tpu.memory_space<hbm>> -> memref<128xi32, #tpu.memory_space<hbm>>
      %dma_wait3A_265 = tpu.memref_slice %arg3[%add3A_263] : memref<320000xi32, #tpu.memory_space<hbm>> -> memref<128xi32, #tpu.memory_space<hbm>>
      tpu.wait_dma2 semaphore(%arg20 : memref<!tpu.dma_semaphore, #tpu.memory_space<semaphore_mem>>) src(%dma_wait3A_265 : memref<128xi32, #tpu.memory_space<hbm>>) dst(%arg7 : memref<128xi32, #tpu.memory_space<vmem>>)
      %add3A_266 = arith.constant 1 : i32
      %add3A_267 = arith.addi %add3A_255, %add3A_266 : i32
      %mul3A_268 = arith.constant 128 : i32
      %mul3A_269 = arith.muli %add3A_267, %mul3A_268 : i32
      %add3A_270 = arith.addi %mul3A_2, %mul3A_269 : i32
      %dma_wait3A_271 = tpu.memref_slice %arg4[%add3A_270] : memref<320000xi32, #tpu.memory_space<hbm>> -> memref<128xi32, #tpu.memory_space<hbm>>
      %dma_wait3A_272 = tpu.memref_slice %arg4[%add3A_270] : memref<320000xi32, #tpu.memory_space<hbm>> -> memref<128xi32, #tpu.memory_space<hbm>>
      tpu.wait_dma2 semaphore(%arg24 : memref<!tpu.dma_semaphore, #tpu.memory_space<semaphore_mem>>) src(%dma_wait3A_272 : memref<128xi32, #tpu.memory_space<hbm>>) dst(%arg11 : memref<128xi32, #tpu.memory_space<vmem>>)
      %dma_start3A_273 = arith.constant 0 : i32
      %dma_start3A_274 = arith.constant 0 : i32
      %dma_start3A_275 = tpu.memref_slice %arg2[%dma_start3A_273, %dma_start3A_274] : memref<10000x128xf32, #tpu.memory_space<hbm>> -> memref<10000x128xf32, #tpu.memory_space<hbm>>
      tpu.enqueue_indirect_dma source(%dma_start3A_275 : memref<10000x128xf32, #tpu.memory_space<hbm>>) target(%arg13 : memref<128x128xf32, #tpu.memory_space<vmem>>) offsets(%arg7 : memref<128xi32, #tpu.memory_space<vmem>>) semaphore(%arg18 : memref<!tpu.dma_semaphore, #tpu.memory_space<semaphore_mem>>)
      %dma_wait3A_276 = arith.constant 0 : i32
      %dma_wait3A_277 = arith.constant 0 : i32
      %dma_wait3A_278 = tpu.memref_slice %arg2[%dma_wait3A_276, %dma_wait3A_277] : memref<10000x128xf32, #tpu.memory_space<hbm>> -> memref<10000x128xf32, #tpu.memory_space<hbm>>
      tpu.wait_indirect_dma semaphore(%arg19 : memref<!tpu.dma_semaphore, #tpu.memory_space<semaphore_mem>>) src(%dma_wait3A_278 : memref<10000x128xf32, #tpu.memory_space<hbm>>) dst(%arg14 : memref<128x128xf32, #tpu.memory_space<vmem>>)
      %add3A_279 = arith.constant 2 : i32
      %add3A_280 = arith.addi %add3A_255, %add3A_279 : i32
      %mul3A_281 = arith.constant 128 : i32
      %mul3A_282 = arith.muli %add3A_280, %mul3A_281 : i32
      %add3A_283 = arith.addi %mul3A_2, %mul3A_282 : i32
      %dma_start3A_284 = tpu.memref_slice %arg3[%add3A_283] : memref<320000xi32, #tpu.memory_space<hbm>> -> memref<128xi32, #tpu.memory_space<hbm>>
      %dma_start3A_285 = tpu.memref_slice %arg3[%add3A_283] : memref<320000xi32, #tpu.memory_space<hbm>> -> memref<128xi32, #tpu.memory_space<hbm>>
      tpu.enqueue_dma source(%dma_start3A_285 : memref<128xi32, #tpu.memory_space<hbm>>) target(%arg8 : memref<128xi32, #tpu.memory_space<vmem>>) target_semaphore(%arg21 : memref<!tpu.dma_semaphore, #tpu.memory_space<semaphore_mem>>)
      %dma_start3A_286 = arith.constant 0 : i32
      %dma_start3A_287 = arith.constant 0 : i32
      %dma_start3A_288 = tpu.memref_slice %arg6[%dma_start3A_286, %dma_start3A_287] : memref<10240x128xf32, #tpu.memory_space<vmem_shared>> -> memref<10240x128xf32, #tpu.memory_space<vmem_shared>>
      tpu.enqueue_indirect_dma source(%arg14 : memref<128x128xf32, #tpu.memory_space<vmem>>) target(%dma_start3A_288 : memref<10240x128xf32, #tpu.memory_space<vmem_shared>>) offsets(%arg10 : memref<128xi32, #tpu.memory_space<vmem>>) semaphore(%arg27 : memref<!tpu.dma_semaphore, #tpu.memory_space<semaphore_mem>>) {add = true}
      %add3A_289 = arith.constant 2 : i32
      %add3A_290 = arith.addi %add3A_255, %add3A_289 : i32
      %mul3A_291 = arith.constant 128 : i32
      %mul3A_292 = arith.muli %add3A_290, %mul3A_291 : i32
      %add3A_293 = arith.addi %mul3A_2, %mul3A_292 : i32
      %dma_start3A_294 = tpu.memref_slice %arg4[%add3A_293] : memref<320000xi32, #tpu.memory_space<hbm>> -> memref<128xi32, #tpu.memory_space<hbm>>
      %dma_start3A_295 = tpu.memref_slice %arg4[%add3A_293] : memref<320000xi32, #tpu.memory_space<hbm>> -> memref<128xi32, #tpu.memory_space<hbm>>
      tpu.enqueue_dma source(%dma_start3A_295 : memref<128xi32, #tpu.memory_space<hbm>>) target(%arg12 : memref<128xi32, #tpu.memory_space<vmem>>) target_semaphore(%arg25 : memref<!tpu.dma_semaphore, #tpu.memory_space<semaphore_mem>>)
      %add3A_296 = arith.constant 1 : i32
      %add3A_297 = arith.addi %add3A_253, %add3A_296 : i32
      %dma_wait3A_298 = arith.constant 0 : i32
      %dma_wait3A_299 = arith.constant 0 : i32
      %dma_wait3A_300 = tpu.memref_slice %arg6[%dma_wait3A_298, %dma_wait3A_299] : memref<10240x128xf32, #tpu.memory_space<vmem_shared>> -> memref<10240x128xf32, #tpu.memory_space<vmem_shared>>
      tpu.wait_indirect_dma semaphore(%arg27 : memref<!tpu.dma_semaphore, #tpu.memory_space<semaphore_mem>>) src(%arg14 : memref<128x128xf32, #tpu.memory_space<vmem>>) dst(%dma_wait3A_300 : memref<10240x128xf32, #tpu.memory_space<vmem_shared>>)
      %add3A_301 = arith.constant 1 : i32
      %add3A_302 = arith.addi %add3A_297, %add3A_301 : i32
      %mul3A_303 = arith.constant 128 : i32
      %mul3A_304 = arith.muli %add3A_302, %mul3A_303 : i32
      %add3A_305 = arith.addi %mul3A_2, %mul3A_304 : i32
      %dma_wait3A_306 = tpu.memref_slice %arg3[%add3A_305] : memref<320000xi32, #tpu.memory_space<hbm>> -> memref<128xi32, #tpu.memory_space<hbm>>
      %dma_wait3A_307 = tpu.memref_slice %arg3[%add3A_305] : memref<320000xi32, #tpu.memory_space<hbm>> -> memref<128xi32, #tpu.memory_space<hbm>>
      tpu.wait_dma2 semaphore(%arg21 : memref<!tpu.dma_semaphore, #tpu.memory_space<semaphore_mem>>) src(%dma_wait3A_307 : memref<128xi32, #tpu.memory_space<hbm>>) dst(%arg8 : memref<128xi32, #tpu.memory_space<vmem>>)
      %add3A_308 = arith.constant 1 : i32
      %add3A_309 = arith.addi %add3A_297, %add3A_308 : i32
      %mul3A_310 = arith.constant 128 : i32
      %mul3A_311 = arith.muli %add3A_309, %mul3A_310 : i32
      %add3A_312 = arith.addi %mul3A_2, %mul3A_311 : i32
      %dma_wait3A_313 = tpu.memref_slice %arg4[%add3A_312] : memref<320000xi32, #tpu.memory_space<hbm>> -> memref<128xi32, #tpu.memory_space<hbm>>
      %dma_wait3A_314 = tpu.memref_slice %arg4[%add3A_312] : memref<320000xi32, #tpu.memory_space<hbm>> -> memref<128xi32, #tpu.memory_space<hbm>>
      tpu.wait_dma2 semaphore(%arg25 : memref<!tpu.dma_semaphore, #tpu.memory_space<semaphore_mem>>) src(%dma_wait3A_314 : memref<128xi32, #tpu.memory_space<hbm>>) dst(%arg12 : memref<128xi32, #tpu.memory_space<vmem>>)
      %dma_start3A_315 = arith.constant 0 : i32
      %dma_start3A_316 = arith.constant 0 : i32
      %dma_start3A_317 = tpu.memref_slice %arg2[%dma_start3A_315, %dma_start3A_316] : memref<10000x128xf32, #tpu.memory_space<hbm>> -> memref<10000x128xf32, #tpu.memory_space<hbm>>
      tpu.enqueue_indirect_dma source(%dma_start3A_317 : memref<10000x128xf32, #tpu.memory_space<hbm>>) target(%arg14 : memref<128x128xf32, #tpu.memory_space<vmem>>) offsets(%arg8 : memref<128xi32, #tpu.memory_space<vmem>>) semaphore(%arg19 : memref<!tpu.dma_semaphore, #tpu.memory_space<semaphore_mem>>)
      %dma_wait3A_318 = arith.constant 0 : i32
      %dma_wait3A_319 = arith.constant 0 : i32
      %dma_wait3A_320 = tpu.memref_slice %arg2[%dma_wait3A_318, %dma_wait3A_319] : memref<10000x128xf32, #tpu.memory_space<hbm>> -> memref<10000x128xf32, #tpu.memory_space<hbm>>
      tpu.wait_indirect_dma semaphore(%arg18 : memref<!tpu.dma_semaphore, #tpu.memory_space<semaphore_mem>>) src(%dma_wait3A_320 : memref<10000x128xf32, #tpu.memory_space<hbm>>) dst(%arg13 : memref<128x128xf32, #tpu.memory_space<vmem>>)
      %add3A_321 = arith.constant 2 : i32
      %add3A_322 = arith.addi %add3A_297, %add3A_321 : i32
      %mul3A_323 = arith.constant 128 : i32
      %mul3A_324 = arith.muli %add3A_322, %mul3A_323 : i32
      %add3A_325 = arith.addi %mul3A_2, %mul3A_324 : i32
      %dma_start3A_326 = tpu.memref_slice %arg3[%add3A_325] : memref<320000xi32, #tpu.memory_space<hbm>> -> memref<128xi32, #tpu.memory_space<hbm>>
      %dma_start3A_327 = tpu.memref_slice %arg3[%add3A_325] : memref<320000xi32, #tpu.memory_space<hbm>> -> memref<128xi32, #tpu.memory_space<hbm>>
      tpu.enqueue_dma source(%dma_start3A_327 : memref<128xi32, #tpu.memory_space<hbm>>) target(%arg7 : memref<128xi32, #tpu.memory_space<vmem>>) target_semaphore(%arg20 : memref<!tpu.dma_semaphore, #tpu.memory_space<semaphore_mem>>)
      %dma_start3A_328 = arith.constant 0 : i32
      %dma_start3A_329 = arith.constant 0 : i32
      %dma_start3A_330 = tpu.memref_slice %arg6[%dma_start3A_328, %dma_start3A_329] : memref<10240x128xf32, #tpu.memory_space<vmem_shared>> -> memref<10240x128xf32, #tpu.memory_space<vmem_shared>>
      tpu.enqueue_indirect_dma source(%arg13 : memref<128x128xf32, #tpu.memory_space<vmem>>) target(%dma_start3A_330 : memref<10240x128xf32, #tpu.memory_space<vmem_shared>>) offsets(%arg11 : memref<128xi32, #tpu.memory_space<vmem>>) semaphore(%arg28 : memref<!tpu.dma_semaphore, #tpu.memory_space<semaphore_mem>>) {add = true}
      %add3A_331 = arith.constant 2 : i32
      %add3A_332 = arith.addi %add3A_297, %add3A_331 : i32
      %mul3A_333 = arith.constant 128 : i32
      %mul3A_334 = arith.muli %add3A_332, %mul3A_333 : i32
      %add3A_335 = arith.addi %mul3A_2, %mul3A_334 : i32
      %dma_start3A_336 = tpu.memref_slice %arg4[%add3A_335] : memref<320000xi32, #tpu.memory_space<hbm>> -> memref<128xi32, #tpu.memory_space<hbm>>
      %dma_start3A_337 = tpu.memref_slice %arg4[%add3A_335] : memref<320000xi32, #tpu.memory_space<hbm>> -> memref<128xi32, #tpu.memory_space<hbm>>
      tpu.enqueue_dma source(%dma_start3A_337 : memref<128xi32, #tpu.memory_space<hbm>>) target(%arg9 : memref<128xi32, #tpu.memory_space<vmem>>) target_semaphore(%arg22 : memref<!tpu.dma_semaphore, #tpu.memory_space<semaphore_mem>>)
      %add3A_338 = arith.constant 2 : i32
      %add3A_339 = arith.addi %add3A_253, %add3A_338 : i32
      %dma_wait3A_340 = arith.constant 0 : i32
      %dma_wait3A_341 = arith.constant 0 : i32
      %dma_wait3A_342 = tpu.memref_slice %arg6[%dma_wait3A_340, %dma_wait3A_341] : memref<10240x128xf32, #tpu.memory_space<vmem_shared>> -> memref<10240x128xf32, #tpu.memory_space<vmem_shared>>
      tpu.wait_indirect_dma semaphore(%arg28 : memref<!tpu.dma_semaphore, #tpu.memory_space<semaphore_mem>>) src(%arg13 : memref<128x128xf32, #tpu.memory_space<vmem>>) dst(%dma_wait3A_342 : memref<10240x128xf32, #tpu.memory_space<vmem_shared>>)
      %add3A_343 = arith.constant 1 : i32
      %add3A_344 = arith.addi %add3A_339, %add3A_343 : i32
      %mul3A_345 = arith.constant 128 : i32
      %mul3A_346 = arith.muli %add3A_344, %mul3A_345 : i32
      %add3A_347 = arith.addi %mul3A_2, %mul3A_346 : i32
      %dma_wait3A_348 = tpu.memref_slice %arg3[%add3A_347] : memref<320000xi32, #tpu.memory_space<hbm>> -> memref<128xi32, #tpu.memory_space<hbm>>
      %dma_wait3A_349 = tpu.memref_slice %arg3[%add3A_347] : memref<320000xi32, #tpu.memory_space<hbm>> -> memref<128xi32, #tpu.memory_space<hbm>>
      tpu.wait_dma2 semaphore(%arg20 : memref<!tpu.dma_semaphore, #tpu.memory_space<semaphore_mem>>) src(%dma_wait3A_349 : memref<128xi32, #tpu.memory_space<hbm>>) dst(%arg7 : memref<128xi32, #tpu.memory_space<vmem>>)
      %add3A_350 = arith.constant 1 : i32
      %add3A_351 = arith.addi %add3A_339, %add3A_350 : i32
      %mul3A_352 = arith.constant 128 : i32
      %mul3A_353 = arith.muli %add3A_351, %mul3A_352 : i32
      %add3A_354 = arith.addi %mul3A_2, %mul3A_353 : i32
      %dma_wait3A_355 = tpu.memref_slice %arg4[%add3A_354] : memref<320000xi32, #tpu.memory_space<hbm>> -> memref<128xi32, #tpu.memory_space<hbm>>
      %dma_wait3A_356 = tpu.memref_slice %arg4[%add3A_354] : memref<320000xi32, #tpu.memory_space<hbm>> -> memref<128xi32, #tpu.memory_space<hbm>>
      tpu.wait_dma2 semaphore(%arg22 : memref<!tpu.dma_semaphore, #tpu.memory_space<semaphore_mem>>) src(%dma_wait3A_356 : memref<128xi32, #tpu.memory_space<hbm>>) dst(%arg9 : memref<128xi32, #tpu.memory_space<vmem>>)
      %dma_start3A_357 = arith.constant 0 : i32
      %dma_start3A_358 = arith.constant 0 : i32
      %dma_start3A_359 = tpu.memref_slice %arg2[%dma_start3A_357, %dma_start3A_358] : memref<10000x128xf32, #tpu.memory_space<hbm>> -> memref<10000x128xf32, #tpu.memory_space<hbm>>
      tpu.enqueue_indirect_dma source(%dma_start3A_359 : memref<10000x128xf32, #tpu.memory_space<hbm>>) target(%arg13 : memref<128x128xf32, #tpu.memory_space<vmem>>) offsets(%arg7 : memref<128xi32, #tpu.memory_space<vmem>>) semaphore(%arg18 : memref<!tpu.dma_semaphore, #tpu.memory_space<semaphore_mem>>)
      %dma_wait3A_360 = arith.constant 0 : i32
      %dma_wait3A_361 = arith.constant 0 : i32
      %dma_wait3A_362 = tpu.memref_slice %arg2[%dma_wait3A_360, %dma_wait3A_361] : memref<10000x128xf32, #tpu.memory_space<hbm>> -> memref<10000x128xf32, #tpu.memory_space<hbm>>
      tpu.wait_indirect_dma semaphore(%arg19 : memref<!tpu.dma_semaphore, #tpu.memory_space<semaphore_mem>>) src(%dma_wait3A_362 : memref<10000x128xf32, #tpu.memory_space<hbm>>) dst(%arg14 : memref<128x128xf32, #tpu.memory_space<vmem>>)
      %add3A_363 = arith.constant 2 : i32
      %add3A_364 = arith.addi %add3A_339, %add3A_363 : i32
      %mul3A_365 = arith.constant 128 : i32
      %mul3A_366 = arith.muli %add3A_364, %mul3A_365 : i32
      %add3A_367 = arith.addi %mul3A_2, %mul3A_366 : i32
      %dma_start3A_368 = tpu.memref_slice %arg3[%add3A_367] : memref<320000xi32, #tpu.memory_space<hbm>> -> memref<128xi32, #tpu.memory_space<hbm>>
      %dma_start3A_369 = tpu.memref_slice %arg3[%add3A_367] : memref<320000xi32, #tpu.memory_space<hbm>> -> memref<128xi32, #tpu.memory_space<hbm>>
      tpu.enqueue_dma source(%dma_start3A_369 : memref<128xi32, #tpu.memory_space<hbm>>) target(%arg8 : memref<128xi32, #tpu.memory_space<vmem>>) target_semaphore(%arg21 : memref<!tpu.dma_semaphore, #tpu.memory_space<semaphore_mem>>)
      %dma_start3A_370 = arith.constant 0 : i32
      %dma_start3A_371 = arith.constant 0 : i32
      %dma_start3A_372 = tpu.memref_slice %arg6[%dma_start3A_370, %dma_start3A_371] : memref<10240x128xf32, #tpu.memory_space<vmem_shared>> -> memref<10240x128xf32, #tpu.memory_space<vmem_shared>>
      tpu.enqueue_indirect_dma source(%arg14 : memref<128x128xf32, #tpu.memory_space<vmem>>) target(%dma_start3A_372 : memref<10240x128xf32, #tpu.memory_space<vmem_shared>>) offsets(%arg12 : memref<128xi32, #tpu.memory_space<vmem>>) semaphore(%arg29 : memref<!tpu.dma_semaphore, #tpu.memory_space<semaphore_mem>>) {add = true}
      %add3A_373 = arith.constant 2 : i32
      %add3A_374 = arith.addi %add3A_339, %add3A_373 : i32
      %mul3A_375 = arith.constant 128 : i32
      %mul3A_376 = arith.muli %add3A_374, %mul3A_375 : i32
      %add3A_377 = arith.addi %mul3A_2, %mul3A_376 : i32
      %dma_start3A_378 = tpu.memref_slice %arg4[%add3A_377] : memref<320000xi32, #tpu.memory_space<hbm>> -> memref<128xi32, #tpu.memory_space<hbm>>
      %dma_start3A_379 = tpu.memref_slice %arg4[%add3A_377] : memref<320000xi32, #tpu.memory_space<hbm>> -> memref<128xi32, #tpu.memory_space<hbm>>
      tpu.enqueue_dma source(%dma_start3A_379 : memref<128xi32, #tpu.memory_space<hbm>>) target(%arg10 : memref<128xi32, #tpu.memory_space<vmem>>) target_semaphore(%arg23 : memref<!tpu.dma_semaphore, #tpu.memory_space<semaphore_mem>>)
      %add3A_380 = arith.constant 3 : i32
      %add3A_381 = arith.addi %add3A_253, %add3A_380 : i32
      %dma_wait3A_382 = arith.constant 0 : i32
      %dma_wait3A_383 = arith.constant 0 : i32
      %dma_wait3A_384 = tpu.memref_slice %arg6[%dma_wait3A_382, %dma_wait3A_383] : memref<10240x128xf32, #tpu.memory_space<vmem_shared>> -> memref<10240x128xf32, #tpu.memory_space<vmem_shared>>
      tpu.wait_indirect_dma semaphore(%arg29 : memref<!tpu.dma_semaphore, #tpu.memory_space<semaphore_mem>>) src(%arg14 : memref<128x128xf32, #tpu.memory_space<vmem>>) dst(%dma_wait3A_384 : memref<10240x128xf32, #tpu.memory_space<vmem_shared>>)
      %add3A_385 = arith.constant 1 : i32
      %add3A_386 = arith.addi %add3A_381, %add3A_385 : i32
      %mul3A_387 = arith.constant 128 : i32
      %mul3A_388 = arith.muli %add3A_386, %mul3A_387 : i32
      %add3A_389 = arith.addi %mul3A_2, %mul3A_388 : i32
      %dma_wait3A_390 = tpu.memref_slice %arg3[%add3A_389] : memref<320000xi32, #tpu.memory_space<hbm>> -> memref<128xi32, #tpu.memory_space<hbm>>
      %dma_wait3A_391 = tpu.memref_slice %arg3[%add3A_389] : memref<320000xi32, #tpu.memory_space<hbm>> -> memref<128xi32, #tpu.memory_space<hbm>>
      tpu.wait_dma2 semaphore(%arg21 : memref<!tpu.dma_semaphore, #tpu.memory_space<semaphore_mem>>) src(%dma_wait3A_391 : memref<128xi32, #tpu.memory_space<hbm>>) dst(%arg8 : memref<128xi32, #tpu.memory_space<vmem>>)
      %add3A_392 = arith.constant 1 : i32
      %add3A_393 = arith.addi %add3A_381, %add3A_392 : i32
      %mul3A_394 = arith.constant 128 : i32
      %mul3A_395 = arith.muli %add3A_393, %mul3A_394 : i32
      %add3A_396 = arith.addi %mul3A_2, %mul3A_395 : i32
      %dma_wait3A_397 = tpu.memref_slice %arg4[%add3A_396] : memref<320000xi32, #tpu.memory_space<hbm>> -> memref<128xi32, #tpu.memory_space<hbm>>
      %dma_wait3A_398 = tpu.memref_slice %arg4[%add3A_396] : memref<320000xi32, #tpu.memory_space<hbm>> -> memref<128xi32, #tpu.memory_space<hbm>>
      tpu.wait_dma2 semaphore(%arg23 : memref<!tpu.dma_semaphore, #tpu.memory_space<semaphore_mem>>) src(%dma_wait3A_398 : memref<128xi32, #tpu.memory_space<hbm>>) dst(%arg10 : memref<128xi32, #tpu.memory_space<vmem>>)
      %dma_start3A_399 = arith.constant 0 : i32
      %dma_start3A_400 = arith.constant 0 : i32
      %dma_start3A_401 = tpu.memref_slice %arg2[%dma_start3A_399, %dma_start3A_400] : memref<10000x128xf32, #tpu.memory_space<hbm>> -> memref<10000x128xf32, #tpu.memory_space<hbm>>
      tpu.enqueue_indirect_dma source(%dma_start3A_401 : memref<10000x128xf32, #tpu.memory_space<hbm>>) target(%arg14 : memref<128x128xf32, #tpu.memory_space<vmem>>) offsets(%arg8 : memref<128xi32, #tpu.memory_space<vmem>>) semaphore(%arg19 : memref<!tpu.dma_semaphore, #tpu.memory_space<semaphore_mem>>)
      %dma_wait3A_402 = arith.constant 0 : i32
      %dma_wait3A_403 = arith.constant 0 : i32
      %dma_wait3A_404 = tpu.memref_slice %arg2[%dma_wait3A_402, %dma_wait3A_403] : memref<10000x128xf32, #tpu.memory_space<hbm>> -> memref<10000x128xf32, #tpu.memory_space<hbm>>
      tpu.wait_indirect_dma semaphore(%arg18 : memref<!tpu.dma_semaphore, #tpu.memory_space<semaphore_mem>>) src(%dma_wait3A_404 : memref<10000x128xf32, #tpu.memory_space<hbm>>) dst(%arg13 : memref<128x128xf32, #tpu.memory_space<vmem>>)
      %add3A_405 = arith.constant 2 : i32
      %add3A_406 = arith.addi %add3A_381, %add3A_405 : i32
      %mul3A_407 = arith.constant 128 : i32
      %mul3A_408 = arith.muli %add3A_406, %mul3A_407 : i32
      %add3A_409 = arith.addi %mul3A_2, %mul3A_408 : i32
      %dma_start3A_410 = tpu.memref_slice %arg3[%add3A_409] : memref<320000xi32, #tpu.memory_space<hbm>> -> memref<128xi32, #tpu.memory_space<hbm>>
      %dma_start3A_411 = tpu.memref_slice %arg3[%add3A_409] : memref<320000xi32, #tpu.memory_space<hbm>> -> memref<128xi32, #tpu.memory_space<hbm>>
      tpu.enqueue_dma source(%dma_start3A_411 : memref<128xi32, #tpu.memory_space<hbm>>) target(%arg7 : memref<128xi32, #tpu.memory_space<vmem>>) target_semaphore(%arg20 : memref<!tpu.dma_semaphore, #tpu.memory_space<semaphore_mem>>)
      %dma_start3A_412 = arith.constant 0 : i32
      %dma_start3A_413 = arith.constant 0 : i32
      %dma_start3A_414 = tpu.memref_slice %arg6[%dma_start3A_412, %dma_start3A_413] : memref<10240x128xf32, #tpu.memory_space<vmem_shared>> -> memref<10240x128xf32, #tpu.memory_space<vmem_shared>>
      tpu.enqueue_indirect_dma source(%arg13 : memref<128x128xf32, #tpu.memory_space<vmem>>) target(%dma_start3A_414 : memref<10240x128xf32, #tpu.memory_space<vmem_shared>>) offsets(%arg9 : memref<128xi32, #tpu.memory_space<vmem>>) semaphore(%arg26 : memref<!tpu.dma_semaphore, #tpu.memory_space<semaphore_mem>>) {add = true}
      %add3A_415 = arith.constant 2 : i32
      %add3A_416 = arith.addi %add3A_381, %add3A_415 : i32
      %mul3A_417 = arith.constant 128 : i32
      %mul3A_418 = arith.muli %add3A_416, %mul3A_417 : i32
      %add3A_419 = arith.addi %mul3A_2, %mul3A_418 : i32
      %dma_start3A_420 = tpu.memref_slice %arg4[%add3A_419] : memref<320000xi32, #tpu.memory_space<hbm>> -> memref<128xi32, #tpu.memory_space<hbm>>
      %dma_start3A_421 = tpu.memref_slice %arg4[%add3A_419] : memref<320000xi32, #tpu.memory_space<hbm>> -> memref<128xi32, #tpu.memory_space<hbm>>
      tpu.enqueue_dma source(%dma_start3A_421 : memref<128xi32, #tpu.memory_space<hbm>>) target(%arg11 : memref<128xi32, #tpu.memory_space<vmem>>) target_semaphore(%arg24 : memref<!tpu.dma_semaphore, #tpu.memory_space<semaphore_mem>>)
    }
    %scan3A_128 = arith.constant 18 : i32
    %dma_wait3A_129 = arith.constant 0 : i32
    %dma_wait3A_130 = arith.constant 0 : i32
    %dma_wait3A_131 = tpu.memref_slice %arg6[%dma_wait3A_129, %dma_wait3A_130] : memref<10240x128xf32, #tpu.memory_space<vmem_shared>> -> memref<10240x128xf32, #tpu.memory_space<vmem_shared>>
    tpu.wait_indirect_dma semaphore(%arg26 : memref<!tpu.dma_semaphore, #tpu.memory_space<semaphore_mem>>) src(%arg13 : memref<128x128xf32, #tpu.memory_space<vmem>>) dst(%dma_wait3A_131 : memref<10240x128xf32, #tpu.memory_space<vmem_shared>>)
    %add3A_132 = arith.constant 9472 : i32
    %add3A_133 = arith.addi %mul3A_2, %add3A_132 : i32
    %dma_wait3A_134 = tpu.memref_slice %arg3[%add3A_133] : memref<320000xi32, #tpu.memory_space<hbm>> -> memref<128xi32, #tpu.memory_space<hbm>>
    %dma_wait3A_135 = tpu.memref_slice %arg3[%add3A_133] : memref<320000xi32, #tpu.memory_space<hbm>> -> memref<128xi32, #tpu.memory_space<hbm>>
    tpu.wait_dma2 semaphore(%arg20 : memref<!tpu.dma_semaphore, #tpu.memory_space<semaphore_mem>>) src(%dma_wait3A_135 : memref<128xi32, #tpu.memory_space<hbm>>) dst(%arg7 : memref<128xi32, #tpu.memory_space<vmem>>)
    %add3A_136 = arith.constant 9472 : i32
    %add3A_137 = arith.addi %mul3A_2, %add3A_136 : i32
    %dma_wait3A_138 = tpu.memref_slice %arg4[%add3A_137] : memref<320000xi32, #tpu.memory_space<hbm>> -> memref<128xi32, #tpu.memory_space<hbm>>
    %dma_wait3A_139 = tpu.memref_slice %arg4[%add3A_137] : memref<320000xi32, #tpu.memory_space<hbm>> -> memref<128xi32, #tpu.memory_space<hbm>>
    tpu.wait_dma2 semaphore(%arg24 : memref<!tpu.dma_semaphore, #tpu.memory_space<semaphore_mem>>) src(%dma_wait3A_139 : memref<128xi32, #tpu.memory_space<hbm>>) dst(%arg11 : memref<128xi32, #tpu.memory_space<vmem>>)
    %dma_start3A_140 = arith.constant 0 : i32
    %dma_start3A_141 = arith.constant 0 : i32
    %dma_start3A_142 = tpu.memref_slice %arg2[%dma_start3A_140, %dma_start3A_141] : memref<10000x128xf32, #tpu.memory_space<hbm>> -> memref<10000x128xf32, #tpu.memory_space<hbm>>
    tpu.enqueue_indirect_dma source(%dma_start3A_142 : memref<10000x128xf32, #tpu.memory_space<hbm>>) target(%arg13 : memref<128x128xf32, #tpu.memory_space<vmem>>) offsets(%arg7 : memref<128xi32, #tpu.memory_space<vmem>>) semaphore(%arg18 : memref<!tpu.dma_semaphore, #tpu.memory_space<semaphore_mem>>)
    %dma_wait3A_143 = arith.constant 0 : i32
    %dma_wait3A_144 = arith.constant 0 : i32
    %dma_wait3A_145 = tpu.memref_slice %arg2[%dma_wait3A_143, %dma_wait3A_144] : memref<10000x128xf32, #tpu.memory_space<hbm>> -> memref<10000x128xf32, #tpu.memory_space<hbm>>
    tpu.wait_indirect_dma semaphore(%arg19 : memref<!tpu.dma_semaphore, #tpu.memory_space<semaphore_mem>>) src(%dma_wait3A_145 : memref<10000x128xf32, #tpu.memory_space<hbm>>) dst(%arg14 : memref<128x128xf32, #tpu.memory_space<vmem>>)
    %add3A_146 = arith.constant 9600 : i32
    %add3A_147 = arith.addi %mul3A_2, %add3A_146 : i32
    %dma_start3A_148 = tpu.memref_slice %arg3[%add3A_147] : memref<320000xi32, #tpu.memory_space<hbm>> -> memref<128xi32, #tpu.memory_space<hbm>>
    %dma_start3A_149 = tpu.memref_slice %arg3[%add3A_147] : memref<320000xi32, #tpu.memory_space<hbm>> -> memref<128xi32, #tpu.memory_space<hbm>>
    tpu.enqueue_dma source(%dma_start3A_149 : memref<128xi32, #tpu.memory_space<hbm>>) target(%arg8 : memref<128xi32, #tpu.memory_space<vmem>>) target_semaphore(%arg21 : memref<!tpu.dma_semaphore, #tpu.memory_space<semaphore_mem>>)
    %dma_start3A_150 = arith.constant 0 : i32
    %dma_start3A_151 = arith.constant 0 : i32
    %dma_start3A_152 = tpu.memref_slice %arg6[%dma_start3A_150, %dma_start3A_151] : memref<10240x128xf32, #tpu.memory_space<vmem_shared>> -> memref<10240x128xf32, #tpu.memory_space<vmem_shared>>
    tpu.enqueue_indirect_dma source(%arg14 : memref<128x128xf32, #tpu.memory_space<vmem>>) target(%dma_start3A_152 : memref<10240x128xf32, #tpu.memory_space<vmem_shared>>) offsets(%arg10 : memref<128xi32, #tpu.memory_space<vmem>>) semaphore(%arg27 : memref<!tpu.dma_semaphore, #tpu.memory_space<semaphore_mem>>) {add = true}
    %add3A_153 = arith.constant 9600 : i32
    %add3A_154 = arith.addi %mul3A_2, %add3A_153 : i32
    %dma_start3A_155 = tpu.memref_slice %arg4[%add3A_154] : memref<320000xi32, #tpu.memory_space<hbm>> -> memref<128xi32, #tpu.memory_space<hbm>>
    %dma_start3A_156 = tpu.memref_slice %arg4[%add3A_154] : memref<320000xi32, #tpu.memory_space<hbm>> -> memref<128xi32, #tpu.memory_space<hbm>>
    tpu.enqueue_dma source(%dma_start3A_156 : memref<128xi32, #tpu.memory_space<hbm>>) target(%arg12 : memref<128xi32, #tpu.memory_space<vmem>>) target_semaphore(%arg25 : memref<!tpu.dma_semaphore, #tpu.memory_space<semaphore_mem>>)
    %dma_wait3A_157 = arith.constant 0 : i32
    %dma_wait3A_158 = arith.constant 0 : i32
    %dma_wait3A_159 = tpu.memref_slice %arg6[%dma_wait3A_157, %dma_wait3A_158] : memref<10240x128xf32, #tpu.memory_space<vmem_shared>> -> memref<10240x128xf32, #tpu.memory_space<vmem_shared>>
    tpu.wait_indirect_dma semaphore(%arg27 : memref<!tpu.dma_semaphore, #tpu.memory_space<semaphore_mem>>) src(%arg14 : memref<128x128xf32, #tpu.memory_space<vmem>>) dst(%dma_wait3A_159 : memref<10240x128xf32, #tpu.memory_space<vmem_shared>>)
    %add3A_160 = arith.constant 9600 : i32
    %add3A_161 = arith.addi %mul3A_2, %add3A_160 : i32
    %dma_wait3A_162 = tpu.memref_slice %arg3[%add3A_161] : memref<320000xi32, #tpu.memory_space<hbm>> -> memref<128xi32, #tpu.memory_space<hbm>>
    %dma_wait3A_163 = tpu.memref_slice %arg3[%add3A_161] : memref<320000xi32, #tpu.memory_space<hbm>> -> memref<128xi32, #tpu.memory_space<hbm>>
    tpu.wait_dma2 semaphore(%arg21 : memref<!tpu.dma_semaphore, #tpu.memory_space<semaphore_mem>>) src(%dma_wait3A_163 : memref<128xi32, #tpu.memory_space<hbm>>) dst(%arg8 : memref<128xi32, #tpu.memory_space<vmem>>)
    %add3A_164 = arith.constant 9600 : i32
    %add3A_165 = arith.addi %mul3A_2, %add3A_164 : i32
    %dma_wait3A_166 = tpu.memref_slice %arg4[%add3A_165] : memref<320000xi32, #tpu.memory_space<hbm>> -> memref<128xi32, #tpu.memory_space<hbm>>
    %dma_wait3A_167 = tpu.memref_slice %arg4[%add3A_165] : memref<320000xi32, #tpu.memory_space<hbm>> -> memref<128xi32, #tpu.memory_space<hbm>>
    tpu.wait_dma2 semaphore(%arg25 : memref<!tpu.dma_semaphore, #tpu.memory_space<semaphore_mem>>) src(%dma_wait3A_167 : memref<128xi32, #tpu.memory_space<hbm>>) dst(%arg12 : memref<128xi32, #tpu.memory_space<vmem>>)
    %dma_start3A_168 = arith.constant 0 : i32
    %dma_start3A_169 = arith.constant 0 : i32
    %dma_start3A_170 = tpu.memref_slice %arg2[%dma_start3A_168, %dma_start3A_169] : memref<10000x128xf32, #tpu.memory_space<hbm>> -> memref<10000x128xf32, #tpu.memory_space<hbm>>
    tpu.enqueue_indirect_dma source(%dma_start3A_170 : memref<10000x128xf32, #tpu.memory_space<hbm>>) target(%arg14 : memref<128x128xf32, #tpu.memory_space<vmem>>) offsets(%arg8 : memref<128xi32, #tpu.memory_space<vmem>>) semaphore(%arg19 : memref<!tpu.dma_semaphore, #tpu.memory_space<semaphore_mem>>)
    %dma_wait3A_171 = arith.constant 0 : i32
    %dma_wait3A_172 = arith.constant 0 : i32
    %dma_wait3A_173 = tpu.memref_slice %arg2[%dma_wait3A_171, %dma_wait3A_172] : memref<10000x128xf32, #tpu.memory_space<hbm>> -> memref<10000x128xf32, #tpu.memory_space<hbm>>
    tpu.wait_indirect_dma semaphore(%arg18 : memref<!tpu.dma_semaphore, #tpu.memory_space<semaphore_mem>>) src(%dma_wait3A_173 : memref<10000x128xf32, #tpu.memory_space<hbm>>) dst(%arg13 : memref<128x128xf32, #tpu.memory_space<vmem>>)
    %add3A_174 = arith.constant 9728 : i32
    %add3A_175 = arith.addi %mul3A_2, %add3A_174 : i32
    %dma_start3A_176 = tpu.memref_slice %arg3[%add3A_175] : memref<320000xi32, #tpu.memory_space<hbm>> -> memref<128xi32, #tpu.memory_space<hbm>>
    %dma_start3A_177 = tpu.memref_slice %arg3[%add3A_175] : memref<320000xi32, #tpu.memory_space<hbm>> -> memref<128xi32, #tpu.memory_space<hbm>>
    tpu.enqueue_dma source(%dma_start3A_177 : memref<128xi32, #tpu.memory_space<hbm>>) target(%arg7 : memref<128xi32, #tpu.memory_space<vmem>>) target_semaphore(%arg20 : memref<!tpu.dma_semaphore, #tpu.memory_space<semaphore_mem>>)
    %dma_start3A_178 = arith.constant 0 : i32
    %dma_start3A_179 = arith.constant 0 : i32
    %dma_start3A_180 = tpu.memref_slice %arg6[%dma_start3A_178, %dma_start3A_179] : memref<10240x128xf32, #tpu.memory_space<vmem_shared>> -> memref<10240x128xf32, #tpu.memory_space<vmem_shared>>
    tpu.enqueue_indirect_dma source(%arg13 : memref<128x128xf32, #tpu.memory_space<vmem>>) target(%dma_start3A_180 : memref<10240x128xf32, #tpu.memory_space<vmem_shared>>) offsets(%arg11 : memref<128xi32, #tpu.memory_space<vmem>>) semaphore(%arg28 : memref<!tpu.dma_semaphore, #tpu.memory_space<semaphore_mem>>) {add = true}
    %add3A_181 = arith.constant 9728 : i32
    %add3A_182 = arith.addi %mul3A_2, %add3A_181 : i32
    %dma_start3A_183 = tpu.memref_slice %arg4[%add3A_182] : memref<320000xi32, #tpu.memory_space<hbm>> -> memref<128xi32, #tpu.memory_space<hbm>>
    %dma_start3A_184 = tpu.memref_slice %arg4[%add3A_182] : memref<320000xi32, #tpu.memory_space<hbm>> -> memref<128xi32, #tpu.memory_space<hbm>>
    tpu.enqueue_dma source(%dma_start3A_184 : memref<128xi32, #tpu.memory_space<hbm>>) target(%arg9 : memref<128xi32, #tpu.memory_space<vmem>>) target_semaphore(%arg22 : memref<!tpu.dma_semaphore, #tpu.memory_space<semaphore_mem>>)
    %dma_wait3A_185 = arith.constant 0 : i32
    %dma_wait3A_186 = arith.constant 0 : i32
    %dma_wait3A_187 = tpu.memref_slice %arg6[%dma_wait3A_185, %dma_wait3A_186] : memref<10240x128xf32, #tpu.memory_space<vmem_shared>> -> memref<10240x128xf32, #tpu.memory_space<vmem_shared>>
    tpu.wait_indirect_dma semaphore(%arg28 : memref<!tpu.dma_semaphore, #tpu.memory_space<semaphore_mem>>) src(%arg13 : memref<128x128xf32, #tpu.memory_space<vmem>>) dst(%dma_wait3A_187 : memref<10240x128xf32, #tpu.memory_space<vmem_shared>>)
    %add3A_188 = arith.constant 9728 : i32
    %add3A_189 = arith.addi %mul3A_2, %add3A_188 : i32
    %dma_wait3A_190 = tpu.memref_slice %arg3[%add3A_189] : memref<320000xi32, #tpu.memory_space<hbm>> -> memref<128xi32, #tpu.memory_space<hbm>>
    %dma_wait3A_191 = tpu.memref_slice %arg3[%add3A_189] : memref<320000xi32, #tpu.memory_space<hbm>> -> memref<128xi32, #tpu.memory_space<hbm>>
    tpu.wait_dma2 semaphore(%arg20 : memref<!tpu.dma_semaphore, #tpu.memory_space<semaphore_mem>>) src(%dma_wait3A_191 : memref<128xi32, #tpu.memory_space<hbm>>) dst(%arg7 : memref<128xi32, #tpu.memory_space<vmem>>)
    %add3A_192 = arith.constant 9728 : i32
    %add3A_193 = arith.addi %mul3A_2, %add3A_192 : i32
    %dma_wait3A_194 = tpu.memref_slice %arg4[%add3A_193] : memref<320000xi32, #tpu.memory_space<hbm>> -> memref<128xi32, #tpu.memory_space<hbm>>
    %dma_wait3A_195 = tpu.memref_slice %arg4[%add3A_193] : memref<320000xi32, #tpu.memory_space<hbm>> -> memref<128xi32, #tpu.memory_space<hbm>>
    tpu.wait_dma2 semaphore(%arg22 : memref<!tpu.dma_semaphore, #tpu.memory_space<semaphore_mem>>) src(%dma_wait3A_195 : memref<128xi32, #tpu.memory_space<hbm>>) dst(%arg9 : memref<128xi32, #tpu.memory_space<vmem>>)
    %dma_start3A_196 = arith.constant 0 : i32
    %dma_start3A_197 = arith.constant 0 : i32
    %dma_start3A_198 = tpu.memref_slice %arg2[%dma_start3A_196, %dma_start3A_197] : memref<10000x128xf32, #tpu.memory_space<hbm>> -> memref<10000x128xf32, #tpu.memory_space<hbm>>
    tpu.enqueue_indirect_dma source(%dma_start3A_198 : memref<10000x128xf32, #tpu.memory_space<hbm>>) target(%arg13 : memref<128x128xf32, #tpu.memory_space<vmem>>) offsets(%arg7 : memref<128xi32, #tpu.memory_space<vmem>>) semaphore(%arg18 : memref<!tpu.dma_semaphore, #tpu.memory_space<semaphore_mem>>)
    %dma_wait3A_199 = arith.constant 0 : i32
    %dma_wait3A_200 = arith.constant 0 : i32
    %dma_wait3A_201 = tpu.memref_slice %arg2[%dma_wait3A_199, %dma_wait3A_200] : memref<10000x128xf32, #tpu.memory_space<hbm>> -> memref<10000x128xf32, #tpu.memory_space<hbm>>
    tpu.wait_indirect_dma semaphore(%arg19 : memref<!tpu.dma_semaphore, #tpu.memory_space<semaphore_mem>>) src(%dma_wait3A_201 : memref<10000x128xf32, #tpu.memory_space<hbm>>) dst(%arg14 : memref<128x128xf32, #tpu.memory_space<vmem>>)
    %add3A_202 = arith.constant 9856 : i32
    %add3A_203 = arith.addi %mul3A_2, %add3A_202 : i32
    %dma_start3A_204 = tpu.memref_slice %arg3[%add3A_203] : memref<320000xi32, #tpu.memory_space<hbm>> -> memref<128xi32, #tpu.memory_space<hbm>>
    %dma_start3A_205 = tpu.memref_slice %arg3[%add3A_203] : memref<320000xi32, #tpu.memory_space<hbm>> -> memref<128xi32, #tpu.memory_space<hbm>>
    tpu.enqueue_dma source(%dma_start3A_205 : memref<128xi32, #tpu.memory_space<hbm>>) target(%arg8 : memref<128xi32, #tpu.memory_space<vmem>>) target_semaphore(%arg21 : memref<!tpu.dma_semaphore, #tpu.memory_space<semaphore_mem>>)
    %dma_start3A_206 = arith.constant 0 : i32
    %dma_start3A_207 = arith.constant 0 : i32
    %dma_start3A_208 = tpu.memref_slice %arg6[%dma_start3A_206, %dma_start3A_207] : memref<10240x128xf32, #tpu.memory_space<vmem_shared>> -> memref<10240x128xf32, #tpu.memory_space<vmem_shared>>
    tpu.enqueue_indirect_dma source(%arg14 : memref<128x128xf32, #tpu.memory_space<vmem>>) target(%dma_start3A_208 : memref<10240x128xf32, #tpu.memory_space<vmem_shared>>) offsets(%arg12 : memref<128xi32, #tpu.memory_space<vmem>>) semaphore(%arg29 : memref<!tpu.dma_semaphore, #tpu.memory_space<semaphore_mem>>) {add = true}
    %add3A_209 = arith.constant 9856 : i32
    %add3A_210 = arith.addi %mul3A_2, %add3A_209 : i32
    %dma_start3A_211 = tpu.memref_slice %arg4[%add3A_210] : memref<320000xi32, #tpu.memory_space<hbm>> -> memref<128xi32, #tpu.memory_space<hbm>>
    %dma_start3A_212 = tpu.memref_slice %arg4[%add3A_210] : memref<320000xi32, #tpu.memory_space<hbm>> -> memref<128xi32, #tpu.memory_space<hbm>>
    tpu.enqueue_dma source(%dma_start3A_212 : memref<128xi32, #tpu.memory_space<hbm>>) target(%arg10 : memref<128xi32, #tpu.memory_space<vmem>>) target_semaphore(%arg23 : memref<!tpu.dma_semaphore, #tpu.memory_space<semaphore_mem>>)
    %dma_wait3A_213 = arith.constant 0 : i32
    %dma_wait3A_214 = arith.constant 0 : i32
    %dma_wait3A_215 = tpu.memref_slice %arg6[%dma_wait3A_213, %dma_wait3A_214] : memref<10240x128xf32, #tpu.memory_space<vmem_shared>> -> memref<10240x128xf32, #tpu.memory_space<vmem_shared>>
    tpu.wait_indirect_dma semaphore(%arg29 : memref<!tpu.dma_semaphore, #tpu.memory_space<semaphore_mem>>) src(%arg14 : memref<128x128xf32, #tpu.memory_space<vmem>>) dst(%dma_wait3A_215 : memref<10240x128xf32, #tpu.memory_space<vmem_shared>>)
    %add3A_216 = arith.constant 9856 : i32
    %add3A_217 = arith.addi %mul3A_2, %add3A_216 : i32
    %dma_wait3A_218 = tpu.memref_slice %arg3[%add3A_217] : memref<320000xi32, #tpu.memory_space<hbm>> -> memref<128xi32, #tpu.memory_space<hbm>>
    %dma_wait3A_219 = tpu.memref_slice %arg3[%add3A_217] : memref<320000xi32, #tpu.memory_space<hbm>> -> memref<128xi32, #tpu.memory_space<hbm>>
    tpu.wait_dma2 semaphore(%arg21 : memref<!tpu.dma_semaphore, #tpu.memory_space<semaphore_mem>>) src(%dma_wait3A_219 : memref<128xi32, #tpu.memory_space<hbm>>) dst(%arg8 : memref<128xi32, #tpu.memory_space<vmem>>)
    %add3A_220 = arith.constant 9856 : i32
    %add3A_221 = arith.addi %mul3A_2, %add3A_220 : i32
    %dma_wait3A_222 = tpu.memref_slice %arg4[%add3A_221] : memref<320000xi32, #tpu.memory_space<hbm>> -> memref<128xi32, #tpu.memory_space<hbm>>
    %dma_wait3A_223 = tpu.memref_slice %arg4[%add3A_221] : memref<320000xi32, #tpu.memory_space<hbm>> -> memref<128xi32, #tpu.memory_space<hbm>>
    tpu.wait_dma2 semaphore(%arg23 : memref<!tpu.dma_semaphore, #tpu.memory_space<semaphore_mem>>) src(%dma_wait3A_223 : memref<128xi32, #tpu.memory_space<hbm>>) dst(%arg10 : memref<128xi32, #tpu.memory_space<vmem>>)
    %dma_start3A_224 = arith.constant 0 : i32
    %dma_start3A_225 = arith.constant 0 : i32
    %dma_start3A_226 = tpu.memref_slice %arg2[%dma_start3A_224, %dma_start3A_225] : memref<10000x128xf32, #tpu.memory_space<hbm>> -> memref<10000x128xf32, #tpu.memory_space<hbm>>
    tpu.enqueue_indirect_dma source(%dma_start3A_226 : memref<10000x128xf32, #tpu.memory_space<hbm>>) target(%arg14 : memref<128x128xf32, #tpu.memory_space<vmem>>) offsets(%arg8 : memref<128xi32, #tpu.memory_space<vmem>>) semaphore(%arg19 : memref<!tpu.dma_semaphore, #tpu.memory_space<semaphore_mem>>)
    %dma_wait3A_227 = arith.constant 0 : i32
    %dma_wait3A_228 = arith.constant 0 : i32
    %dma_wait3A_229 = tpu.memref_slice %arg2[%dma_wait3A_227, %dma_wait3A_228] : memref<10000x128xf32, #tpu.memory_space<hbm>> -> memref<10000x128xf32, #tpu.memory_space<hbm>>
    tpu.wait_indirect_dma semaphore(%arg18 : memref<!tpu.dma_semaphore, #tpu.memory_space<semaphore_mem>>) src(%dma_wait3A_229 : memref<10000x128xf32, #tpu.memory_space<hbm>>) dst(%arg13 : memref<128x128xf32, #tpu.memory_space<vmem>>)
    %dma_start3A_230 = arith.constant 0 : i32
    %dma_start3A_231 = arith.constant 0 : i32
    %dma_start3A_232 = tpu.memref_slice %arg6[%dma_start3A_230, %dma_start3A_231] : memref<10240x128xf32, #tpu.memory_space<vmem_shared>> -> memref<10240x128xf32, #tpu.memory_space<vmem_shared>>
    tpu.enqueue_indirect_dma source(%arg13 : memref<128x128xf32, #tpu.memory_space<vmem>>) target(%dma_start3A_232 : memref<10240x128xf32, #tpu.memory_space<vmem_shared>>) offsets(%arg9 : memref<128xi32, #tpu.memory_space<vmem>>) semaphore(%arg26 : memref<!tpu.dma_semaphore, #tpu.memory_space<semaphore_mem>>) {add = true}
    %dma_wait3A_233 = arith.constant 0 : i32
    %dma_wait3A_234 = arith.constant 0 : i32
    %dma_wait3A_235 = tpu.memref_slice %arg6[%dma_wait3A_233, %dma_wait3A_234] : memref<10240x128xf32, #tpu.memory_space<vmem_shared>> -> memref<10240x128xf32, #tpu.memory_space<vmem_shared>>
    tpu.wait_indirect_dma semaphore(%arg26 : memref<!tpu.dma_semaphore, #tpu.memory_space<semaphore_mem>>) src(%arg13 : memref<128x128xf32, #tpu.memory_space<vmem>>) dst(%dma_wait3A_235 : memref<10240x128xf32, #tpu.memory_space<vmem_shared>>)
    %dma_wait3A_236 = arith.constant 0 : i32
    %dma_wait3A_237 = arith.constant 0 : i32
    %dma_wait3A_238 = tpu.memref_slice %arg2[%dma_wait3A_236, %dma_wait3A_237] : memref<10000x128xf32, #tpu.memory_space<hbm>> -> memref<10000x128xf32, #tpu.memory_space<hbm>>
    tpu.wait_indirect_dma semaphore(%arg19 : memref<!tpu.dma_semaphore, #tpu.memory_space<semaphore_mem>>) src(%dma_wait3A_238 : memref<10000x128xf32, #tpu.memory_space<hbm>>) dst(%arg14 : memref<128x128xf32, #tpu.memory_space<vmem>>)
    %dma_start3A_239 = arith.constant 0 : i32
    %dma_start3A_240 = arith.constant 0 : i32
    %dma_start3A_241 = tpu.memref_slice %arg6[%dma_start3A_239, %dma_start3A_240] : memref<10240x128xf32, #tpu.memory_space<vmem_shared>> -> memref<10240x128xf32, #tpu.memory_space<vmem_shared>>
    tpu.enqueue_indirect_dma source(%arg14 : memref<128x128xf32, #tpu.memory_space<vmem>>) target(%dma_start3A_241 : memref<10240x128xf32, #tpu.memory_space<vmem_shared>>) offsets(%arg10 : memref<128xi32, #tpu.memory_space<vmem>>) semaphore(%arg27 : memref<!tpu.dma_semaphore, #tpu.memory_space<semaphore_mem>>) {add = true}
    %dma_wait3A_242 = arith.constant 0 : i32
    %dma_wait3A_243 = arith.constant 0 : i32
    %dma_wait3A_244 = tpu.memref_slice %arg6[%dma_wait3A_242, %dma_wait3A_243] : memref<10240x128xf32, #tpu.memory_space<vmem_shared>> -> memref<10240x128xf32, #tpu.memory_space<vmem_shared>>
    tpu.wait_indirect_dma semaphore(%arg27 : memref<!tpu.dma_semaphore, #tpu.memory_space<semaphore_mem>>) src(%arg14 : memref<128x128xf32, #tpu.memory_space<vmem>>) dst(%dma_wait3A_244 : memref<10240x128xf32, #tpu.memory_space<vmem_shared>>)
    %dma_wait3A_245 = arith.constant 0 : i32
    %dma_wait3A_246 = arith.constant 0 : i32
    %dma_wait3A_247 = tpu.memref_slice %arg2[%dma_wait3A_245, %dma_wait3A_246] : memref<10000x128xf32, #tpu.memory_space<hbm>> -> memref<10000x128xf32, #tpu.memory_space<hbm>>
    tpu.wait_indirect_dma semaphore(%arg30 : memref<!tpu.dma_semaphore, #tpu.memory_space<semaphore_mem>>) src(%dma_wait3A_247 : memref<10000x128xf32, #tpu.memory_space<hbm>>) dst(%arg17 : memref<16x128xf32, #tpu.memory_space<vmem>>)
    "tpu.region"() ({
      %run_scoped3A = tpu.sem_alloc : memref<!tpu.dma_semaphore, #tpu.memory_space<semaphore_mem>>
      %dma_start3A_249 = arith.constant 0 : i32
      %dma_start3A_250 = arith.constant 0 : i32
      %dma_start3A_251 = tpu.memref_slice %arg6[%dma_start3A_249, %dma_start3A_250] : memref<10240x128xf32, #tpu.memory_space<vmem_shared>> -> memref<10240x128xf32, #tpu.memory_space<vmem_shared>>
      tpu.enqueue_indirect_dma source(%arg17 : memref<16x128xf32, #tpu.memory_space<vmem>>) target(%dma_start3A_251 : memref<10240x128xf32, #tpu.memory_space<vmem_shared>>) offsets(%arg16 : memref<16xi32, #tpu.memory_space<vmem>>) semaphore(%run_scoped3A : memref<!tpu.dma_semaphore, #tpu.memory_space<semaphore_mem>>) {add = true}
      %dma_wait3A_252 = arith.constant 0 : i32
      %dma_wait3A_253 = arith.constant 0 : i32
      %dma_wait3A_254 = tpu.memref_slice %arg6[%dma_wait3A_252, %dma_wait3A_253] : memref<10240x128xf32, #tpu.memory_space<vmem_shared>> -> memref<10240x128xf32, #tpu.memory_space<vmem_shared>>
      tpu.wait_indirect_dma semaphore(%run_scoped3A : memref<!tpu.dma_semaphore, #tpu.memory_space<semaphore_mem>>) src(%arg17 : memref<16x128xf32, #tpu.memory_space<vmem>>) dst(%dma_wait3A_254 : memref<10240x128xf32, #tpu.memory_space<vmem_shared>>)
      tpu.yield
    }) : () -> ()
    %barrier3A_248 = arith.constant 0 : index
    tpu.barrier barrier_id(%barrier3A_248)
    "tpu.region"() ({
      %run_scoped3A = tpu.sem_alloc : memref<!tpu.dma_semaphore, #tpu.memory_space<semaphore_mem>>
      %dma_start3A_249 = arith.constant 0 : i32
      %dma_start3A_250 = tpu.memref_slice %arg5[%arg0, %mul3A_30, %dma_start3A_249] : memref<2x10240x128xf32, #tpu.memory_space<hbm>> -> memref<1x640x128xf32, #tpu.memory_space<hbm>>
      %dma_start3A_251 = tpu.memref_squeeze %dma_start3A_250 : memref<1x640x128xf32, #tpu.memory_space<hbm>> -> memref<640x128xf32, #tpu.memory_space<hbm>>
      %dma_start3A_252 = arith.constant 0 : i32
      %dma_start3A_253 = tpu.memref_slice %arg6[%mul3A_30, %dma_start3A_252] : memref<10240x128xf32, #tpu.memory_space<vmem_shared>> -> memref<640x128xf32, #tpu.memory_space<vmem_shared>>
      tpu.enqueue_dma source(%dma_start3A_253 : memref<640x128xf32, #tpu.memory_space<vmem_shared>>) target(%dma_start3A_251 : memref<640x128xf32, #tpu.memory_space<hbm>>) target_semaphore(%run_scoped3A : memref<!tpu.dma_semaphore, #tpu.memory_space<semaphore_mem>>)
      %dma_wait3A_254 = arith.constant 0 : i32
      %dma_wait3A_255 = tpu.memref_slice %arg5[%arg0, %mul3A_30, %dma_wait3A_254] : memref<2x10240x128xf32, #tpu.memory_space<hbm>> -> memref<1x640x128xf32, #tpu.memory_space<hbm>>
      %dma_wait3A_256 = tpu.memref_squeeze %dma_wait3A_255 : memref<1x640x128xf32, #tpu.memory_space<hbm>> -> memref<640x128xf32, #tpu.memory_space<hbm>>
      %dma_wait3A_257 = arith.constant 0 : i32
      %dma_wait3A_258 = tpu.memref_slice %arg6[%mul3A_30, %dma_wait3A_257] : memref<10240x128xf32, #tpu.memory_space<vmem_shared>> -> memref<640x128xf32, #tpu.memory_space<vmem_shared>>
      tpu.wait_dma2 semaphore(%run_scoped3A : memref<!tpu.dma_semaphore, #tpu.memory_space<semaphore_mem>>) src(%dma_wait3A_258 : memref<640x128xf32, #tpu.memory_space<vmem_shared>>) dst(%dma_wait3A_256 : memref<640x128xf32, #tpu.memory_space<hbm>>)
      tpu.yield
    }) : () -> ()
    return
  }
}

module attributes {stable_mosaic.version = 14 : i64} {
  func.func @_tc_layer_body(%arg0: i32, %arg1: memref<2x1024x128xf32, #tpu.memory_space<vmem>>, %arg2: memref<2x8x1024xf32, #tpu.memory_space<vmem>>, %arg3: memref<1024x128xf32, #tpu.memory_space<vmem>>, %arg4: memref<128x128xf32, #tpu.memory_space<vmem>>, %arg5: memref<128x128xf32, #tpu.memory_space<vmem>>, %arg6: memref<1x128xf32, #tpu.memory_space<vmem>>, %arg7: memref<1024x128xf32, #tpu.memory_space<vmem>>) attributes {dimension_semantics = [#tpu.dimension_semantics<arbitrary>], iteration_bounds = array<i64: 10>, scalar_prefetch = 0 : i64, scratch_operands = 0 : i64, tpu.core_type = #tpu.core_type<tc>, window_params = [{transform_indices = @transform_0, window_bounds = array<i64: 2, 1024, 128>}, {transform_indices = @transform_1, window_bounds = array<i64: 2, 8, 1024>}, {transform_indices = @transform_2, window_bounds = array<i64: 1024, 128>}, {pipeline_mode = #tpu.pipeline_mode<synchronous>, transform_indices = @transform_3, window_bounds = array<i64: 128, 128>}, {pipeline_mode = #tpu.pipeline_mode<synchronous>, transform_indices = @transform_4, window_bounds = array<i64: 128, 128>}, {pipeline_mode = #tpu.pipeline_mode<synchronous>, transform_indices = @transform_5, window_bounds = array<i64: 1, 128>}, {transform_indices = @transform_6, window_bounds = array<i64: 1024, 128>}]} {
    %get3A = arith.constant 0 : index
    %get3A_0 = arith.constant 0 : index
    %get3A_1 = arith.constant 0 : index
    %get3A_2 = vector.load %arg1[%get3A, %get3A_0, %get3A_1] : memref<2x1024x128xf32, #tpu.memory_space<vmem>>, vector<1x1024x128xf32>
    %get3A_3 = vector.shape_cast %get3A_2 : vector<1x1024x128xf32> to vector<1024x128xf32>
    %get3A_4 = arith.constant 1 : index
    %get3A_5 = arith.constant 0 : index
    %get3A_6 = arith.constant 0 : index
    %get3A_7 = vector.load %arg1[%get3A_4, %get3A_5, %get3A_6] : memref<2x1024x128xf32, #tpu.memory_space<vmem>>, vector<1x1024x128xf32>
    %get3A_8 = vector.shape_cast %get3A_7 : vector<1x1024x128xf32> to vector<1024x128xf32>
    %add3A = arith.addf %get3A_3, %get3A_8 : vector<1024x128xf32>
    %get3A_9 = arith.constant 0 : index
    %get3A_10 = arith.constant 0 : index
    %get3A_11 = arith.constant 0 : index
    %get3A_12 = vector.load %arg2[%get3A_9, %get3A_10, %get3A_11] : memref<2x8x1024xf32, #tpu.memory_space<vmem>>, vector<1x1x1024xf32>
    %get3A_13 = vector.shape_cast %get3A_12 : vector<1x1x1024xf32> to vector<1024xf32>
    %get3A_14 = arith.constant 1 : index
    %get3A_15 = arith.constant 0 : index
    %get3A_16 = arith.constant 0 : index
    %get3A_17 = vector.load %arg2[%get3A_14, %get3A_15, %get3A_16] : memref<2x8x1024xf32, #tpu.memory_space<vmem>>, vector<1x1x1024xf32>
    %get3A_18 = vector.shape_cast %get3A_17 : vector<1x1x1024xf32> to vector<1024xf32>
    %add3A_19 = arith.addf %get3A_13, %get3A_18 : vector<1024xf32>
    %broadcast_in_dim3A = vector.shape_cast %add3A_19 : vector<1024xf32> to vector<1024x1xf32>
    %max3A = arith.constant 1.000000e+00 : f32
    %max3A_20 = vector.broadcast %max3A : f32 to vector<1024x1xf32>
    %max3A_21 = arith.maximumf %broadcast_in_dim3A, %max3A_20 : vector<1024x1xf32>
    %div3A = arith.constant 1.000000e+00 : f32
    %div3A_22 = vector.broadcast %div3A : f32 to vector<1024x1xf32>
    %div3A_23 = arith.divf %div3A_22, %max3A_21 : vector<1024x1xf32>
    %mul3A = vector.broadcast %div3A_23 : vector<1024x1xf32> to vector<1024x128xf32>
    %mul3A_24 = arith.mulf %add3A, %mul3A : vector<1024x128xf32>
    %get3A_25 = arith.constant 0 : index
    %get3A_26 = arith.constant 0 : index
    %get3A_27 = vector.load %arg4[%get3A_25, %get3A_26] : memref<128x128xf32, #tpu.memory_space<vmem>>, vector<128x128xf32>
    %dot_general3A = arith.constant dense<0.000000e+00> : vector<1024x128xf32>
    %dot_general3A_28 = tpu.matmul %mul3A_24, %get3A_27, %dot_general3A {dimension_numbers = #tpu.dot_dimension_numbers<[1], [1], [0], [0], [0, 0, 1, 0], [], []>, transpose_lhs_hint = false} : vector<1024x128xf32>, vector<128x128xf32>, vector<1024x128xf32> -> vector<1024x128xf32>
    %get3A_29 = arith.constant 0 : index
    %get3A_30 = arith.constant 0 : index
    %get3A_31 = vector.load %arg3[%get3A_29, %get3A_30] : memref<1024x128xf32, #tpu.memory_space<vmem>>, vector<1024x128xf32>
    %get3A_32 = arith.constant 0 : index
    %get3A_33 = arith.constant 0 : index
    %get3A_34 = vector.load %arg5[%get3A_32, %get3A_33] : memref<128x128xf32, #tpu.memory_space<vmem>>, vector<128x128xf32>
    %dot_general3A_35 = arith.constant dense<0.000000e+00> : vector<1024x128xf32>
    %dot_general3A_36 = tpu.matmul %get3A_31, %get3A_34, %dot_general3A_35 {dimension_numbers = #tpu.dot_dimension_numbers<[1], [1], [0], [0], [0, 0, 1, 0], [], []>, transpose_lhs_hint = false} : vector<1024x128xf32>, vector<128x128xf32>, vector<1024x128xf32> -> vector<1024x128xf32>
    %add3A_37 = arith.addf %dot_general3A_28, %dot_general3A_36 : vector<1024x128xf32>
    %get3A_38 = arith.constant 0 : index
    %get3A_39 = arith.constant 0 : index
    %get3A_40 = vector.load %arg6[%get3A_38, %get3A_39] : memref<1x128xf32, #tpu.memory_space<vmem>>, vector<1x128xf32>
    %add3A_41 = vector.broadcast %get3A_40 : vector<1x128xf32> to vector<1024x128xf32>
    %add3A_42 = arith.addf %add3A_37, %add3A_41 : vector<1024x128xf32>
    %swap3A = arith.constant 0 : index
    %swap3A_43 = arith.constant 0 : index
    %swap3A_44 = vector.load %arg7[%swap3A, %swap3A_43] : memref<1024x128xf32, #tpu.memory_space<vmem>>, vector<1024x128xf32>
    tpu.vector_store %arg7[%swap3A, %swap3A_43], %add3A_42 {strides = array<i32>} : memref<1024x128xf32, #tpu.memory_space<vmem>>, vector<1024x128xf32>,
    return
  }
  func.func @transform_0(%arg0: i32) -> (i32, i32, i32) {
    %c0_i32 = arith.constant 0 : i32
    %c0_i32_0 = arith.constant 0 : i32
    %c0_i32_1 = arith.constant 0 : i32
    return %c0_i32, %arg0, %c0_i32_0 : i32, i32, i32
  }
  func.func @transform_1(%arg0: i32) -> (i32, i32, i32) {
    %c0_i32 = arith.constant 0 : i32
    %c0_i32_0 = arith.constant 0 : i32
    %c0_i32_1 = arith.constant 0 : i32
    return %c0_i32, %c0_i32_0, %arg0 : i32, i32, i32
  }
  func.func @transform_2(%arg0: i32) -> (i32, i32) {
    %c0_i32 = arith.constant 0 : i32
    %c0_i32_0 = arith.constant 0 : i32
    return %arg0, %c0_i32 : i32, i32
  }
  func.func @transform_3(%arg0: i32) -> (i32, i32) {
    %c0_i32 = arith.constant 0 : i32
    %c0_i32_0 = arith.constant 0 : i32
    %c0_i32_1 = arith.constant 0 : i32
    return %c0_i32, %c0_i32_0 : i32, i32
  }
  func.func @transform_4(%arg0: i32) -> (i32, i32) {
    %c0_i32 = arith.constant 0 : i32
    %c0_i32_0 = arith.constant 0 : i32
    %c0_i32_1 = arith.constant 0 : i32
    return %c0_i32, %c0_i32_0 : i32, i32
  }
  func.func @transform_5(%arg0: i32) -> (i32, i32) {
    %c0_i32 = arith.constant 0 : i32
    %c0_i32_0 = arith.constant 0 : i32
    %c0_i32_1 = arith.constant 0 : i32
    return %c0_i32, %c0_i32_0 : i32, i32
  }
  func.func @transform_6(%arg0: i32) -> (i32, i32) {
    %c0_i32 = arith.constant 0 : i32
    %c0_i32_0 = arith.constant 0 : i32
    return %arg0, %c0_i32 : i32, i32
  }
}

module attributes {stable_mosaic.version = 14 : i64} {
  func.func @_tc_layer_body(%arg0: i32, %arg1: memref<2x1024x128xf32, #tpu.memory_space<vmem>>, %arg2: memref<2x8x1024xf32, #tpu.memory_space<vmem>>, %arg3: memref<1024x128xf32, #tpu.memory_space<vmem>>, %arg4: memref<128x128xf32, #tpu.memory_space<vmem>>, %arg5: memref<128x128xf32, #tpu.memory_space<vmem>>, %arg6: memref<1x128xf32, #tpu.memory_space<vmem>>, %arg7: memref<1024x128xf32, #tpu.memory_space<vmem>>) attributes {dimension_semantics = [#tpu.dimension_semantics<arbitrary>], iteration_bounds = array<i64: 10>, scalar_prefetch = 0 : i64, scratch_operands = 0 : i64, tpu.core_type = #tpu.core_type<tc>, window_params = [{transform_indices = @transform_0, window_bounds = array<i64: 2, 1024, 128>}, {transform_indices = @transform_1, window_bounds = array<i64: 2, 8, 1024>}, {transform_indices = @transform_2, window_bounds = array<i64: 1024, 128>}, {pipeline_mode = #tpu.pipeline_mode<synchronous>, transform_indices = @transform_3, window_bounds = array<i64: 128, 128>}, {pipeline_mode = #tpu.pipeline_mode<synchronous>, transform_indices = @transform_4, window_bounds = array<i64: 128, 128>}, {pipeline_mode = #tpu.pipeline_mode<synchronous>, transform_indices = @transform_5, window_bounds = array<i64: 1, 128>}, {transform_indices = @transform_6, window_bounds = array<i64: 1024, 128>}]} {
    %get3A = arith.constant 0 : index
    %get3A_0 = arith.constant 0 : index
    %get3A_1 = arith.constant 0 : index
    %get3A_2 = vector.load %arg1[%get3A, %get3A_0, %get3A_1] : memref<2x1024x128xf32, #tpu.memory_space<vmem>>, vector<1x1024x128xf32>
    %get3A_3 = vector.shape_cast %get3A_2 : vector<1x1024x128xf32> to vector<1024x128xf32>
    %get3A_4 = arith.constant 1 : index
    %get3A_5 = arith.constant 0 : index
    %get3A_6 = arith.constant 0 : index
    %get3A_7 = vector.load %arg1[%get3A_4, %get3A_5, %get3A_6] : memref<2x1024x128xf32, #tpu.memory_space<vmem>>, vector<1x1024x128xf32>
    %get3A_8 = vector.shape_cast %get3A_7 : vector<1x1024x128xf32> to vector<1024x128xf32>
    %add3A = arith.addf %get3A_3, %get3A_8 : vector<1024x128xf32>
    %get3A_9 = arith.constant 0 : index
    %get3A_10 = arith.constant 0 : index
    %get3A_11 = arith.constant 0 : index
    %get3A_12 = vector.load %arg2[%get3A_9, %get3A_10, %get3A_11] : memref<2x8x1024xf32, #tpu.memory_space<vmem>>, vector<1x1x1024xf32>
    %get3A_13 = vector.shape_cast %get3A_12 : vector<1x1x1024xf32> to vector<1024xf32>
    %get3A_14 = arith.constant 1 : index
    %get3A_15 = arith.constant 0 : index
    %get3A_16 = arith.constant 0 : index
    %get3A_17 = vector.load %arg2[%get3A_14, %get3A_15, %get3A_16] : memref<2x8x1024xf32, #tpu.memory_space<vmem>>, vector<1x1x1024xf32>
    %get3A_18 = vector.shape_cast %get3A_17 : vector<1x1x1024xf32> to vector<1024xf32>
    %add3A_19 = arith.addf %get3A_13, %get3A_18 : vector<1024xf32>
    %broadcast_in_dim3A = vector.shape_cast %add3A_19 : vector<1024xf32> to vector<1024x1xf32>
    %max3A = arith.constant 1.000000e+00 : f32
    %max3A_20 = vector.broadcast %max3A : f32 to vector<1024x1xf32>
    %max3A_21 = arith.maximumf %broadcast_in_dim3A, %max3A_20 : vector<1024x1xf32>
    %div3A = arith.constant 1.000000e+00 : f32
    %div3A_22 = vector.broadcast %div3A : f32 to vector<1024x1xf32>
    %div3A_23 = arith.divf %div3A_22, %max3A_21 : vector<1024x1xf32>
    %mul3A = vector.broadcast %div3A_23 : vector<1024x1xf32> to vector<1024x128xf32>
    %mul3A_24 = arith.mulf %add3A, %mul3A : vector<1024x128xf32>
    %get3A_25 = arith.constant 0 : index
    %get3A_26 = arith.constant 0 : index
    %get3A_27 = vector.load %arg4[%get3A_25, %get3A_26] : memref<128x128xf32, #tpu.memory_space<vmem>>, vector<128x128xf32>
    %dot_general3A = arith.constant dense<0.000000e+00> : vector<1024x128xf32>
    %dot_general3A_28 = tpu.matmul %mul3A_24, %get3A_27, %dot_general3A {dimension_numbers = #tpu.dot_dimension_numbers<[1], [1], [0], [0], [0, 0, 1, 0], [], []>, transpose_lhs_hint = false} : vector<1024x128xf32>, vector<128x128xf32>, vector<1024x128xf32> -> vector<1024x128xf32>
    %get3A_29 = arith.constant 0 : index
    %get3A_30 = arith.constant 0 : index
    %get3A_31 = vector.load %arg3[%get3A_29, %get3A_30] : memref<1024x128xf32, #tpu.memory_space<vmem>>, vector<1024x128xf32>
    %get3A_32 = arith.constant 0 : index
    %get3A_33 = arith.constant 0 : index
    %get3A_34 = vector.load %arg5[%get3A_32, %get3A_33] : memref<128x128xf32, #tpu.memory_space<vmem>>, vector<128x128xf32>
    %dot_general3A_35 = arith.constant dense<0.000000e+00> : vector<1024x128xf32>
    %dot_general3A_36 = tpu.matmul %get3A_31, %get3A_34, %dot_general3A_35 {dimension_numbers = #tpu.dot_dimension_numbers<[1], [1], [0], [0], [0, 0, 1, 0], [], []>, transpose_lhs_hint = false} : vector<1024x128xf32>, vector<128x128xf32>, vector<1024x128xf32> -> vector<1024x128xf32>
    %add3A_37 = arith.addf %dot_general3A_28, %dot_general3A_36 : vector<1024x128xf32>
    %get3A_38 = arith.constant 0 : index
    %get3A_39 = arith.constant 0 : index
    %get3A_40 = vector.load %arg6[%get3A_38, %get3A_39] : memref<1x128xf32, #tpu.memory_space<vmem>>, vector<1x128xf32>
    %add3A_41 = vector.broadcast %get3A_40 : vector<1x128xf32> to vector<1024x128xf32>
    %add3A_42 = arith.addf %add3A_37, %add3A_41 : vector<1024x128xf32>
    %max3A_43 = arith.constant 0.000000e+00 : f32
    %max3A_44 = vector.broadcast %max3A_43 : f32 to vector<1024x128xf32>
    %max3A_45 = arith.maximumf %add3A_42, %max3A_44 : vector<1024x128xf32>
    %swap3A = arith.constant 0 : index
    %swap3A_46 = arith.constant 0 : index
    %swap3A_47 = vector.load %arg7[%swap3A, %swap3A_46] : memref<1024x128xf32, #tpu.memory_space<vmem>>, vector<1024x128xf32>
    tpu.vector_store %arg7[%swap3A, %swap3A_46], %max3A_45 {strides = array<i32>} : memref<1024x128xf32, #tpu.memory_space<vmem>>, vector<1024x128xf32>,
    return
  }
  func.func @transform_0(%arg0: i32) -> (i32, i32, i32) {
    %c0_i32 = arith.constant 0 : i32
    %c0_i32_0 = arith.constant 0 : i32
    %c0_i32_1 = arith.constant 0 : i32
    return %c0_i32, %arg0, %c0_i32_0 : i32, i32, i32
  }
  func.func @transform_1(%arg0: i32) -> (i32, i32, i32) {
    %c0_i32 = arith.constant 0 : i32
    %c0_i32_0 = arith.constant 0 : i32
    %c0_i32_1 = arith.constant 0 : i32
    return %c0_i32, %c0_i32_0, %arg0 : i32, i32, i32
  }
  func.func @transform_2(%arg0: i32) -> (i32, i32) {
    %c0_i32 = arith.constant 0 : i32
    %c0_i32_0 = arith.constant 0 : i32
    return %arg0, %c0_i32 : i32, i32
  }
  func.func @transform_3(%arg0: i32) -> (i32, i32) {
    %c0_i32 = arith.constant 0 : i32
    %c0_i32_0 = arith.constant 0 : i32
    %c0_i32_1 = arith.constant 0 : i32
    return %c0_i32, %c0_i32_0 : i32, i32
  }
  func.func @transform_4(%arg0: i32) -> (i32, i32) {
    %c0_i32 = arith.constant 0 : i32
    %c0_i32_0 = arith.constant 0 : i32
    %c0_i32_1 = arith.constant 0 : i32
    return %c0_i32, %c0_i32_0 : i32, i32
  }
  func.func @transform_5(%arg0: i32) -> (i32, i32) {
    %c0_i32 = arith.constant 0 : i32
    %c0_i32_0 = arith.constant 0 : i32
    %c0_i32_1 = arith.constant 0 : i32
    return %c0_i32, %c0_i32_0 : i32, i32
  }
  func.func @transform_6(%arg0: i32) -> (i32, i32) {
    %c0_i32 = arith.constant 0 : i32
    %c0_i32_0 = arith.constant 0 : i32
    return %arg0, %c0_i32 : i32, i32
  }
}

</mosaic_0001>

<sc_bundles>
// kernel: kernel.6.cloned.1.call-start
scs
__scs_entry_jumppad:
0x0: {  	(pc) =	sbr.rel $0x88, $3  }
0x1: {  	(tag) =	ssettag $0x0;
	lr =	simm.s32 $0x1  }
0x2: {  	[smem:$0x3F99] =	sst lr;
	_ =	strace $0xD0000000  }
0x3: {  	_ = 	snop  }
0x4: {  	_ = 	snop  }
0x5: {  	_ = 	snop  }
0x6: {  	_ = 	snop  }
0x7: {  	_ = 	snop  }
__scs_overlays_trampoline_lowered:
0x8: {  	[smem:$0x3FA8] =	sst s0  }
0x9: {  	[smem:$0x3FA9] =	sst s1  }
0xa: {  	[smem:$0x3FAA] =	sst s2  }
0xb: {  	[smem:$0x3FAB] =	sst s3  }
0xc: {  	[smem:$0x3FAC] =	sst s4  }
0xd: {  	[smem:$0x3FAD] =	sst s5  }
0xe: {  	[smem:$0x3FAE] =	sst s6  }
0xf: {  	[smem:$0x3FAF] =	sst s7  }
0x10: {  	[smem:$0x3FB0] =	sst s8  }
0x11: {  	[smem:$0x3FB1] =	sst s9;
	s0 =	simm.s32 @!p0 $0x0  }
0x12: {  	s1 =	sld [smem:$0x3F97];
	s0 =	simm.s32 @p0 $0x1  }
0x13: {  	[smem:$0x3FB2] =	sst s0;
	s0 =	simm.s32 @!p1 $0x0  }
0x14: {  	s2 =	sld [smem:$0x3F96];
	s0 =	simm.s32 @p1 $0x1  }
0x15: {  	[smem:$0x3FB3] =	sst s0;
	s0 =	simm.s32 @!p2 $0x0  }
0x16: {  	s3 =	sld [smem:$0x3FDB];
	s0 =	simm.s32 @p2 $0x1  }
0x17: {  	s4 =	simm.s32 $0x1BF5;
	[smem:$0x3FB5] =	sst s0  }
0x18: {  	s0 =	sld [smem:$0x3F98];
	_ =	swait.ge [sflag:s4], $0x0  }
0x19: {  	s7 =	sld [smem:$0x3F99]  }
0x1a: {  	s8 =	sadd.s32 $0xFFFFE003, lr  }
0x1b: {  	s9 =	sadd.s32 $0xFFFFFEF7, lr;
	s5 =	simm.s32 $0xFFFFFFFF;
	p2 =	slt.u32 s8, $0xFFFFF086  }
0x1c: {  	p1 =	slt.u32 s9, $0xF7A;
	s5 =	simm.s32 @!p2 $0x0  }
0x1d: {  	s5 =	simm.s32 @p1 $0x1;
	p0 =	seq.s32 s7, s2  }
0x1e: {  	s7 =	smul.u32 @!p0 $0xF7A, s2;
	p2 =	seq.s32 @!p0 s5, $0x0  }
0x1f: {  	s9 =	smul.u32 $0xF7A, s1;
	s8 =	simm.s32 @!p0 $0x1BF5;
	p2 =	por !p2, p0  }
0x20: {  	[sflag:s8] =	ssyncset.s32 @!p0 $0xFFFFF086;
	s6 =	sadd.s32 @!p0 s3, s7;
	s7 =	simm.s32 @!p0 $0x108  }
0x21: {  	s3 =	sadd.s32 s3, s9;
	s6 =	sadd.s32 @!p0 $0x88, s6;
	s7 =	simm.s32 @p2 $0x1082  }
0x22: {  	[simem:s7], [sflag:s8] =	dma.local @!p0 [hbm:s6], $0xF7A  }
0x23: {  	s9 =	sor.u32 $0xD0000000, s2;
	s6 =	simm.s32 $0x108;
	_ =	swait.ge @!p0 [sflag:s8], $0x0  }
0x24: {  	s3 =	sadd.s32 $0x88, s3;
	s6 =	simm.s32 @!p1 $0x1082;
	[sflag:s4] =	ssyncset.s32 $0xFFFFF086  }
0x25: {  	[simem:s6], [sflag:s4] =	dma.local [hbm:s3], $0xF7A  }
0x26: {  	[smem:$0x3F99] =	sst s1;
	(tag) =	ssettag s2;
	_ =	strace s9  }
0x27: {  	s1 =	sld [smem:$0x3FA9]  }
0x28: {  	s2 =	sld [smem:$0x3FAA]  }
0x29: {  	s4 =	sld [smem:$0x3FAC]  }
0x2a: {  	p0 =	seq.s32 s5, $0x0;
	s5 =	sld [smem:$0x3FAD]  }
0x2b: {  	s6 =	sld [smem:$0x3FAE]  }
0x2c: {  	s7 =	sld [smem:$0x3FAF]  }
0x2d: {  	s3 =	simm.s32 $0x108;
	s8 =	sld [smem:$0x3FB0]  }
0x2e: {  	s3 =	simm.s32 @!p0 $0x1082;
	s9 =	sld [smem:$0x3FB1]  }
0x2f: {  	lr =	sadd.s32 s0, s3;
	s0 =	sld [smem:$0x3FA8]  }
0x30: {  	s3 =	sld [smem:$0x3FAB]  }
0x31: {  	[smem:$0x3FB4] =	sst s10  }
0x32: {  	s10 =	sld [smem:$0x3FB2];
	_ =	sdelay $0x3  }
0x33: {  	p0 =	seq.s32 s10, $0x1;
	s10 =	sld [smem:$0x3FB4];
	_ =	sdelay $0x3  }
0x34: {  	[smem:$0x3FB4] =	sst s10  }
0x35: {  	s10 =	sld [smem:$0x3FB3];
	_ =	sdelay $0x3  }
0x36: {  	p1 =	seq.s32 s10, $0x1;
	s10 =	sld [smem:$0x3FB4];
	_ =	sdelay $0x3  }
0x37: {  	[smem:$0x3FB4] =	sst s10  }
0x38: {  	s10 =	sld [smem:$0x3FB5]  }
0x39: {  	_ = 	snop;
	(pc) =	sbr.ind lr, $3  }
0x3a: {  	_ = 	snop  }
0x3b: {  	_ = 	snop  }
0x3c: {  	p2 =	seq.s32 s10, $0x1;
	s10 =	sld [smem:$0x3FB4]  }
0x3d: {  	_ =	shalt  }
0x3e: {  	_ =	shalt  }
0x3f: {  	_ =	shalt  }
0x40: {  	_ =	shalt  }
0x41: {  	_ =	shalt  }
0x42: {  	_ =	shalt  }
0x43: {  	_ =	shalt  }
0x44: {  	_ =	shalt  }
0x45: {  	_ =	shalt  }
0x46: {  	_ =	shalt  }
0x47: {  	_ =	shalt  }
0x48: {  	_ =	shalt  }
0x49: {  	_ =	shalt  }
0x4a: {  	_ =	shalt  }
0x4b: {  	_ =	shalt  }
0x4c: {  	_ =	shalt  }
0x4d: {  	_ =	shalt  }
0x4e: {  	_ =	shalt  }
0x4f: {  	_ =	shalt  }
0x50: {  	_ =	shalt  }
0x51: {  	_ =	shalt  }
0x52: {  	_ =	shalt  }
0x53: {  	_ =	shalt  }
0x54: {  	_ =	shalt  }
0x55: {  	_ =	shalt  }
0x56: {  	_ =	shalt  }
0x57: {  	_ =	shalt  }
0x58: {  	_ =	shalt  }
0x59: {  	_ =	shalt  }
0x5a: {  	_ =	shalt  }
0x5b: {  	_ =	shalt  }
0x5c: {  	_ =	shalt  }
0x5d: {  	_ =	shalt  }
0x5e: {  	_ =	shalt  }
0x5f: {  	_ =	shalt  }
0x60: {  	_ =	shalt  }
0x61: {  	_ =	shalt  }
0x62: {  	_ =	shalt  }
0x63: {  	_ =	shalt  }
0x64: {  	_ =	shalt  }
0x65: {  	_ =	shalt  }
0x66: {  	_ =	shalt  }
0x67: {  	_ =	shalt  }
0x68: {  	_ =	shalt  }
0x69: {  	_ =	shalt  }
0x6a: {  	_ =	shalt  }
0x6b: {  	_ =	shalt  }
0x6c: {  	_ =	shalt  }
0x6d: {  	_ =	shalt  }
0x6e: {  	_ =	shalt  }
0x6f: {  	_ =	shalt  }
0x70: {  	_ =	shalt  }
0x71: {  	_ =	shalt  }
0x72: {  	_ =	shalt  }
0x73: {  	_ =	shalt  }
0x74: {  	_ =	shalt  }
0x75: {  	_ =	shalt  }
0x76: {  	_ =	shalt  }
0x77: {  	_ =	shalt  }
0x78: {  	_ =	shalt  }
0x79: {  	_ =	shalt  }
0x7a: {  	_ =	shalt  }
0x7b: {  	_ =	shalt  }
0x7c: {  	_ =	shalt  }
0x7d: {  	_ =	shalt  }
0x7e: {  	_ =	shalt  }
0x7f: {  	_ =	shalt  }
0x80: {  	_ =	shalt  }
0x81: {  	_ =	shalt  }
0x82: {  	_ =	shalt  }
0x83: {  	_ =	shalt  }
0x84: {  	_ =	shalt  }
0x85: {  	_ =	shalt  }
0x86: {  	_ =	shalt  }
0x87: {  	_ =	shalt  }
.Lfunc_end0:
.L_simem_size_0:
called_computation_lowered:
.L_overlay_start_0:
0x88: {  	s2 =	sld [smem:$0x3FD9]  }
0x89: {  	s3 =	sld [smem:$0x3FFE];
	_ =	sdelay $0x1  }
0x8a: {  	s1 =	srdreg.scid  }
0x8b: {  	s0 =	sand.u32 $0x1, s1  }
0x8c: {  	s17 =	sshll.u32 s0, $0xA;
	s2 =	sadd.s32 s3, s2  }
0x8d: {  	s2 =	sadd.s32 s2, s17  }
0x8e: {  	[smem:$0x3FC0] =	sst s2  }
0x8f: {  	_ = 	snop  }
0x90: {  	s2 =	sld [smem:$0x3FC9];
	(tm) =	ssettm $0x1  }
0x91: {  	s18 =	sld [smem:$0x3FFB];
	_ =	sdelay $0x3  }
0x92: {  	_ =	strace s18  }
0x93: {  	s3 =	sld [smem:$0x3FFC];
	_ =	sdelay $0x3  }
0x94: {  	_ =	strace s3  }
0x95: {  	s3 =	sld [smem:$0x3FFD];
	_ =	sdelay $0x3  }
0x96: {  	_ =	strace s3  }
0x97: {  	_ =	strace $0x8FFFFFFF  }
0x98: {  	s19 =	sld [smem:$0x3FDB];
	_ =	sdelay $0x1  }
0x99: {  	s4 =	simm.s32 $_scs_section_size  }
0x9a: {  	s5 =	simm.s32 $_size__tile_overlayer_lowered;
	s6 =	simm.s32 $_tile_overlayer_lowered  }
0x9b: {  	s22 =	simm.s32 $0x1BFF;
	s21 =	sshll.u32 s6, $0x1;
	s3 =	sadd.s32 s4, s19  }
0x9c: {  	s7 =	simm.s32 $0x0;
	s20 =	sshll.u32 s5, $0x1;
	s5 =	sadd.s32 s21, s3  }
0x9d: {  	[timem:s7], [sflag:s22] =	dma.local [hbm:s5], s20  }
0x9e: {  	_ =	swait.ge [sflag:s22], s20  }
0x9f: {  	s4 =	ssub.s32 $0x0, s20;
	[sflag:s22] =	ssyncset.done $0x0  }
0xa0: {  	[sflag:s22] =	ssyncadd.s32 s4;
	_ =	sdelay $0x1  }
0xa1: {  	s23 =	simm.s32 $0x1B8B  }
0xa2: {  	_ =	swait.ge [sflag:s23], $0x1  }
0xa3: {  	[sflag:s23] =	ssyncset.done $0x0  }
0xa4: {  	s25 =	simm.s32 $0x1B8E;
	s24 =	sld [smem:$0x3FFE];
	[sflag:s23] =	ssyncadd.s32 $0xFFFFFFFF  }
0xa5: {  	s26 =	simm.s32 $execute0_lowered;
	[smem:$0x3FD2] =	sst s25  }
0xa6: {  	s5 =	sshll.u32 s26, $0x1;
	_ =	strace $0x80000046;
	[dreg:$0x1] =	wrdreg $0xFFFFFFFF  }
0xa7: {  	s28 =	simm.s32 $_size_execute0_lowered;
	s3 =	sadd.s32 s3, s5;
	[dreg:$0x0] =	wrdreg $0x0  }
0xa8: {  	s5 =	sshll.u32 s28, $0x1;
	[dreg:$0x2] =	wrdreg s3  }
0xa9: {  	[dreg:$0x3] =	wrdreg s5  }
0xaa: {  	[dreg:$0x4] =	wrdreg $0xC0  }
0xab: {  	_ =	task [dreg:s7], $0x5FFFF  }
0xac: {  	[dreg:$0x1] =	wrdreg $0xFFFFFFFF  }
0xad: {  	[dreg:$0x0] =	wrdreg $0x60  }
0xae: {  	[dreg:$0x2] =	wrdreg s2  }
0xaf: {  	[dreg:$0x3] =	wrdreg s24  }
0xb0: {  	[dreg:$0x4] =	wrdreg $0x0  }
0xb1: {  	[dreg:$0x5] =	wrdreg $0x140000  }
0xb2: {  	[dreg:$0x6] =	wrdreg $0x9  }
0xb3: {  	_ =	task.clear_ibuf [dreg:s7], $0x7FFFF;
	_ =	strace $0x90000046  }
0xb4: {  	s29 =	simm.s32 $0x9;
	_ =	strace $0x80000048  }
0xb5: {  	_ =	swait.ge [sflag:s29], $0x1  }
0xb6: {  	[sflag:s29] =	ssyncadd.s32 $0xFFFFFFFF  }
0xb7: {  	_ =	strace $0x90000048  }
0xb8: {  	_ =	sfence  }
0xb9: {  	s30 =	sld [smem:$0x0];
	_ =	sdelay $0x2  }
0xba: {  	s31 =	sshll.u32 s1, $0xD;
	s1 =	sshrl.u32 s1, $0x2  }
0xbb: {  	s3 =	sand.u32 $0x4000, s31;
	s1 =	sadd.s32 s1, s30  }
0xbc: {  	s0 =	sor.u32 s3, s0;
	s1 =	sshll.u32 s1, $0x11  }
0xbd: {  	s0 =	sor.u32 s1, s0  }
0xbe: {  	s0 =	sadd.s32 $0x8F2B, s0  }
0xbf: {  	[sflag:s0] =	ssyncadd.remote.s32 $0x1  }
0xc0: {  	_ =	sfence.sel $0xFFFF  }
0xc1: {  	[dreg:$0x0] =	wrdreg $0xFFFFFFFF;
	(pc) =	sbr.abs _section_cstart, $3  }
0xc2: {  	[dreg:$0x1] =	wrdreg $0xFFFFFFFF  }
0xc3: {  	_ =	task.clear_ibuf [dreg:s7], $0x2FFFF;
	_ =	strace $0x9FFFFFFF  }
0xc4: {  	(tm) =	ssettm $0x7FFFFFFF  }
0xc5: {  	_ =	shalt  }
tec
execute0_lowered:
.L_overlay_start_1:
0x0: {  	(tag) =	ssettag $0x1  }
0x1: {  	s3 =	rddreg [dreg:$0x0]  }
0x2: {  	s1 =	rddreg [dreg:$0x1]  }
0x3: {  	s4 =	rddreg [dreg:$0x2]  }
0x4: {  	s2 =	srdreg.scid;
	s6 =	stileid.u32  }
0x5: {  	s0 =	rddreg [dreg:$0x3];
	s5 =	simm.s32 $0x0;
	s9 =	smul.u32 $0x14000, s6  }
0x6: {  	s30 =	simm.s32 $0x9;
	s28 =	simm.s32 $0xB;
	s11 =	smul.u32 $0x1400, s6  }
0x7: {  	s31 =	simm.s32 $0x6;
	s29 =	simm.s32 $0x1CE80;
	s17 =	smul.u32 $0x50000, s6  }
0x8: {  	s2 =	sand.u32 $0x1, s2;
	[smem:$0x7FF] =	sst s5;
	s19 =	smul.u32 $0x4E20, s6  }
0x9: {  	s7 =	sadd.s32 $0xC200, s1;
	s22 =	sadd.s32 $0x2400, s1;
	s8 =	smul.u32 $0x140000, s2  }
0xa: {  	s12 =	sshll.u32 s6, $0x1;
	s10 =	smul.u32 $0x14000, s2;
	_ =	strace $0x80000047  }
0xb: {  	s14 =	sor.u32 s2, s12;
	s15 =	ssub.s32 $0x2, s2;
	s2 =	smul.u32 $0x2710, s2  }
0xc: {  	[dreg:$0xb] =	wrdreg s22;
	s16 =	sshrl.u32 s15, $0x1;
	s12 =	sshrl.u32 s17, $0x2  }
0xd: {  	s8 =	sadd.s32 s9, s8;
	s13 =	sadd.s32 s11, s10;
	s10 =	smul.u32 $0x2710, s14  }
0xe: {  	s2 =	sadd.s32 s2, s19;
	s8 =	sshrl.u32 s8, $0x3;
	s9 =	sshrl.u32 s13, $0x3  }
0xf: {  	s13 =	smul.u32 $0xA00, s6;
	s6 =	sadd.s32 s12, s4;
	s10 =	sshrl.u32 s10, $0x3  }
0x10: {  	s8 =	sadd.s32 s8, s1;
	[dreg:$0x11] =	wrdreg s6;
	s20 =	sadd.s32 s7, s10  }
0x11: {  	s1 =	sadd.s32 s9, s1;
	s8 =	sadd.s32 $0x16000, s8;
	[dreg:$0xe] =	wrdreg s20  }
0x12: {  	s18 =	sadd.s32 $0x4E0, s10;
	s1 =	sadd.s32 $0x66000, s1;
	[dreg:$0x1c] =	wrdreg s8  }
0x13: {  	s19 =	sadd.s32 $0x280, s2;
	s14 =	sadd.s32 s7, s18;
	[dreg:$0x1d] =	wrdreg s1  }
0x14: {  	s21 =	sadd.s32 $0x10, s10;
	s11 =	sadd.s32 s22, s18;
	[dreg:$0xc] =	wrdreg s14  }
0x15: {  	s9 =	ssub.s32 s15, s16;
	s23 =	sadd.s32 s7, s21;
	[dreg:$0xd] =	wrdreg s11  }
0x16: {  	s25 =	sshrl.u32 s13, $0x2;
	s24 =	sadd.s32 s22, s21;
	[dreg:$0xf] =	wrdreg s23  }
0x17: {  	s12 =	sadd.s32 $0x20, s10;
	s26 =	sadd.s32 s25, s0;
	[dreg:$0x10] =	wrdreg s24  }
0x18: {  	s17 =	sadd.s32 $0x4B0, s10;
	s15 =	sadd.s32 s7, s12;
	[dreg:$0x12] =	wrdreg s26  }
0x19: {  	s20 =	sshrl.u32 s19, $0x3;
	[dreg:$0x13] =	wrdreg s15;
	s11 =	sadd.s32 s22, s12  }
0x1a: {  	s1 =	simm.s32 $0x2;
	s21 =	sadd.s32 s20, s22;
	[dreg:$0x14] =	wrdreg s11  }
0x1b: {  	s8 =	simm.s32 $0xA;
	s26 =	sadd.s32 s7, s17;
	[dreg:$0x7] =	wrdreg s21  }
0x1c: {  	s14 =	sadd.s32 $0x300, s2;
	s24 =	sadd.s32 s20, s7;
	[dreg:$0x15] =	wrdreg s26  }
0x1d: {  	s23 =	sadd.s32 $0x180, s2;
	s12 =	sadd.s32 s22, s17;
	[dreg:$0x8] =	wrdreg s24  }
0x1e: {  	s20 =	smax.u32 s9, $0x1;
	s9 =	simm.s32 $0x14280;
	[dreg:$0x16] =	wrdreg s12  }
0x1f: {  	s16 =	sshrl.u32 s14, $0x3;
	s25 =	sshrl.u32 s23, $0x3;
	[dreg:$0x1e] =	wrdreg s20  }
0x20: {  	s21 =	sadd.s32 $0x200, s2;
	s23 =	sadd.s32 $0x4000, s6;
	s24 =	sadd.s32 $0x8000, s6  }
0x21: {  	s26 =	sadd.s32 $0x10000, s6;
	s20 =	simm.s32 $0x1C600;
	[dreg:$0x1f] =	wrdreg s21  }
0x22: {  	s12 =	simm.s32 $0x14580;
	s14 =	simm.s32 $0x10;
	[smem:$0x7FA] =	sst s23  }
0x23: {  	s18 =	sadd.s32 s16, s22;
	s11 =	sadd.s32 s16, s7;
	[smem:$0x7FB] =	sst s24  }
0x24: {  	s15 =	sadd.s32 s25, s22;
	s16 =	sadd.s32 $0x4C0, s10;
	[smem:$0x7FD] =	sst s26  }
0x25: {  	s13 =	sadd.s32 s25, s7;
	s25 =	sadd.s32 $0xC000, s6;
	[dreg:$0x5] =	wrdreg s18  }
0x26: {  	s6 =	simm.s32 $0x1C580;
	s21 =	simm.s32 $0x14400;
	[dreg:$0x6] =	wrdreg s11  }
0x27: {  	s24 =	simm.s32 $0xD;
	s23 =	simm.s32 $0x4;
	[dreg:$0x9] =	wrdreg s15  }
0x28: {  	s26 =	simm.s32 $0x14580;
	[dreg:$0xa] =	wrdreg s13;
	s17 =	sadd.s32 s7, s16  }
0x29: {  	s11 =	sadd.s32 s22, s16;
	s18 =	sadd.s32 s22, s10;
	[smem:$0x7FC] =	sst s25  }
0x2a: {  	s10 =	sadd.s32 $0x4D0, s10;
	s15 =	simm.s32 $0x18580;
	[dreg:$0x17] =	wrdreg s17  }
0x2b: {  	s16 =	simm.s32 $0x3;
	s25 =	simm.s32 $0x1;
	[dreg:$0x18] =	wrdreg s11  }
0x2c: {  	s13 =	simm.s32 $0xC;
	[dreg:$0x19] =	wrdreg s18;
	s19 =	sadd.s32 s7, s10  }
0x2d: {  	s10 =	sadd.s32 s22, s10;
	s11 =	simm.s32 $0x14300;
	s18 =	simm.s32 $0x80  }
0x2e: {  	s17 =	simm.s32 $0x0;
	s22 =	simm.s32 $0x14480;
	[dreg:$0x1a] =	wrdreg s19  }
0x2f: {  	v0 =	vimm.f32 $0.0e+00;
	v1 =	vimm.f32 $1.000000000e+00;
	[dreg:$0x1b] =	wrdreg s10;
	s10 =	simm.s32 $0x14380;
	s19 =	simm.s32 $0x1CE80  }
.LBB2_1:
0x30: {  	[smem:$0x7F9] =	sst s17  }
0x31: {  	s2 =	rddreg [dreg:$0xc]  }
0x32: {  	[tilespmem:s6], [sflag:$0xD] =	stream.linear.gather [hbm4b:s2+s5], $0x10, $0x38;
	[tilespmem:$0x1D200] =	vst v63  }
0x33: {  	s17 =	rddreg [dreg:$0xd]  }
0x34: {  	[tilespmem:s20], [sflag:$0xD] =	stream.linear.gather [hbm4b:s17+s5], $0x10, $0x38;
	[tilespmem:$0x1D200] =	vst v63  }
0x35: {  	s17 =	rddreg [dreg:$0xe]  }
0x36: {  	[tilespmem:s9], [sflag:$0x3] =	stream.linear.gather [hbm4b:s17+s5], $0x80, $0x38;
	[tilespmem:$0x1D200] =	vst v63  }
0x37: {  	s20 =	rddreg [dreg:$0x19]  }
0x38: {  	[tilespmem:s10], [sflag:$0x5] =	stream.linear.gather [hbm4b:s20+s5], $0x80, $0x38;
	[tilespmem:$0x1D200] =	vst v63  }
0x39: {  	s17 =	rddreg [dreg:$0xf]  }
0x3a: {  	[tilespmem:s11], [sflag:$0x4] =	stream.linear.gather [hbm4b:s17+s5], $0x80, $0x38;
	[tilespmem:$0x1D200] =	vst v63  }
0x3b: {  	s20 =	rddreg [dreg:$0x10]  }
0x3c: {  	[tilespmem:s21], [sflag:$0x6] =	stream.linear.gather [hbm4b:s20+s5], $0x80, $0x38;
	[tilespmem:$0x1D200] =	vst v63  }
0x3d: {  	s2 =	simm.s32 $0x0;
	s20 =	simm.s32 $0x200  }
.LBB2_2:
0x3e: {  	p0 =	sne.s32 s20, $0xFE00;
	[tilespmem:s2+$0x185F0] =	vst v0  }
0x3f: {  	[tilespmem:s2+$0x18580] =	vst v0  }
0x40: {  	[tilespmem:s2+$0x18590] =	vst v0  }
.Ltmp0:
0x41: {  	[tilespmem:s2+$0x185A0] =	vst v0;
	(pc) =	sbr.rel @p0 .LBB2_2-.Ltmp0, $4  }
0x42: {  	[tilespmem:s2+$0x185B0] =	vst v0  }
0x43: {  	[tilespmem:s2+$0x185C0] =	vst v0  }
0x44: {  	[tilespmem:s2+$0x185D0] =	vst v0  }
0x45: {  	[tilespmem:s2+$0x185E0] =	vst v0;
	s2 =	sshra.s32 s20, $0x2;
	s20 =	sadd.s32 $0x200, s20  }
0x46: {  	[tilespmem:s2+$0x185F0] =	vst v0  }
0x47: {  	[tilespmem:s2+$0x18580] =	vst v0  }
0x48: {  	[tilespmem:s2+$0x18590] =	vst v0  }
0x49: {  	[tilespmem:s2+$0x185A0] =	vst v0  }
0x4a: {  	[tilespmem:s2+$0x185B0] =	vst v0  }
0x4b: {  	[tilespmem:s2+$0x185C0] =	vst v0  }
0x4c: {  	[tilespmem:s2+$0x185D0] =	vst v0  }
0x4d: {  	[tilespmem:s2+$0x185E0] =	vst v0  }
0x4e: {  	[tilespmem:$0x1CF80] =	vst v0  }
0x4f: {  	[tilespmem:$0x1CF90] =	vst v0  }
0x50: {  	[tilespmem:$0x1CFA0] =	vst v0  }
0x51: {  	[tilespmem:$0x1CFB0] =	vst v0  }
0x52: {  	[tilespmem:$0x1CFC0] =	vst v0  }
0x53: {  	[tilespmem:$0x1CFD0] =	vst v0  }
0x54: {  	[tilespmem:$0x1CFE0] =	vst v0  }
0x55: {  	[tilespmem:$0x1CFF0] =	vst v0  }
0x56: {  	[tilespmem:$0x1D000] =	vst v0  }
0x57: {  	[tilespmem:$0x1D010] =	vst v0  }
0x58: {  	[tilespmem:$0x1D020] =	vst v0  }
0x59: {  	[tilespmem:$0x1D030] =	vst v0  }
0x5a: {  	[tilespmem:$0x1D040] =	vst v0  }
0x5b: {  	[tilespmem:$0x1D050] =	vst v0  }
0x5c: {  	[tilespmem:$0x1D060] =	vst v0  }
0x5d: {  	[tilespmem:$0x1D070] =	vst v0  }
0x5e: {  	[tilespmem:$0x1D080] =	vst v0  }
0x5f: {  	[tilespmem:$0x1D090] =	vst v0  }
0x60: {  	[tilespmem:$0x1D0A0] =	vst v0  }
0x61: {  	[tilespmem:$0x1D0B0] =	vst v0  }
0x62: {  	[tilespmem:$0x1D0C0] =	vst v0  }
0x63: {  	[tilespmem:$0x1D0D0] =	vst v0  }
0x64: {  	[tilespmem:$0x1D0E0] =	vst v0  }
0x65: {  	[tilespmem:$0x1D0F0] =	vst v0  }
0x66: {  	[tilespmem:$0x1D100] =	vst v0  }
0x67: {  	[tilespmem:$0x1D110] =	vst v0  }
0x68: {  	[tilespmem:$0x1D120] =	vst v0  }
0x69: {  	[tilespmem:$0x1D130] =	vst v0  }
0x6a: {  	[tilespmem:$0x1D140] =	vst v0  }
0x6b: {  	[tilespmem:$0x1D150] =	vst v0  }
0x6c: {  	[tilespmem:$0x1D160] =	vst v0  }
0x6d: {  	[tilespmem:$0x1D170] =	vst v0  }
0x6e: {  	[tilespmem:$0x1D180] =	vst v0  }
0x6f: {  	[tilespmem:$0x1D190] =	vst v0  }
0x70: {  	[tilespmem:$0x1D1A0] =	vst v0  }
0x71: {  	[tilespmem:$0x1D1B0] =	vst v0  }
0x72: {  	[tilespmem:$0x1D1C0] =	vst v0  }
0x73: {  	[tilespmem:$0x1D1D0] =	vst v0  }
0x74: {  	[tilespmem:$0x1D1E0] =	vst v0  }
0x75: {  	[tilespmem:$0x1D1F0] =	vst v0  }
0x76: {  	[tilespmem:$0x1CE80] =	vst v1  }
0x77: {  	[tilespmem:$0x1CE90] =	vst v1  }
0x78: {  	[tilespmem:$0x1CEA0] =	vst v1  }
0x79: {  	[tilespmem:$0x1CEB0] =	vst v1  }
0x7a: {  	[tilespmem:$0x1CEC0] =	vst v1  }
0x7b: {  	[tilespmem:$0x1CED0] =	vst v1  }
0x7c: {  	[tilespmem:$0x1CEE0] =	vst v1  }
0x7d: {  	s17 =	rddreg [dreg:$0x11];
	[tilespmem:$0x1CEF0] =	vst v1  }
0x7e: {  	s20 =	sld [smem:$0x7FA];
	[tilespmem:$0x1CF00] =	vst v1  }
0x7f: {  	[spmem:s17] =	stream.linear.scatter [tilespmem:s15], [sflag:$0xE], $0x4000, $0x38;
	[tilespmem:$0x1D200] =	vst v63  }
0x80: {  	s17 =	sld [smem:$0x7FB]  }
0x81: {  	[spmem:s20] =	stream.linear.scatter [tilespmem:s15], [sflag:$0xE], $0x4000, $0x38;
	[tilespmem:$0x1D200] =	vst v63  }
0x82: {  	s20 =	sld [smem:$0x7FC]  }
0x83: {  	[spmem:s17] =	stream.linear.scatter [tilespmem:s15], [sflag:$0xE], $0x4000, $0x38;
	[tilespmem:$0x1D200] =	vst v63  }
0x84: {  	s17 =	sld [smem:$0x7FD]  }
0x85: {  	[spmem:s20] =	stream.linear.scatter [tilespmem:s15], [sflag:$0xE], $0x4000, $0x38;
	[tilespmem:$0x1D200] =	vst v63  }
0x86: {  	_ = 	snop  }
0x87: {  	[spmem:s17] =	stream.linear.scatter [tilespmem:s15], [sflag:$0xE], $0x4000, $0x38;
	[tilespmem:$0x1D200] =	vst v63  }
0x88: {  	s20 =	rddreg [dreg:$0x12];
	s17 =	simm.s32 $0x1CF80  }
0x89: {  	[spmem:s20] =	stream.linear.scatter [tilespmem:s17], [sflag:$0xE], $0x280, $0x38;
	[tilespmem:$0x1D200] =	vst v63  }
0x8a: {  	_ =	swait.ge [sflag:s16], $0x80  }
0x8b: {  	[sflag:s16] =	ssyncset.done $0x0  }
0x8c: {  	s17 =	simm.s32 $0x5;
	[sflag:s16] =	ssyncadd.s32 $0xFFFFFF80  }
0x8d: {  	_ =	swait.ge [sflag:s17], $0x80  }
0x8e: {  	[sflag:s17] =	ssyncset.done $0x0  }
0x8f: {  	[sflag:s17] =	ssyncadd.s32 $0xFFFFFF80  }
0x90: {  	[tilespmem:s12], [sflag:$0x1] =	stream.indirect.gather [hbm4b:s3+s18], $0x80, s9, s18, $0xb8;
	[tilespmem:$0x1D200] =	vst v63  }
0x91: {  	_ =	swait.ge [sflag:s24], $0x10  }
0x92: {  	[sflag:s24] =	ssyncset.done $0x0  }
0x93: {  	[sflag:s24] =	ssyncadd.s32 $0xFFFFFFF0  }
0x94: {  	_ =	swait.ge [sflag:s24], $0x10  }
0x95: {  	[sflag:s24] =	ssyncset.done $0x0  }
0x96: {  	[sflag:s24] =	ssyncadd.s32 $0xFFFFFFF0;
	s24 =	simm.s32 $0x1C680  }
0x97: {  	[tilespmem:s24], [sflag:$0xD] =	stream.indirect.gather [hbm4b:s3+s14], $0x80, s6, s14, $0xb8;
	[tilespmem:$0x1D200] =	vst v63  }
0x98: {  	s6 =	simm.s32 $0xE  }
0x99: {  	_ =	swait.ge [sflag:s6], $0x4000  }
0x9a: {  	[sflag:s6] =	ssyncset.done $0x0  }
0x9b: {  	[sflag:s6] =	ssyncadd.s32 $0xFFFFC000  }
0x9c: {  	_ =	swait.ge [sflag:s6], $0x4000  }
0x9d: {  	[sflag:s6] =	ssyncset.done $0x0  }
0x9e: {  	[sflag:s6] =	ssyncadd.s32 $0xFFFFC000  }
0x9f: {  	_ =	swait.ge [sflag:s6], $0x4000  }
0xa0: {  	[sflag:s6] =	ssyncset.done $0x0  }
0xa1: {  	[sflag:s6] =	ssyncadd.s32 $0xFFFFC000  }
0xa2: {  	_ =	swait.ge [sflag:s6], $0x4000  }
0xa3: {  	[sflag:s6] =	ssyncset.done $0x0  }
0xa4: {  	[sflag:s6] =	ssyncadd.s32 $0xFFFFC000  }
0xa5: {  	_ =	swait.ge [sflag:s6], $0x4000  }
0xa6: {  	[sflag:s6] =	ssyncset.done $0x0  }
0xa7: {  	[sflag:s6] =	ssyncadd.s32 $0xFFFFC000  }
0xa8: {  	_ =	swait.ge [sflag:s6], $0x280  }
0xa9: {  	[sflag:s6] =	ssyncset.done $0x0  }
0xaa: {  	[sflag:s6] =	ssyncadd.s32 $0xFFFFFD80  }
0xab: {  	[bflag:$0x0] =	sbarrier.arrive $0xFFFF  }
0xac: {  	_ =	swait.ge [sflag:s23], $0x80  }
0xad: {  	[sflag:s23] =	ssyncset.done $0x0  }
0xae: {  	[sflag:s23] =	ssyncadd.s32 $0xFFFFFF80  }
0xaf: {  	_ =	swait.ge [sflag:s31], $0x80  }
0xb0: {  	[sflag:s31] =	ssyncset.done $0x0  }
0xb1: {  	[sflag:s31] =	ssyncadd.s32 $0xFFFFFF80  }
0xb2: {  	[tilespmem:s15], [sflag:$0x2] =	stream.indirect.gather [hbm4b:s3+s18], $0x80, s11, s18, $0xb8;
	[tilespmem:$0x1D200] =	vst v63  }
0xb3: {  	_ =	swait.ge [sflag:s25], $0x4000  }
0xb4: {  	[sflag:s25] =	ssyncset.done $0x0  }
0xb5: {  	s14 =	simm.s32 $0x0;
	s20 =	rddreg [dreg:$0x13];
	[sflag:s25] =	ssyncadd.s32 $0xFFFFC000  }
0xb6: {  	[tilespmem:s9], [sflag:$0x3] =	stream.linear.gather [hbm4b:s20+s14], $0x80, $0x38;
	[tilespmem:$0x1D200] =	vst v63  }
0xb7: {  	_ = 	snop  }
0xb8: {  	[spmem:s4] =	stream.indirect.scatter.add.f32 [tilespmem:s12], [sflag:$0x9], $0x80, s10, s18, $0xb8;
	[tilespmem:$0x1D200] =	vst v63  }
0xb9: {  	_ = 	snop  }
0xba: {  	[spmem:s0] =	stream.indirect.scatter.add.f32 [tilespmem:s19], [sflag:$0x9], $0x1, s10, s18, $0xb8;
	[tilespmem:$0x1D200] =	vst v63  }
0xbb: {  	s24 =	rddreg [dreg:$0x14]  }
0xbc: {  	[tilespmem:s22], [sflag:$0x7] =	stream.linear.gather [hbm4b:s24+s14], $0x80, $0x38;
	[tilespmem:$0x1D200] =	vst v63  }
0xbd: {  	_ =	swait.ge [sflag:s30], $0x4000  }
0xbe: {  	[sflag:s30] =	ssyncset.done $0x0  }
0xbf: {  	[sflag:s30] =	ssyncadd.s32 $0xFFFFC000  }
0xc0: {  	_ =	swait.ge [sflag:s30], $0x80  }
0xc1: {  	[sflag:s30] =	ssyncset.done $0x0  }
0xc2: {  	[sflag:s30] =	ssyncadd.s32 $0xFFFFFF80  }
0xc3: {  	_ =	swait.ge [sflag:s16], $0x80  }
0xc4: {  	[sflag:s16] =	ssyncset.done $0x0  }
0xc5: {  	s14 =	simm.s32 $0x7;
	[sflag:s16] =	ssyncadd.s32 $0xFFFFFF80  }
0xc6: {  	_ =	swait.ge [sflag:s14], $0x80  }
0xc7: {  	[sflag:s14] =	ssyncset.done $0x0  }
0xc8: {  	[sflag:s14] =	ssyncadd.s32 $0xFFFFFF80  }
0xc9: {  	[tilespmem:s26], [sflag:$0x1] =	stream.indirect.gather [hbm4b:s3+s18], $0x80, s9, s18, $0xb8;
	[tilespmem:$0x1D200] =	vst v63  }
0xca: {  	_ =	swait.ge [sflag:s1], $0x4000  }
0xcb: {  	s9 =	rddreg [dreg:$0xa];
	[sflag:s1] =	ssyncset.done $0x0  }
0xcc: {  	[sflag:s1] =	ssyncadd.s32 $0xFFFFC000;
	s2 =	sadd.s32 $0x0, s9  }
0xcd: {  	[tilespmem:s11], [sflag:$0x4] =	stream.linear.gather [hbm4b:s2+s5], $0x80, $0x38;
	[tilespmem:$0x1D200] =	vst v63  }
0xce: {  	_ = 	snop  }
0xcf: {  	[spmem:s4] =	stream.indirect.scatter.add.f32 [tilespmem:s15], [sflag:$0xA], $0x80, s21, s18, $0xb8;
	[tilespmem:$0x1D200] =	vst v63  }
0xd0: {  	s20 =	rddreg [dreg:$0x9]  }
0xd1: {  	[spmem:s0] =	stream.indirect.scatter.add.f32 [tilespmem:s19], [sflag:$0xA], $0x1, s21, s18, $0xb8;
	[tilespmem:$0x1D200] =	vst v63  }
0xd2: {  	s12 =	smov.u32 s0;
	s2 =	sadd.s32 $0x0, s20;
	s0 =	simm.s32 $0x14500  }
0xd3: {  	[tilespmem:s0], [sflag:$0x8] =	stream.linear.gather [hbm4b:s2+s5], $0x80, $0x38;
	[tilespmem:$0x1D200] =	vst v63  }
0xd4: {  	_ =	swait.ge [sflag:s8], $0x4000  }
0xd5: {  	[sflag:s8] =	ssyncset.done $0x0  }
0xd6: {  	[sflag:s8] =	ssyncadd.s32 $0xFFFFC000  }
0xd7: {  	_ =	swait.ge [sflag:s8], $0x80  }
0xd8: {  	[sflag:s8] =	ssyncset.done $0x0  }
0xd9: {  	[sflag:s8] =	ssyncadd.s32 $0xFFFFFF80  }
0xda: {  	_ =	swait.ge [sflag:s23], $0x80  }
0xdb: {  	[sflag:s23] =	ssyncset.done $0x0  }
0xdc: {  	s9 =	simm.s32 $0x8;
	[sflag:s23] =	ssyncadd.s32 $0xFFFFFF80  }
0xdd: {  	_ =	swait.ge [sflag:s9], $0x80  }
0xde: {  	[sflag:s9] =	ssyncset.done $0x0  }
0xdf: {  	s15 =	simm.s32 $0x14300;
	s19 =	simm.s32 $0x18580;
	[sflag:s9] =	ssyncadd.s32 $0xFFFFFF80  }
0xe0: {  	[tilespmem:s19], [sflag:$0x2] =	stream.indirect.gather [hbm4b:s3+s18], $0x80, s15, s18, $0xb8;
	[tilespmem:$0x1D200] =	vst v63  }
0xe1: {  	_ =	swait.ge [sflag:s25], $0x4000  }
0xe2: {  	s6 =	rddreg [dreg:$0x1f]  }
0xe3: {  	[sflag:s25] =	ssyncset.done $0x0;
	s2 =	sshrl.u32 s6, $0x3  }
0xe4: {  	s11 =	simm.s32 $0x14280;
	[sflag:s25] =	ssyncadd.s32 $0xFFFFC000;
	s20 =	sadd.s32 s7, s2  }
0xe5: {  	[tilespmem:s11], [sflag:$0x3] =	stream.linear.gather [hbm4b:s20+s5], $0x80, $0x38;
	[tilespmem:$0x1D200] =	vst v63  }
0xe6: {  	_ = 	snop  }
0xe7: {  	[spmem:s4] =	stream.indirect.scatter.add.f32 [tilespmem:s26], [sflag:$0xB], $0x80, s22, s18, $0xb8;
	[tilespmem:$0x1D200] =	vst v63  }
0xe8: {  	s24 =	rddreg [dreg:$0xb]  }
0xe9: {  	[spmem:s12] =	stream.indirect.scatter.add.f32 [tilespmem:s29], [sflag:$0xB], $0x1, s22, s18, $0xb8;
	[tilespmem:$0x1D200] =	vst v63  }
0xea: {  	s2 =	sadd.s32 s24, s2  }
0xeb: {  	[tilespmem:s10], [sflag:$0x5] =	stream.linear.gather [hbm4b:s2+s5], $0x80, $0x38;
	[tilespmem:$0x1D200] =	vst v63  }
0xec: {  	_ =	swait.ge [sflag:s28], $0x4000  }
0xed: {  	[sflag:s28] =	ssyncset.done $0x0  }
0xee: {  	[sflag:s28] =	ssyncadd.s32 $0xFFFFC000  }
0xef: {  	_ =	swait.ge [sflag:s28], $0x80  }
0xf0: {  	[sflag:s28] =	ssyncset.done $0x0  }
0xf1: {  	[sflag:s28] =	ssyncadd.s32 $0xFFFFFF80  }
0xf2: {  	_ =	swait.ge [sflag:s16], $0x80  }
0xf3: {  	[sflag:s16] =	ssyncset.done $0x0  }
0xf4: {  	[sflag:s16] =	ssyncadd.s32 $0xFFFFFF80  }
0xf5: {  	_ =	swait.ge [sflag:s17], $0x80  }
0xf6: {  	[sflag:s17] =	ssyncset.done $0x0  }
0xf7: {  	[sflag:s17] =	ssyncadd.s32 $0xFFFFFF80  }
0xf8: {  	[tilespmem:s26], [sflag:$0x1] =	stream.indirect.gather [hbm4b:s3+s18], $0x80, s11, s18, $0xb8;
	[tilespmem:$0x1D200] =	vst v63  }
0xf9: {  	_ =	swait.ge [sflag:s1], $0x4000  }
0xfa: {  	s17 =	rddreg [dreg:$0x8];
	[sflag:s1] =	ssyncset.done $0x0  }
0xfb: {  	[sflag:s1] =	ssyncadd.s32 $0xFFFFC000;
	s2 =	sadd.s32 $0x0, s17  }
0xfc: {  	[tilespmem:s15], [sflag:$0x4] =	stream.linear.gather [hbm4b:s2+s5], $0x80, $0x38;
	[tilespmem:$0x1D200] =	vst v63  }
0xfd: {  	_ = 	snop  }
0xfe: {  	[spmem:s4] =	stream.indirect.scatter.add.f32 [tilespmem:s19], [sflag:$0xC], $0x80, s0, s18, $0xb8;
	[tilespmem:$0x1D200] =	vst v63  }
0xff: {  	s20 =	rddreg [dreg:$0x7]  }
0x100: {  	[spmem:s12] =	stream.indirect.scatter.add.f32 [tilespmem:s29], [sflag:$0xC], $0x1, s0, s18, $0xb8;
	[tilespmem:$0x1D200] =	vst v63  }
0x101: {  	s2 =	sadd.s32 $0x0, s20  }
0x102: {  	[tilespmem:s21], [sflag:$0x6] =	stream.linear.gather [hbm4b:s2+s5], $0x80, $0x38;
	[tilespmem:$0x1D200] =	vst v63  }
0x103: {  	_ =	swait.ge [sflag:s13], $0x4000  }
0x104: {  	[sflag:s13] =	ssyncset.done $0x0  }
0x105: {  	[sflag:s13] =	ssyncadd.s32 $0xFFFFC000  }
0x106: {  	_ =	swait.ge [sflag:s13], $0x80  }
0x107: {  	[sflag:s13] =	ssyncset.done $0x0  }
0x108: {  	[sflag:s13] =	ssyncadd.s32 $0xFFFFFF80  }
0x109: {  	_ =	swait.ge [sflag:s23], $0x80  }
0x10a: {  	[sflag:s23] =	ssyncset.done $0x0  }
0x10b: {  	[sflag:s23] =	ssyncadd.s32 $0xFFFFFF80  }
0x10c: {  	_ =	swait.ge [sflag:s31], $0x80  }
0x10d: {  	[sflag:s31] =	ssyncset.done $0x0  }
0x10e: {  	[sflag:s31] =	ssyncadd.s32 $0xFFFFFF80  }
0x10f: {  	[tilespmem:s19], [sflag:$0x2] =	stream.indirect.gather [hbm4b:s3+s18], $0x80, s15, s18, $0xb8;
	[tilespmem:$0x1D200] =	vst v63  }
0x110: {  	_ =	swait.ge [sflag:s25], $0x4000  }
0x111: {  	s21 =	rddreg [dreg:$0x6];
	[sflag:s25] =	ssyncset.done $0x0  }
0x112: {  	[sflag:s25] =	ssyncadd.s32 $0xFFFFC000;
	s2 =	sadd.s32 $0x0, s21  }
0x113: {  	[tilespmem:s11], [sflag:$0x3] =	stream.linear.gather [hbm4b:s2+s5], $0x80, $0x38;
	[tilespmem:$0x1D200] =	vst v63  }
0x114: {  	s17 =	simm.s32 $0x14380;
	s20 =	sadd.s32 $0x200, s6;
	s24 =	rddreg [dreg:$0x5]  }
0x115: {  	[spmem:s4] =	stream.indirect.scatter.add.f32 [tilespmem:s26], [sflag:$0x9], $0x80, s10, s18, $0xb8;
	[tilespmem:$0x1D200] =	vst v63  }
0x116: {  	s21 =	simm.s32 $0x40;
	s2 =	sadd.s32 $0x0, s24;
	s24 =	simm.s32 $0x14400  }
0x117: {  	[spmem:s12] =	stream.indirect.scatter.add.f32 [tilespmem:s29], [sflag:$0x9], $0x1, s10, s18, $0xb8;
	[tilespmem:$0x1D200] =	vst v63  }
.LBB2_4:
0x118: {  	[tilespmem:s22], [sflag:$0x7] =	stream.linear.gather [hbm4b:s2+s5], $0x80, $0x38;
	[tilespmem:$0x1D200] =	vst v63  }
0x119: {  	_ =	swait.ge [sflag:s30], $0x4000  }
0x11a: {  	[sflag:s30] =	ssyncset.done $0x0  }
0x11b: {  	[sflag:s30] =	ssyncadd.s32 $0xFFFFC000  }
0x11c: {  	_ =	swait.ge [sflag:s30], $0x80  }
0x11d: {  	[sflag:s30] =	ssyncset.done $0x0  }
0x11e: {  	[sflag:s30] =	ssyncadd.s32 $0xFFFFFF80  }
0x11f: {  	_ =	swait.ge [sflag:s16], $0x80  }
0x120: {  	[sflag:s16] =	ssyncset.done $0x0  }
0x121: {  	[sflag:s16] =	ssyncadd.s32 $0xFFFFFF80  }
0x122: {  	_ =	swait.ge [sflag:s14], $0x80  }
0x123: {  	[sflag:s14] =	ssyncset.done $0x0  }
0x124: {  	[sflag:s14] =	ssyncadd.s32 $0xFFFFFF80  }
0x125: {  	[tilespmem:s26], [sflag:$0x1] =	stream.indirect.gather [hbm4b:s3+s18], $0x80, s11, s18, $0xb8;
	[tilespmem:$0x1D200] =	vst v63  }
0x126: {  	_ =	swait.ge [sflag:s1], $0x4000  }
0x127: {  	s2 =	smov.u32 s21;
	s6 =	rddreg [dreg:$0xa];
	[sflag:s1] =	ssyncset.done $0x0  }
0x128: {  	[sflag:s1] =	ssyncadd.s32 $0xFFFFC000;
	s6 =	sadd.s32 s2, s6  }
0x129: {  	[tilespmem:s15], [sflag:$0x4] =	stream.linear.gather [hbm4b:s6+s5], $0x80, $0x38;
	[tilespmem:$0x1D200] =	vst v63  }
0x12a: {  	_ = 	snop  }
0x12b: {  	[spmem:s4] =	stream.indirect.scatter.add.f32 [tilespmem:s19], [sflag:$0xA], $0x80, s24, s18, $0xb8;
	[tilespmem:$0x1D200] =	vst v63  }
0x12c: {  	s10 =	rddreg [dreg:$0x9]  }
0x12d: {  	[spmem:s12] =	stream.indirect.scatter.add.f32 [tilespmem:s29], [sflag:$0xA], $0x1, s24, s18, $0xb8;
	[tilespmem:$0x1D200] =	vst v63  }
0x12e: {  	s6 =	sadd.s32 s2, s10  }
0x12f: {  	[tilespmem:s0], [sflag:$0x8] =	stream.linear.gather [hbm4b:s6+s5], $0x80, $0x38;
	[tilespmem:$0x1D200] =	vst v63  }
0x130: {  	_ =	swait.ge [sflag:s8], $0x4000  }
0x131: {  	[sflag:s8] =	ssyncset.done $0x0  }
0x132: {  	[sflag:s8] =	ssyncadd.s32 $0xFFFFC000  }
0x133: {  	_ =	swait.ge [sflag:s8], $0x80  }
0x134: {  	[sflag:s8] =	ssyncset.done $0x0  }
0x135: {  	[sflag:s8] =	ssyncadd.s32 $0xFFFFFF80  }
0x136: {  	_ =	swait.ge [sflag:s23], $0x80  }
0x137: {  	[sflag:s23] =	ssyncset.done $0x0  }
0x138: {  	[sflag:s23] =	ssyncadd.s32 $0xFFFFFF80  }
0x139: {  	_ =	swait.ge [sflag:s9], $0x80  }
0x13a: {  	[sflag:s9] =	ssyncset.done $0x0  }
0x13b: {  	[sflag:s9] =	ssyncadd.s32 $0xFFFFFF80  }
0x13c: {  	[tilespmem:s19], [sflag:$0x2] =	stream.indirect.gather [hbm4b:s3+s18], $0x80, s15, s18, $0xb8;
	[tilespmem:$0x1D200] =	vst v63  }
0x13d: {  	_ =	swait.ge [sflag:s25], $0x4000  }
0x13e: {  	s6 =	sshrl.u32 s20, $0x3;
	[sflag:s25] =	ssyncset.done $0x0  }
0x13f: {  	s10 =	smov.u32 s7;
	s7 =	sadd.s32 s7, s6;
	[sflag:s25] =	ssyncadd.s32 $0xFFFFC000  }
0x140: {  	[tilespmem:s11], [sflag:$0x3] =	stream.linear.gather [hbm4b:s7+s5], $0x80, $0x38;
	[tilespmem:$0x1D200] =	vst v63  }
0x141: {  	_ = 	snop  }
0x142: {  	[spmem:s4] =	stream.indirect.scatter.add.f32 [tilespmem:s26], [sflag:$0xB], $0x80, s22, s18, $0xb8;
	[tilespmem:$0x1D200] =	vst v63  }
0x143: {  	s7 =	rddreg [dreg:$0xb]  }
0x144: {  	[spmem:s12] =	stream.indirect.scatter.add.f32 [tilespmem:s29], [sflag:$0xB], $0x1, s22, s18, $0xb8;
	[tilespmem:$0x1D200] =	vst v63  }
0x145: {  	s6 =	sadd.s32 s7, s6  }
0x146: {  	[tilespmem:s17], [sflag:$0x5] =	stream.linear.gather [hbm4b:s6+s5], $0x80, $0x38;
	[tilespmem:$0x1D200] =	vst v63  }
0x147: {  	_ =	swait.ge [sflag:s28], $0x4000  }
0x148: {  	[sflag:s28] =	ssyncset.done $0x0  }
0x149: {  	[sflag:s28] =	ssyncadd.s32 $0xFFFFC000  }
0x14a: {  	_ =	swait.ge [sflag:s28], $0x80  }
0x14b: {  	[sflag:s28] =	ssyncset.done $0x0  }
0x14c: {  	[sflag:s28] =	ssyncadd.s32 $0xFFFFFF80  }
0x14d: {  	_ =	swait.ge [sflag:s16], $0x80  }
0x14e: {  	[sflag:s16] =	ssyncset.done $0x0  }
0x14f: {  	s7 =	simm.s32 $0x5;
	[sflag:s16] =	ssyncadd.s32 $0xFFFFFF80  }
0x150: {  	_ =	swait.ge [sflag:s7], $0x80  }
0x151: {  	[sflag:s7] =	ssyncset.done $0x0  }
0x152: {  	[sflag:s7] =	ssyncadd.s32 $0xFFFFFF80  }
0x153: {  	[tilespmem:s26], [sflag:$0x1] =	stream.indirect.gather [hbm4b:s3+s18], $0x80, s11, s18, $0xb8;
	[tilespmem:$0x1D200] =	vst v63  }
0x154: {  	_ =	swait.ge [sflag:s1], $0x4000  }
0x155: {  	s7 =	rddreg [dreg:$0x8];
	[sflag:s1] =	ssyncset.done $0x0  }
0x156: {  	[sflag:s1] =	ssyncadd.s32 $0xFFFFC000;
	s6 =	sadd.s32 s2, s7  }
0x157: {  	[tilespmem:s15], [sflag:$0x4] =	stream.linear.gather [hbm4b:s6+s5], $0x80, $0x38;
	[tilespmem:$0x1D200] =	vst v63  }
0x158: {  	_ = 	snop  }
0x159: {  	[spmem:s4] =	stream.indirect.scatter.add.f32 [tilespmem:s19], [sflag:$0xC], $0x80, s0, s18, $0xb8;
	[tilespmem:$0x1D200] =	vst v63  }
0x15a: {  	s7 =	rddreg [dreg:$0x7]  }
0x15b: {  	[spmem:s12] =	stream.indirect.scatter.add.f32 [tilespmem:s29], [sflag:$0xC], $0x1, s0, s18, $0xb8;
	[tilespmem:$0x1D200] =	vst v63  }
0x15c: {  	s6 =	sadd.s32 s2, s7  }
0x15d: {  	[tilespmem:s24], [sflag:$0x6] =	stream.linear.gather [hbm4b:s6+s5], $0x80, $0x38;
	[tilespmem:$0x1D200] =	vst v63  }
0x15e: {  	_ =	swait.ge [sflag:s13], $0x4000  }
0x15f: {  	[sflag:s13] =	ssyncset.done $0x0  }
0x160: {  	[sflag:s13] =	ssyncadd.s32 $0xFFFFC000  }
0x161: {  	_ =	swait.ge [sflag:s13], $0x80  }
0x162: {  	[sflag:s13] =	ssyncset.done $0x0  }
0x163: {  	[sflag:s13] =	ssyncadd.s32 $0xFFFFFF80  }
0x164: {  	_ =	swait.ge [sflag:s23], $0x80  }
0x165: {  	[sflag:s23] =	ssyncset.done $0x0  }
0x166: {  	[sflag:s23] =	ssyncadd.s32 $0xFFFFFF80  }
0x167: {  	_ =	swait.ge [sflag:s31], $0x80  }
0x168: {  	[sflag:s31] =	ssyncset.done $0x0  }
0x169: {  	[sflag:s31] =	ssyncadd.s32 $0xFFFFFF80  }
0x16a: {  	[tilespmem:s19], [sflag:$0x2] =	stream.indirect.gather [hbm4b:s3+s18], $0x80, s15, s18, $0xb8;
	[tilespmem:$0x1D200] =	vst v63  }
0x16b: {  	_ =	swait.ge [sflag:s25], $0x4000  }
0x16c: {  	s6 =	rddreg [dreg:$0x6];
	[sflag:s25] =	ssyncset.done $0x0  }
0x16d: {  	p0 =	sne.s32 s21, $0x440;
	[sflag:s25] =	ssyncadd.s32 $0xFFFFC000;
	s6 =	sadd.s32 s2, s6  }
0x16e: {  	[tilespmem:s11], [sflag:$0x3] =	stream.linear.gather [hbm4b:s6+s5], $0x80, $0x38;
	[tilespmem:$0x1D200] =	vst v63  }
.Ltmp1:
0x16f: {  	_ = 	snop;
	(pc) =	sbr.rel @p0 .LBB2_4-.Ltmp1, $4  }
0x170: {  	s21 =	sadd.s32 $0x40, s21;
	s7 =	rddreg [dreg:$0x5]  }
0x171: {  	[spmem:s4] =	stream.indirect.scatter.add.f32 [tilespmem:s26], [sflag:$0x9], $0x80, s17, s18, $0xb8;
	[tilespmem:$0x1D200] =	vst v63  }
0x172: {  	s20 =	sadd.s32 $0x200, s20;
	s2 =	sadd.s32 s2, s7;
	s7 =	smov.u32 s10  }
0x173: {  	[spmem:s12] =	stream.indirect.scatter.add.f32 [tilespmem:s29], [sflag:$0x9], $0x1, s17, s18, $0xb8;
	[tilespmem:$0x1D200] =	vst v63  }
0x174: {  	[tilespmem:s22], [sflag:$0x7] =	stream.linear.gather [hbm4b:s2+s5], $0x80, $0x38;
	[tilespmem:$0x1D200] =	vst v63  }
0x175: {  	_ =	swait.ge [sflag:s30], $0x4000  }
0x176: {  	[sflag:s30] =	ssyncset.done $0x0  }
0x177: {  	[sflag:s30] =	ssyncadd.s32 $0xFFFFC000  }
0x178: {  	_ =	swait.ge [sflag:s30], $0x80  }
0x179: {  	[sflag:s30] =	ssyncset.done $0x0  }
0x17a: {  	[sflag:s30] =	ssyncadd.s32 $0xFFFFFF80  }
0x17b: {  	_ =	swait.ge [sflag:s16], $0x80  }
0x17c: {  	[sflag:s16] =	ssyncset.done $0x0  }
0x17d: {  	[sflag:s16] =	ssyncadd.s32 $0xFFFFFF80  }
0x17e: {  	_ =	swait.ge [sflag:s14], $0x80  }
0x17f: {  	[sflag:s14] =	ssyncset.done $0x0  }
0x180: {  	[sflag:s14] =	ssyncadd.s32 $0xFFFFFF80  }
0x181: {  	[tilespmem:s26], [sflag:$0x1] =	stream.indirect.gather [hbm4b:s3+s18], $0x80, s11, s18, $0xb8;
	[tilespmem:$0x1D200] =	vst v63  }
0x182: {  	_ =	swait.ge [sflag:s1], $0x4000  }
0x183: {  	[sflag:s1] =	ssyncset.done $0x0  }
0x184: {  	s21 =	rddreg [dreg:$0x15];
	[sflag:s1] =	ssyncadd.s32 $0xFFFFC000  }
0x185: {  	[tilespmem:s15], [sflag:$0x4] =	stream.linear.gather [hbm4b:s21+s5], $0x80, $0x38;
	[tilespmem:$0x1D200] =	vst v63  }
0x186: {  	_ = 	snop  }
0x187: {  	[spmem:s4] =	stream.indirect.scatter.add.f32 [tilespmem:s19], [sflag:$0xA], $0x80, s24, s18, $0xb8;
	[tilespmem:$0x1D200] =	vst v63  }
0x188: {  	_ = 	snop  }
0x189: {  	[spmem:s12] =	stream.indirect.scatter.add.f32 [tilespmem:s29], [sflag:$0xA], $0x1, s24, s18, $0xb8;
	[tilespmem:$0x1D200] =	vst v63  }
0x18a: {  	s6 =	rddreg [dreg:$0x16]  }
0x18b: {  	[tilespmem:s0], [sflag:$0x8] =	stream.linear.gather [hbm4b:s6+s5], $0x80, $0x38;
	[tilespmem:$0x1D200] =	vst v63  }
0x18c: {  	_ =	swait.ge [sflag:s8], $0x4000  }
0x18d: {  	[sflag:s8] =	ssyncset.done $0x0  }
0x18e: {  	[sflag:s8] =	ssyncadd.s32 $0xFFFFC000  }
0x18f: {  	_ =	swait.ge [sflag:s8], $0x80  }
0x190: {  	[sflag:s8] =	ssyncset.done $0x0  }
0x191: {  	[sflag:s8] =	ssyncadd.s32 $0xFFFFFF80  }
0x192: {  	_ =	swait.ge [sflag:s23], $0x80  }
0x193: {  	[sflag:s23] =	ssyncset.done $0x0  }
0x194: {  	[sflag:s23] =	ssyncadd.s32 $0xFFFFFF80  }
0x195: {  	_ =	swait.ge [sflag:s9], $0x80  }
0x196: {  	[sflag:s9] =	ssyncset.done $0x0  }
0x197: {  	[sflag:s9] =	ssyncadd.s32 $0xFFFFFF80  }
0x198: {  	[tilespmem:s19], [sflag:$0x2] =	stream.indirect.gather [hbm4b:s3+s18], $0x80, s15, s18, $0xb8;
	[tilespmem:$0x1D200] =	vst v63  }
0x199: {  	_ =	swait.ge [sflag:s25], $0x4000  }
0x19a: {  	[sflag:s25] =	ssyncset.done $0x0  }
0x19b: {  	s9 =	rddreg [dreg:$0x17];
	[sflag:s25] =	ssyncadd.s32 $0xFFFFC000  }
0x19c: {  	[tilespmem:s11], [sflag:$0x3] =	stream.linear.gather [hbm4b:s9+s5], $0x80, $0x38;
	[tilespmem:$0x1D200] =	vst v63  }
0x19d: {  	_ = 	snop  }
0x19e: {  	[spmem:s4] =	stream.indirect.scatter.add.f32 [tilespmem:s26], [sflag:$0xB], $0x80, s22, s18, $0xb8;
	[tilespmem:$0x1D200] =	vst v63  }
0x19f: {  	_ = 	snop  }
0x1a0: {  	[spmem:s12] =	stream.indirect.scatter.add.f32 [tilespmem:s29], [sflag:$0xB], $0x1, s22, s18, $0xb8;
	[tilespmem:$0x1D200] =	vst v63  }
0x1a1: {  	s10 =	rddreg [dreg:$0x18]  }
0x1a2: {  	[tilespmem:s17], [sflag:$0x5] =	stream.linear.gather [hbm4b:s10+s5], $0x80, $0x38;
	[tilespmem:$0x1D200] =	vst v63  }
0x1a3: {  	_ =	swait.ge [sflag:s28], $0x4000  }
0x1a4: {  	[sflag:s28] =	ssyncset.done $0x0  }
0x1a5: {  	[sflag:s28] =	ssyncadd.s32 $0xFFFFC000  }
0x1a6: {  	_ =	swait.ge [sflag:s28], $0x80  }
0x1a7: {  	[sflag:s28] =	ssyncset.done $0x0  }
0x1a8: {  	[sflag:s28] =	ssyncadd.s32 $0xFFFFFF80  }
0x1a9: {  	_ =	swait.ge [sflag:s16], $0x80  }
0x1aa: {  	[sflag:s16] =	ssyncset.done $0x0  }
0x1ab: {  	s14 =	simm.s32 $0x5;
	[sflag:s16] =	ssyncadd.s32 $0xFFFFFF80  }
0x1ac: {  	_ =	swait.ge [sflag:s14], $0x80  }
0x1ad: {  	[sflag:s14] =	ssyncset.done $0x0  }
0x1ae: {  	[sflag:s14] =	ssyncadd.s32 $0xFFFFFF80  }
0x1af: {  	[tilespmem:s26], [sflag:$0x1] =	stream.indirect.gather [hbm4b:s3+s18], $0x80, s11, s18, $0xb8;
	[tilespmem:$0x1D200] =	vst v63  }
0x1b0: {  	_ =	swait.ge [sflag:s1], $0x4000  }
0x1b1: {  	[sflag:s1] =	ssyncset.done $0x0  }
0x1b2: {  	s20 =	rddreg [dreg:$0x1a];
	[sflag:s1] =	ssyncadd.s32 $0xFFFFC000  }
0x1b3: {  	[tilespmem:s15], [sflag:$0x4] =	stream.linear.gather [hbm4b:s20+s5], $0x80, $0x38;
	[tilespmem:$0x1D200] =	vst v63  }
0x1b4: {  	_ = 	snop  }
0x1b5: {  	[spmem:s4] =	stream.indirect.scatter.add.f32 [tilespmem:s19], [sflag:$0xC], $0x80, s0, s18, $0xb8;
	[tilespmem:$0x1D200] =	vst v63  }
0x1b6: {  	_ = 	snop  }
0x1b7: {  	[spmem:s12] =	stream.indirect.scatter.add.f32 [tilespmem:s29], [sflag:$0xC], $0x1, s0, s18, $0xb8;
	[tilespmem:$0x1D200] =	vst v63  }
0x1b8: {  	s21 =	rddreg [dreg:$0x1b]  }
0x1b9: {  	[tilespmem:s24], [sflag:$0x6] =	stream.linear.gather [hbm4b:s21+s5], $0x80, $0x38;
	[tilespmem:$0x1D200] =	vst v63  }
0x1ba: {  	_ =	swait.ge [sflag:s13], $0x4000  }
0x1bb: {  	[sflag:s13] =	ssyncset.done $0x0  }
0x1bc: {  	[sflag:s13] =	ssyncadd.s32 $0xFFFFC000  }
0x1bd: {  	_ =	swait.ge [sflag:s13], $0x80  }
0x1be: {  	[sflag:s13] =	ssyncset.done $0x0  }
0x1bf: {  	[sflag:s13] =	ssyncadd.s32 $0xFFFFFF80  }
0x1c0: {  	_ =	swait.ge [sflag:s23], $0x80  }
0x1c1: {  	[sflag:s23] =	ssyncset.done $0x0  }
0x1c2: {  	[sflag:s23] =	ssyncadd.s32 $0xFFFFFF80  }
0x1c3: {  	_ =	swait.ge [sflag:s31], $0x80  }
0x1c4: {  	[sflag:s31] =	ssyncset.done $0x0  }
0x1c5: {  	[sflag:s31] =	ssyncadd.s32 $0xFFFFFF80  }
0x1c6: {  	[tilespmem:s19], [sflag:$0x2] =	stream.indirect.gather [hbm4b:s3+s18], $0x80, s15, s18, $0xb8;
	[tilespmem:$0x1D200] =	vst v63  }
0x1c7: {  	_ =	swait.ge [sflag:s25], $0x4000  }
0x1c8: {  	[sflag:s25] =	ssyncset.done $0x0  }
0x1c9: {  	[sflag:s25] =	ssyncadd.s32 $0xFFFFC000  }
0x1ca: {  	[spmem:s4] =	stream.indirect.scatter.add.f32 [tilespmem:s26], [sflag:$0x9], $0x80, s17, s18, $0xb8;
	[tilespmem:$0x1D200] =	vst v63  }
0x1cb: {  	_ = 	snop  }
0x1cc: {  	[spmem:s12] =	stream.indirect.scatter.add.f32 [tilespmem:s29], [sflag:$0x9], $0x1, s17, s18, $0xb8;
	[tilespmem:$0x1D200] =	vst v63  }
0x1cd: {  	_ =	swait.ge [sflag:s30], $0x4000  }
0x1ce: {  	[sflag:s30] =	ssyncset.done $0x0  }
0x1cf: {  	[sflag:s30] =	ssyncadd.s32 $0xFFFFC000  }
0x1d0: {  	_ =	swait.ge [sflag:s30], $0x80  }
0x1d1: {  	[sflag:s30] =	ssyncset.done $0x0  }
0x1d2: {  	[sflag:s30] =	ssyncadd.s32 $0xFFFFFF80  }
0x1d3: {  	_ =	swait.ge [sflag:s1], $0x4000  }
0x1d4: {  	[sflag:s1] =	ssyncset.done $0x0  }
0x1d5: {  	[sflag:s1] =	ssyncadd.s32 $0xFFFFC000  }
0x1d6: {  	[spmem:s4] =	stream.indirect.scatter.add.f32 [tilespmem:s19], [sflag:$0xA], $0x80, s24, s18, $0xb8;
	[tilespmem:$0x1D200] =	vst v63  }
0x1d7: {  	_ = 	snop  }
0x1d8: {  	[spmem:s12] =	stream.indirect.scatter.add.f32 [tilespmem:s29], [sflag:$0xA], $0x1, s24, s18, $0xb8;
	[tilespmem:$0x1D200] =	vst v63  }
0x1d9: {  	_ =	swait.ge [sflag:s8], $0x4000  }
0x1da: {  	[sflag:s8] =	ssyncset.done $0x0  }
0x1db: {  	[sflag:s8] =	ssyncadd.s32 $0xFFFFC000  }
0x1dc: {  	_ =	swait.ge [sflag:s8], $0x80  }
0x1dd: {  	[sflag:s8] =	ssyncset.done $0x0  }
0x1de: {  	s24 =	simm.s32 $0xD;
	[sflag:s8] =	ssyncadd.s32 $0xFFFFFF80  }
0x1df: {  	_ =	swait.ge [sflag:s24], $0x800  }
0x1e0: {  	s6 =	simm.s32 $0x1C680;
	s9 =	simm.s32 $0xF;
	[sflag:s24] =	ssyncset.done $0x0  }
0x1e1: {  	s20 =	simm.s32 $0x1C600;
	s0 =	simm.s32 $0x10;
	[sflag:s24] =	ssyncadd.s32 $0xFFFFF800  }
0x1e2: {  	[spmem:s4] =	stream.indirect.scatter.add.f32 [tilespmem:s6], [sflag:$0xF], $0x80, s20, s0, $0xb8;
	[tilespmem:$0x1D200] =	vst v63  }
0x1e3: {  	_ =	swait.ge [sflag:s9], $0x800  }
0x1e4: {  	[sflag:s9] =	ssyncset.done $0x0  }
0x1e5: {  	s10 =	simm.s32 $0x1CF00;
	[sflag:s9] =	ssyncadd.s32 $0xFFFFF800  }
0x1e6: {  	[spmem:s12] =	stream.indirect.scatter.add.f32 [tilespmem:s10], [sflag:$0xF], $0x1, s20, s0, $0xb8;
	[tilespmem:$0x1D200] =	vst v63  }
0x1e7: {  	_ =	swait.ge [sflag:s9], $0x10  }
0x1e8: {  	[sflag:s9] =	ssyncset.done $0x0  }
0x1e9: {  	[sflag:s9] =	ssyncadd.s32 $0xFFFFFFF0  }
0x1ea: {  	s11 =	stileid.u32;
	[bflag:$0x0] =	sbarrier.arrive $0xFFFF  }
0x1eb: {  	s2 =	sshll.u32 s11, $0x6;
	s6 =	rddreg [dreg:$0x11]  }
0x1ec: {  	s2 =	sor.u32 $0x1C0F, s2;
	s10 =	rddreg [dreg:$0x1c];
	s6 =	sshrl.u32 s6, $0x3  }
0x1ed: {  	[hbm:s10], [sflag:s2] =	dma.local [spmem:s6], $0x2800  }
0x1ee: {  	_ =	swait.ge [sflag:s9], $0x2800  }
0x1ef: {  	[sflag:s9] =	ssyncset.done $0x0;
	s14 =	rddreg [dreg:$0x12]  }
0x1f0: {  	s15 =	rddreg [dreg:$0x1d];
	[sflag:s9] =	ssyncadd.s32 $0xFFFFD800;
	s6 =	sshrl.u32 s14, $0x3  }
0x1f1: {  	[hbm:s15@s18], [sflag:s2] =	dma.strided [spmem:s6@s0], $0x50, s25, $0x10   }
0x1f2: {  	_ =	swait.ge [sflag:s9], $0x50  }
0x1f3: {  	s19 =	sld [smem:$0x7F9];
	_ =	sdelay $0x2  }
0x1f4: {  	s21 =	rddreg [dreg:$0x1e];
	s17 =	sadd.s32 $0x1, s19  }
0x1f5: {  	p0 =	sne.s32 s17, s21  }
.Ltmp2:
0x1f6: {  	_ = 	snop;
	(pc) =	sbr.rel @p0 .LBB2_1-.Ltmp2, $4  }
0x1f7: {  	s11 =	simm.s32 $0x14300;
	s10 =	simm.s32 $0x14380;
	s14 =	simm.s32 $0x10  }
0x1f8: {  	s6 =	simm.s32 $0x1C580;
	s0 =	smov.u32 s12;
	[sflag:s9] =	ssyncset.done $0x0  }
0x1f9: {  	s15 =	simm.s32 $0x18580;
	s12 =	simm.s32 $0x14580;
	[sflag:s9] =	ssyncadd.s32 $0xFFFFFFB0  }
0x1fa: {  	s9 =	simm.s32 $0x14280;
	s19 =	simm.s32 $0x1CE80;
	s21 =	simm.s32 $0x14400  }
0x1fb: {  	_ =	sfence.sel $0x180000  }
0x1fc: {  	[bflag:$0x0] =	sbarrier.arrive $0xFFFF  }
0x1fd: {  	_ =	strace $0x90000047  }
0x1fe: {  	s0 =	stileid.u32;
	[bflag:$0x2] =	sbarrier.arrive $0xFFFF  }
0x1ff: {  	p0 =	sne.s32 s0, $0x0;
	s0 =	rddreg [dreg:$0x4]  }
0x200: {  	s0 =	sadd.s32 @!p0 $0x100000, s0  }
0x201: {  	[sflag:s0] =	ssyncadd.tile.s32 @!p0 $0x1;
	_ =	shalt  }
.Lfunc_end2:
_tile_overlayer_lowered:
.L_overlay_start_2:
0x202: {  	(tag) =	ssettag $0x2  }
0x203: {  	s0 =	rddreg [dreg:$0x0];
	s2 =	stileid.u32  }
0x204: {  	s1 =	rddreg [dreg:$0x1];
	p0 =	sne.s32 s2, $0x0  }
0x205: {  	s3 =	rddreg [dreg:$0x2];
	[bflag:$0x3] =	sbarrier.arrive $0xFFFF;
	s2 =	simm.s32 @!p0 $0x1C0F  }
0x206: {  	[timem:s3], [sflag:s2] =	dma.local @!p0 [hbm:s0], s1  }
0x207: {  	s0 =	simm.s32 @!p0 $0xF  }
0x208: {  	_ =	swait.ge @!p0 [sflag:s0], s1  }
0x209: {  	s1 =	ssub.s32 @!p0 $0x0, s1;
	[sflag:s0] =	ssyncset.done @!p0 $0x0  }
0x20a: {  	[sflag:s0] =	ssyncadd.s32 @!p0 s1  }
0x20b: {  	[bflag:$0x3] =	sbarrier.arrive $0xFFFF  }
0x20c: {  	_ =	shalt  }

// kernel: kernel.9.cloned.1.call-start
scs
__scs_entry_jumppad:
0x0: {  	(pc) =	sbr.rel $0x88, $3  }
0x1: {  	(tag) =	ssettag $0x0;
	lr =	simm.s32 $0x1  }
0x2: {  	[smem:$0x3F99] =	sst lr;
	_ =	strace $0xD0000000  }
0x3: {  	_ = 	snop  }
0x4: {  	_ = 	snop  }
0x5: {  	_ = 	snop  }
0x6: {  	_ = 	snop  }
0x7: {  	_ = 	snop  }
__scs_overlays_trampoline_lowered:
0x8: {  	[smem:$0x3FA8] =	sst s0  }
0x9: {  	[smem:$0x3FA9] =	sst s1  }
0xa: {  	[smem:$0x3FAA] =	sst s2  }
0xb: {  	[smem:$0x3FAB] =	sst s3  }
0xc: {  	[smem:$0x3FAC] =	sst s4  }
0xd: {  	[smem:$0x3FAD] =	sst s5  }
0xe: {  	[smem:$0x3FAE] =	sst s6  }
0xf: {  	[smem:$0x3FAF] =	sst s7  }
0x10: {  	[smem:$0x3FB0] =	sst s8  }
0x11: {  	[smem:$0x3FB1] =	sst s9;
	s0 =	simm.s32 @!p0 $0x0  }
0x12: {  	s1 =	sld [smem:$0x3F97];
	s0 =	simm.s32 @p0 $0x1  }
0x13: {  	[smem:$0x3FB2] =	sst s0;
	s0 =	simm.s32 @!p1 $0x0  }
0x14: {  	s2 =	sld [smem:$0x3F96];
	s0 =	simm.s32 @p1 $0x1  }
0x15: {  	[smem:$0x3FB3] =	sst s0;
	s0 =	simm.s32 @!p2 $0x0  }
0x16: {  	s3 =	sld [smem:$0x3FDB];
	s0 =	simm.s32 @p2 $0x1  }
0x17: {  	s4 =	simm.s32 $0x1BF5;
	[smem:$0x3FB5] =	sst s0  }
0x18: {  	s0 =	sld [smem:$0x3F98];
	_ =	swait.ge [sflag:s4], $0x0  }
0x19: {  	s7 =	sld [smem:$0x3F99]  }
0x1a: {  	s8 =	sadd.s32 $0xFFFFE003, lr  }
0x1b: {  	s9 =	sadd.s32 $0xFFFFFEF7, lr;
	s5 =	simm.s32 $0xFFFFFFFF;
	p2 =	slt.u32 s8, $0xFFFFF086  }
0x1c: {  	p1 =	slt.u32 s9, $0xF7A;
	s5 =	simm.s32 @!p2 $0x0  }
0x1d: {  	s5 =	simm.s32 @p1 $0x1;
	p0 =	seq.s32 s7, s2  }
0x1e: {  	s7 =	smul.u32 @!p0 $0xF7A, s2;
	p2 =	seq.s32 @!p0 s5, $0x0  }
0x1f: {  	s9 =	smul.u32 $0xF7A, s1;
	s8 =	simm.s32 @!p0 $0x1BF5;
	p2 =	por !p2, p0  }
0x20: {  	[sflag:s8] =	ssyncset.s32 @!p0 $0xFFFFF086;
	s6 =	sadd.s32 @!p0 s3, s7;
	s7 =	simm.s32 @!p0 $0x108  }
0x21: {  	s3 =	sadd.s32 s3, s9;
	s6 =	sadd.s32 @!p0 $0x88, s6;
	s7 =	simm.s32 @p2 $0x1082  }
0x22: {  	[simem:s7], [sflag:s8] =	dma.local @!p0 [hbm:s6], $0xF7A  }
0x23: {  	s9 =	sor.u32 $0xD0000000, s2;
	s6 =	simm.s32 $0x108;
	_ =	swait.ge @!p0 [sflag:s8], $0x0  }
0x24: {  	s3 =	sadd.s32 $0x88, s3;
	s6 =	simm.s32 @!p1 $0x1082;
	[sflag:s4] =	ssyncset.s32 $0xFFFFF086  }
0x25: {  	[simem:s6], [sflag:s4] =	dma.local [hbm:s3], $0xF7A  }
0x26: {  	[smem:$0x3F99] =	sst s1;
	(tag) =	ssettag s2;
	_ =	strace s9  }
0x27: {  	s1 =	sld [smem:$0x3FA9]  }
0x28: {  	s2 =	sld [smem:$0x3FAA]  }
0x29: {  	s4 =	sld [smem:$0x3FAC]  }
0x2a: {  	p0 =	seq.s32 s5, $0x0;
	s5 =	sld [smem:$0x3FAD]  }
0x2b: {  	s6 =	sld [smem:$0x3FAE]  }
0x2c: {  	s7 =	sld [smem:$0x3FAF]  }
0x2d: {  	s3 =	simm.s32 $0x108;
	s8 =	sld [smem:$0x3FB0]  }
0x2e: {  	s3 =	simm.s32 @!p0 $0x1082;
	s9 =	sld [smem:$0x3FB1]  }
0x2f: {  	lr =	sadd.s32 s0, s3;
	s0 =	sld [smem:$0x3FA8]  }
0x30: {  	s3 =	sld [smem:$0x3FAB]  }
0x31: {  	[smem:$0x3FB4] =	sst s10  }
0x32: {  	s10 =	sld [smem:$0x3FB2];
	_ =	sdelay $0x3  }
0x33: {  	p0 =	seq.s32 s10, $0x1;
	s10 =	sld [smem:$0x3FB4];
	_ =	sdelay $0x3  }
0x34: {  	[smem:$0x3FB4] =	sst s10  }
0x35: {  	s10 =	sld [smem:$0x3FB3];
	_ =	sdelay $0x3  }
0x36: {  	p1 =	seq.s32 s10, $0x1;
	s10 =	sld [smem:$0x3FB4];
	_ =	sdelay $0x3  }
0x37: {  	[smem:$0x3FB4] =	sst s10  }
0x38: {  	s10 =	sld [smem:$0x3FB5]  }
0x39: {  	_ = 	snop;
	(pc) =	sbr.ind lr, $3  }
0x3a: {  	_ = 	snop  }
0x3b: {  	_ = 	snop  }
0x3c: {  	p2 =	seq.s32 s10, $0x1;
	s10 =	sld [smem:$0x3FB4]  }
0x3d: {  	_ =	shalt  }
0x3e: {  	_ =	shalt  }
0x3f: {  	_ =	shalt  }
0x40: {  	_ =	shalt  }
0x41: {  	_ =	shalt  }
0x42: {  	_ =	shalt  }
0x43: {  	_ =	shalt  }
0x44: {  	_ =	shalt  }
0x45: {  	_ =	shalt  }
0x46: {  	_ =	shalt  }
0x47: {  	_ =	shalt  }
0x48: {  	_ =	shalt  }
0x49: {  	_ =	shalt  }
0x4a: {  	_ =	shalt  }
0x4b: {  	_ =	shalt  }
0x4c: {  	_ =	shalt  }
0x4d: {  	_ =	shalt  }
0x4e: {  	_ =	shalt  }
0x4f: {  	_ =	shalt  }
0x50: {  	_ =	shalt  }
0x51: {  	_ =	shalt  }
0x52: {  	_ =	shalt  }
0x53: {  	_ =	shalt  }
0x54: {  	_ =	shalt  }
0x55: {  	_ =	shalt  }
0x56: {  	_ =	shalt  }
0x57: {  	_ =	shalt  }
0x58: {  	_ =	shalt  }
0x59: {  	_ =	shalt  }
0x5a: {  	_ =	shalt  }
0x5b: {  	_ =	shalt  }
0x5c: {  	_ =	shalt  }
0x5d: {  	_ =	shalt  }
0x5e: {  	_ =	shalt  }
0x5f: {  	_ =	shalt  }
0x60: {  	_ =	shalt  }
0x61: {  	_ =	shalt  }
0x62: {  	_ =	shalt  }
0x63: {  	_ =	shalt  }
0x64: {  	_ =	shalt  }
0x65: {  	_ =	shalt  }
0x66: {  	_ =	shalt  }
0x67: {  	_ =	shalt  }
0x68: {  	_ =	shalt  }
0x69: {  	_ =	shalt  }
0x6a: {  	_ =	shalt  }
0x6b: {  	_ =	shalt  }
0x6c: {  	_ =	shalt  }
0x6d: {  	_ =	shalt  }
0x6e: {  	_ =	shalt  }
0x6f: {  	_ =	shalt  }
0x70: {  	_ =	shalt  }
0x71: {  	_ =	shalt  }
0x72: {  	_ =	shalt  }
0x73: {  	_ =	shalt  }
0x74: {  	_ =	shalt  }
0x75: {  	_ =	shalt  }
0x76: {  	_ =	shalt  }
0x77: {  	_ =	shalt  }
0x78: {  	_ =	shalt  }
0x79: {  	_ =	shalt  }
0x7a: {  	_ =	shalt  }
0x7b: {  	_ =	shalt  }
0x7c: {  	_ =	shalt  }
0x7d: {  	_ =	shalt  }
0x7e: {  	_ =	shalt  }
0x7f: {  	_ =	shalt  }
0x80: {  	_ =	shalt  }
0x81: {  	_ =	shalt  }
0x82: {  	_ =	shalt  }
0x83: {  	_ =	shalt  }
0x84: {  	_ =	shalt  }
0x85: {  	_ =	shalt  }
0x86: {  	_ =	shalt  }
0x87: {  	_ =	shalt  }
.Lfunc_end0:
.L_simem_size_0:
called_computation.1_lowered:
.L_overlay_start_0:
0x88: {  	s2 =	sld [smem:$0x3FD9]  }
0x89: {  	s3 =	sld [smem:$0x3FFE];
	_ =	sdelay $0x1  }
0x8a: {  	s1 =	srdreg.scid  }
0x8b: {  	s0 =	sand.u32 $0x1, s1  }
0x8c: {  	s17 =	sshll.u32 s0, $0xA;
	s2 =	sadd.s32 s3, s2  }
0x8d: {  	s2 =	sadd.s32 s2, s17  }
0x8e: {  	[smem:$0x3FC0] =	sst s2  }
0x8f: {  	_ = 	snop  }
0x90: {  	s2 =	sld [smem:$0x3FD0];
	(tm) =	ssettm $0x1  }
0x91: {  	s18 =	sld [smem:$0x3FFB];
	_ =	sdelay $0x3  }
0x92: {  	_ =	strace s18  }
0x93: {  	s3 =	sld [smem:$0x3FFC];
	_ =	sdelay $0x3  }
0x94: {  	_ =	strace s3  }
0x95: {  	s3 =	sld [smem:$0x3FFD];
	_ =	sdelay $0x3  }
0x96: {  	_ =	strace s3  }
0x97: {  	_ =	strace $0x8FFFFFFF  }
0x98: {  	s19 =	sld [smem:$0x3FDB];
	_ =	sdelay $0x1  }
0x99: {  	s4 =	simm.s32 $_scs_section_size  }
0x9a: {  	s5 =	simm.s32 $_size__tile_overlayer_lowered;
	s6 =	simm.s32 $_tile_overlayer_lowered  }
0x9b: {  	s22 =	simm.s32 $0x1BFF;
	s21 =	sshll.u32 s6, $0x1;
	s3 =	sadd.s32 s4, s19  }
0x9c: {  	s7 =	simm.s32 $0x0;
	s20 =	sshll.u32 s5, $0x1;
	s5 =	sadd.s32 s21, s3  }
0x9d: {  	[timem:s7], [sflag:s22] =	dma.local [hbm:s5], s20  }
0x9e: {  	_ =	swait.ge [sflag:s22], s20  }
0x9f: {  	s4 =	ssub.s32 $0x0, s20;
	[sflag:s22] =	ssyncset.done $0x0  }
0xa0: {  	[sflag:s22] =	ssyncadd.s32 s4;
	_ =	sdelay $0x1  }
0xa1: {  	s23 =	simm.s32 $0x1B8B  }
0xa2: {  	_ =	swait.ge [sflag:s23], $0x1  }
0xa3: {  	[sflag:s23] =	ssyncset.done $0x0  }
0xa4: {  	s25 =	simm.s32 $0x1B8E;
	s24 =	sld [smem:$0x3FFE];
	[sflag:s23] =	ssyncadd.s32 $0xFFFFFFFF  }
0xa5: {  	s26 =	simm.s32 $execute0_lowered;
	[smem:$0x3FD2] =	sst s25  }
0xa6: {  	s5 =	sshll.u32 s26, $0x1;
	_ =	strace $0x80000049;
	[dreg:$0x1] =	wrdreg $0xFFFFFFFF  }
0xa7: {  	s28 =	simm.s32 $_size_execute0_lowered;
	s3 =	sadd.s32 s3, s5;
	[dreg:$0x0] =	wrdreg $0x0  }
0xa8: {  	s5 =	sshll.u32 s28, $0x1;
	[dreg:$0x2] =	wrdreg s3  }
0xa9: {  	[dreg:$0x3] =	wrdreg s5  }
0xaa: {  	[dreg:$0x4] =	wrdreg $0xC0  }
0xab: {  	_ =	task [dreg:s7], $0x5FFFF  }
0xac: {  	[dreg:$0x1] =	wrdreg $0xFFFFFFFF  }
0xad: {  	[dreg:$0x0] =	wrdreg $0x60  }
0xae: {  	[dreg:$0x2] =	wrdreg s2  }
0xaf: {  	[dreg:$0x3] =	wrdreg s24  }
0xb0: {  	[dreg:$0x4] =	wrdreg $0x0  }
0xb1: {  	[dreg:$0x5] =	wrdreg $0x9  }
0xb2: {  	_ =	task.clear_ibuf [dreg:s7], $0x6FFFF;
	_ =	strace $0x90000049  }
0xb3: {  	s29 =	simm.s32 $0x9;
	_ =	strace $0x8000004B  }
0xb4: {  	_ =	swait.ge [sflag:s29], $0x1  }
0xb5: {  	[sflag:s29] =	ssyncadd.s32 $0xFFFFFFFF  }
0xb6: {  	_ =	strace $0x9000004B  }
0xb7: {  	_ =	sfence  }
0xb8: {  	s30 =	sld [smem:$0x0];
	_ =	sdelay $0x2  }
0xb9: {  	s31 =	sshll.u32 s1, $0xD;
	s1 =	sshrl.u32 s1, $0x2  }
0xba: {  	s3 =	sand.u32 $0x4000, s31;
	s1 =	sadd.s32 s1, s30  }
0xbb: {  	s0 =	sor.u32 s3, s0;
	s1 =	sshll.u32 s1, $0x11  }
0xbc: {  	s0 =	sor.u32 s1, s0  }
0xbd: {  	s0 =	sadd.s32 $0x8F2B, s0  }
0xbe: {  	[sflag:s0] =	ssyncadd.remote.s32 $0x1  }
0xbf: {  	_ =	sfence.sel $0xFFFF  }
0xc0: {  	[dreg:$0x0] =	wrdreg $0xFFFFFFFF;
	(pc) =	sbr.abs _section_cstart, $3  }
0xc1: {  	[dreg:$0x1] =	wrdreg $0xFFFFFFFF  }
0xc2: {  	_ =	task.clear_ibuf [dreg:s7], $0x2FFFF;
	_ =	strace $0x9FFFFFFF  }
0xc3: {  	(tm) =	ssettm $0x7FFFFFFF  }
tec
execute0_lowered:
.L_overlay_start_1:
0x0: {  	(tag) =	ssettag $0x1  }
0x1: {  	s1 =	rddreg [dreg:$0x0]  }
0x2: {  	s0 =	rddreg [dreg:$0x1]  }
0x3: {  	s2 =	rddreg [dreg:$0x2]  }
0x4: {  	s3 =	srdreg.scid;
	s4 =	simm.s32 $0x0;
	s11 =	stileid.u32  }
0x5: {  	s30 =	simm.s32 $0x14200;
	s31 =	simm.s32 $0x7;
	s7 =	smul.u32 $0x14000, s11  }
0x6: {  	s28 =	simm.s32 $0x8;
	s29 =	simm.s32 $0xB;
	s10 =	smul.u32 $0x50000, s11  }
0x7: {  	s3 =	sand.u32 $0x1, s3;
	[smem:$0x7FF] =	sst s4;
	s24 =	smul.u32 $0x4E20, s11  }
0x8: {  	s5 =	sshll.u32 s11, $0x1;
	s6 =	smul.u32 $0x140000, s3;
	_ =	strace $0x8000004A  }
0x9: {  	s8 =	sor.u32 s3, s5;
	s9 =	ssub.s32 $0x2, s3;
	s3 =	smul.u32 $0x2710, s3  }
0xa: {  	s5 =	sadd.s32 $0xC200, s0;
	s8 =	smul.u32 $0x2710, s8;
	s22 =	sshrl.u32 s9, $0x1  }
0xb: {  	s10 =	sshrl.u32 s10, $0x2;
	s7 =	sadd.s32 s7, s6;
	s6 =	sadd.s32 $0x2400, s0  }
0xc: {  	s18 =	sadd.s32 s10, s2;
	s3 =	sadd.s32 s3, s24;
	s7 =	sshrl.u32 s7, $0x3  }
0xd: {  	s8 =	sshrl.u32 s8, $0x3;
	s15 =	sadd.s32 $0x4000, s18;
	s17 =	sadd.s32 $0x300, s3  }
0xe: {  	[dreg:$0x10] =	wrdreg s18;
	s0 =	sadd.s32 s7, s0;
	s7 =	ssub.s32 s9, s22  }
0xf: {  	s23 =	sadd.s32 $0x4E0, s8;
	s25 =	sadd.s32 s5, s8;
	[dreg:$0x11] =	wrdreg s15  }
0x10: {  	s26 =	sadd.s32 $0x10, s8;
	s13 =	sadd.s32 s6, s8;
	[dreg:$0xc] =	wrdreg s25  }
0x11: {  	s16 =	sadd.s32 $0x20, s8;
	s12 =	sadd.s32 s5, s23;
	[dreg:$0xd] =	wrdreg s13  }
0x12: {  	s20 =	sshrl.u32 s17, $0x3;
	s9 =	sadd.s32 s6, s23;
	[dreg:$0xa] =	wrdreg s12  }
0x13: {  	s21 =	sadd.s32 $0x4B0, s8;
	s14 =	sadd.s32 s5, s26;
	[dreg:$0xb] =	wrdreg s9  }
0x14: {  	s17 =	sadd.s32 $0x4C0, s8;
	s11 =	sadd.s32 s6, s26;
	[dreg:$0xe] =	wrdreg s14  }
0x15: {  	s8 =	sadd.s32 $0x4D0, s8;
	s19 =	sadd.s32 s5, s16;
	[dreg:$0xf] =	wrdreg s11  }
0x16: {  	s22 =	sadd.s32 s20, s6;
	s23 =	sadd.s32 $0x280, s3;
	[dreg:$0x12] =	wrdreg s19  }
0x17: {  	s26 =	sadd.s32 $0x180, s3;
	s15 =	sadd.s32 s5, s21;
	[dreg:$0x4] =	wrdreg s22  }
0x18: {  	s10 =	sadd.s32 s6, s21;
	s21 =	sadd.s32 s5, s8;
	[dreg:$0x14] =	wrdreg s15  }
0x19: {  	s8 =	sadd.s32 s6, s8;
	s0 =	sadd.s32 $0x16000, s0;
	[dreg:$0x15] =	wrdreg s10  }
0x1a: {  	s9 =	sadd.s32 s6, s16;
	s24 =	sshrl.u32 s23, $0x3;
	[dreg:$0x18] =	wrdreg s21  }
0x1b: {  	s14 =	sshrl.u32 s26, $0x3;
	s19 =	sadd.s32 s5, s17;
	[dreg:$0x19] =	wrdreg s8  }
0x1c: {  	s10 =	sadd.s32 s6, s17;
	[dreg:$0x1a] =	wrdreg s0;
	s22 =	smax.u32 s7, $0x1  }
0x1d: {  	s23 =	sadd.s32 $0x200, s3;
	s26 =	sadd.s32 $0x10000, s18;
	[dreg:$0x13] =	wrdreg s9  }
0x1e: {  	s15 =	simm.s32 $0x1C380;
	s0 =	simm.s32 $0x14000;
	[dreg:$0x16] =	wrdreg s19  }
0x1f: {  	s3 =	simm.s32 $0x14100;
	s7 =	simm.s32 $0x14080;
	[dreg:$0x17] =	wrdreg s10  }
0x20: {  	s8 =	simm.s32 $0x14180;
	s11 =	simm.s32 $0x5;
	[dreg:$0x1b] =	wrdreg s22  }
0x21: {  	s12 =	simm.s32 $0x80;
	s21 =	simm.s32 $0x1;
	[dreg:$0x1c] =	wrdreg s23  }
0x22: {  	s17 =	simm.s32 $0x0;
	s9 =	sadd.s32 s20, s5;
	[dreg:$0x1f] =	wrdreg s26  }
0x23: {  	s25 =	sadd.s32 s24, s6;
	s13 =	sadd.s32 s24, s5;
	[dreg:$0x5] =	wrdreg s9  }
0x24: {  	s16 =	sadd.s32 s14, s6;
	s20 =	sadd.s32 s14, s5;
	[dreg:$0x6] =	wrdreg s25  }
0x25: {  	s24 =	sadd.s32 $0x8000, s18;
	s10 =	simm.s32 $0x3;
	[dreg:$0x7] =	wrdreg s13  }
0x26: {  	s14 =	simm.s32 $0x14300;
	s19 =	simm.s32 $0x4;
	[dreg:$0x8] =	wrdreg s16  }
0x27: {  	s22 =	simm.s32 $0x9;
	s23 =	simm.s32 $0x2;
	[dreg:$0x9] =	wrdreg s20  }
0x28: {  	s26 =	simm.s32 $0xA;
	[dreg:$0x1d] =	wrdreg s24;
	s25 =	sadd.s32 $0xC000, s18  }
0x29: {  	s9 =	simm.s32 $0x18300;
	s20 =	simm.s32 $0x6;
	s24 =	simm.s32 $0x14280  }
0x2a: {  	v0 =	vimm.f32 $0.0e+00;
	s16 =	simm.s32 $0xC;
	[dreg:$0x1e] =	wrdreg s25;
	s25 =	simm.s32 $0x1C300  }
.LBB2_1:
0x2b: {  	[smem:$0x7FD] =	sst s17  }
0x2c: {  	s13 =	rddreg [dreg:$0xa]  }
0x2d: {  	[tilespmem:s25], [sflag:$0xD] =	stream.linear.gather [hbm4b:s13+s4], $0x10, $0x38;
	[tilespmem:$0x1CC00] =	vst v63  }
0x2e: {  	s17 =	rddreg [dreg:$0xb]  }
0x2f: {  	[tilespmem:s15], [sflag:$0xD] =	stream.linear.gather [hbm4b:s17+s4], $0x10, $0x38;
	[tilespmem:$0x1CC00] =	vst v63  }
0x30: {  	s15 =	rddreg [dreg:$0xc]  }
0x31: {  	[tilespmem:s0], [sflag:$0x3] =	stream.linear.gather [hbm4b:s15+s4], $0x80, $0x38;
	[tilespmem:$0x1CC00] =	vst v63  }
0x32: {  	s17 =	rddreg [dreg:$0xd]  }
0x33: {  	[tilespmem:s3], [sflag:$0x5] =	stream.linear.gather [hbm4b:s17+s4], $0x80, $0x38;
	[tilespmem:$0x1CC00] =	vst v63  }
0x34: {  	s15 =	rddreg [dreg:$0xe]  }
0x35: {  	[tilespmem:s7], [sflag:$0x4] =	stream.linear.gather [hbm4b:s15+s4], $0x80, $0x38;
	[tilespmem:$0x1CC00] =	vst v63  }
0x36: {  	s17 =	rddreg [dreg:$0xf]  }
0x37: {  	[tilespmem:s8], [sflag:$0x6] =	stream.linear.gather [hbm4b:s17+s4], $0x80, $0x38;
	[tilespmem:$0x1CC00] =	vst v63  }
0x38: {  	s15 =	simm.s32 $0x0;
	s17 =	simm.s32 $0x200  }
.LBB2_2:
0x39: {  	p0 =	sne.s32 s17, $0xFE00;
	[tilespmem:s15+$0x18370] =	vst v0  }
0x3a: {  	[tilespmem:s15+$0x18300] =	vst v0  }
0x3b: {  	[tilespmem:s15+$0x18310] =	vst v0  }
.Ltmp0:
0x3c: {  	[tilespmem:s15+$0x18320] =	vst v0;
	(pc) =	sbr.rel @p0 .LBB2_2-.Ltmp0, $4  }
0x3d: {  	[tilespmem:s15+$0x18330] =	vst v0  }
0x3e: {  	[tilespmem:s15+$0x18340] =	vst v0  }
0x3f: {  	[tilespmem:s15+$0x18350] =	vst v0  }
0x40: {  	[tilespmem:s15+$0x18360] =	vst v0;
	s15 =	sshra.s32 s17, $0x2;
	s17 =	sadd.s32 $0x200, s17  }
0x41: {  	[tilespmem:s15+$0x18370] =	vst v0  }
0x42: {  	[tilespmem:s15+$0x18300] =	vst v0  }
0x43: {  	[tilespmem:s15+$0x18310] =	vst v0  }
0x44: {  	[tilespmem:s15+$0x18320] =	vst v0  }
0x45: {  	[tilespmem:s15+$0x18330] =	vst v0  }
0x46: {  	[tilespmem:s15+$0x18340] =	vst v0  }
0x47: {  	[tilespmem:s15+$0x18350] =	vst v0  }
0x48: {  	[tilespmem:s15+$0x18360] =	vst v0  }
0x49: {  	[spmem:s18] =	stream.linear.scatter [tilespmem:s9], [sflag:$0xE], $0x4000, $0x38;
	[tilespmem:$0x1CC00] =	vst v63  }
0x4a: {  	s13 =	rddreg [dreg:$0x11]  }
0x4b: {  	[spmem:s13] =	stream.linear.scatter [tilespmem:s9], [sflag:$0xE], $0x4000, $0x38;
	[tilespmem:$0x1CC00] =	vst v63  }
0x4c: {  	s15 =	rddreg [dreg:$0x1d]  }
0x4d: {  	[spmem:s15] =	stream.linear.scatter [tilespmem:s9], [sflag:$0xE], $0x4000, $0x38;
	[tilespmem:$0x1CC00] =	vst v63  }
0x4e: {  	s17 =	rddreg [dreg:$0x1e]  }
0x4f: {  	[spmem:s17] =	stream.linear.scatter [tilespmem:s9], [sflag:$0xE], $0x4000, $0x38;
	[tilespmem:$0x1CC00] =	vst v63  }
0x50: {  	s18 =	rddreg [dreg:$0x1f]  }
0x51: {  	[spmem:s18] =	stream.linear.scatter [tilespmem:s9], [sflag:$0xE], $0x4000, $0x38;
	[tilespmem:$0x1CC00] =	vst v63  }
0x52: {  	_ =	swait.ge [sflag:s10], $0x80  }
0x53: {  	[sflag:s10] =	ssyncset.done $0x0  }
0x54: {  	[sflag:s10] =	ssyncadd.s32 $0xFFFFFF80  }
0x55: {  	_ =	swait.ge [sflag:s11], $0x80  }
0x56: {  	[sflag:s11] =	ssyncset.done $0x0  }
0x57: {  	s15 =	simm.s32 $0xD;
	[sflag:s11] =	ssyncadd.s32 $0xFFFFFF80  }
0x58: {  	[tilespmem:s14], [sflag:$0x1] =	stream.indirect.gather [hbm4b:s1+s12], $0x80, s0, s12, $0xb8;
	[tilespmem:$0x1CC00] =	vst v63  }
0x59: {  	_ =	swait.ge [sflag:s15], $0x10  }
0x5a: {  	[sflag:s15] =	ssyncset.done $0x0  }
0x5b: {  	[sflag:s15] =	ssyncadd.s32 $0xFFFFFFF0  }
0x5c: {  	_ =	swait.ge [sflag:s15], $0x10  }
0x5d: {  	s17 =	simm.s32 $0x10;
	[sflag:s15] =	ssyncset.done $0x0  }
0x5e: {  	s18 =	simm.s32 $0x1C400;
	[sflag:s15] =	ssyncadd.s32 $0xFFFFFFF0;
	s15 =	simm.s32 $0xE  }
0x5f: {  	[tilespmem:s18], [sflag:$0xD] =	stream.indirect.gather [hbm4b:s1+s17], $0x80, s25, s17, $0xb8;
	[tilespmem:$0x1CC00] =	vst v63  }
0x60: {  	_ =	swait.ge [sflag:s15], $0x4000  }
0x61: {  	[sflag:s15] =	ssyncset.done $0x0  }
0x62: {  	[sflag:s15] =	ssyncadd.s32 $0xFFFFC000  }
0x63: {  	_ =	swait.ge [sflag:s15], $0x4000  }
0x64: {  	[sflag:s15] =	ssyncset.done $0x0  }
0x65: {  	[sflag:s15] =	ssyncadd.s32 $0xFFFFC000  }
0x66: {  	_ =	swait.ge [sflag:s15], $0x4000  }
0x67: {  	[sflag:s15] =	ssyncset.done $0x0  }
0x68: {  	[sflag:s15] =	ssyncadd.s32 $0xFFFFC000  }
0x69: {  	_ =	swait.ge [sflag:s15], $0x4000  }
0x6a: {  	[sflag:s15] =	ssyncset.done $0x0  }
0x6b: {  	[sflag:s15] =	ssyncadd.s32 $0xFFFFC000  }
0x6c: {  	_ =	swait.ge [sflag:s15], $0x4000  }
0x6d: {  	[sflag:s15] =	ssyncset.done $0x0  }
0x6e: {  	[sflag:s15] =	ssyncadd.s32 $0xFFFFC000  }
0x6f: {  	[bflag:$0x0] =	sbarrier.arrive $0xFFFF  }
0x70: {  	_ =	swait.ge [sflag:s19], $0x80  }
0x71: {  	[sflag:s19] =	ssyncset.done $0x0  }
0x72: {  	[sflag:s19] =	ssyncadd.s32 $0xFFFFFF80  }
0x73: {  	_ =	swait.ge [sflag:s20], $0x80  }
0x74: {  	[sflag:s20] =	ssyncset.done $0x0  }
0x75: {  	[sflag:s20] =	ssyncadd.s32 $0xFFFFFF80  }
0x76: {  	[tilespmem:s9], [sflag:$0x2] =	stream.indirect.gather [hbm4b:s1+s12], $0x80, s7, s12, $0xb8;
	[tilespmem:$0x1CC00] =	vst v63  }
0x77: {  	_ =	swait.ge [sflag:s21], $0x4000  }
0x78: {  	[sflag:s21] =	ssyncset.done $0x0  }
0x79: {  	s17 =	simm.s32 $0x0;
	s18 =	rddreg [dreg:$0x12];
	[sflag:s21] =	ssyncadd.s32 $0xFFFFC000  }
0x7a: {  	[tilespmem:s0], [sflag:$0x3] =	stream.linear.gather [hbm4b:s18+s17], $0x80, $0x38;
	[tilespmem:$0x1CC00] =	vst v63  }
0x7b: {  	_ = 	snop  }
0x7c: {  	[spmem:s2] =	stream.indirect.scatter.add.f32 [tilespmem:s14], [sflag:$0x9], $0x80, s3, s12, $0xb8;
	[tilespmem:$0x1CC00] =	vst v63  }
0x7d: {  	s25 =	rddreg [dreg:$0x13]  }
0x7e: {  	[tilespmem:s30], [sflag:$0x7] =	stream.linear.gather [hbm4b:s25+s17], $0x80, $0x38;
	[tilespmem:$0x1CC00] =	vst v63  }
0x7f: {  	_ =	swait.ge [sflag:s22], $0x4000  }
0x80: {  	[sflag:s22] =	ssyncset.done $0x0  }
0x81: {  	[sflag:s22] =	ssyncadd.s32 $0xFFFFC000  }
0x82: {  	_ =	swait.ge [sflag:s10], $0x80  }
0x83: {  	[sflag:s10] =	ssyncset.done $0x0  }
0x84: {  	[sflag:s10] =	ssyncadd.s32 $0xFFFFFF80  }
0x85: {  	_ =	swait.ge [sflag:s31], $0x80  }
0x86: {  	[sflag:s31] =	ssyncset.done $0x0  }
0x87: {  	[sflag:s31] =	ssyncadd.s32 $0xFFFFFF80  }
0x88: {  	[tilespmem:s14], [sflag:$0x1] =	stream.indirect.gather [hbm4b:s1+s12], $0x80, s0, s12, $0xb8;
	[tilespmem:$0x1CC00] =	vst v63  }
0x89: {  	_ =	swait.ge [sflag:s23], $0x4000  }
0x8a: {  	s13 =	rddreg [dreg:$0x9];
	[sflag:s23] =	ssyncset.done $0x0  }
0x8b: {  	[sflag:s23] =	ssyncadd.s32 $0xFFFFC000;
	s15 =	sadd.s32 $0x0, s13  }
0x8c: {  	[tilespmem:s7], [sflag:$0x4] =	stream.linear.gather [hbm4b:s15+s4], $0x80, $0x38;
	[tilespmem:$0x1CC00] =	vst v63  }
0x8d: {  	s17 =	rddreg [dreg:$0x8]  }
0x8e: {  	[spmem:s2] =	stream.indirect.scatter.add.f32 [tilespmem:s9], [sflag:$0xA], $0x80, s8, s12, $0xb8;
	[tilespmem:$0x1CC00] =	vst v63  }
0x8f: {  	s17 =	sadd.s32 $0x0, s17  }
0x90: {  	[tilespmem:s24], [sflag:$0x8] =	stream.linear.gather [hbm4b:s17+s4], $0x80, $0x38;
	[tilespmem:$0x1CC00] =	vst v63  }
0x91: {  	_ =	swait.ge [sflag:s26], $0x4000  }
0x92: {  	[sflag:s26] =	ssyncset.done $0x0  }
0x93: {  	[sflag:s26] =	ssyncadd.s32 $0xFFFFC000  }
0x94: {  	_ =	swait.ge [sflag:s19], $0x80  }
0x95: {  	[sflag:s19] =	ssyncset.done $0x0  }
0x96: {  	[sflag:s19] =	ssyncadd.s32 $0xFFFFFF80  }
0x97: {  	_ =	swait.ge [sflag:s28], $0x80  }
0x98: {  	[sflag:s28] =	ssyncset.done $0x0  }
0x99: {  	[sflag:s28] =	ssyncadd.s32 $0xFFFFFF80  }
0x9a: {  	[tilespmem:s9], [sflag:$0x2] =	stream.indirect.gather [hbm4b:s1+s12], $0x80, s7, s12, $0xb8;
	[tilespmem:$0x1CC00] =	vst v63  }
0x9b: {  	_ =	swait.ge [sflag:s21], $0x4000  }
0x9c: {  	s13 =	rddreg [dreg:$0x1c]  }
0x9d: {  	[sflag:s21] =	ssyncset.done $0x0;
	s18 =	sshrl.u32 s13, $0x3  }
0x9e: {  	[sflag:s21] =	ssyncadd.s32 $0xFFFFC000;
	s25 =	sadd.s32 s5, s18  }
0x9f: {  	[tilespmem:s0], [sflag:$0x3] =	stream.linear.gather [hbm4b:s25+s4], $0x80, $0x38;
	[tilespmem:$0x1CC00] =	vst v63  }
0xa0: {  	_ = 	snop  }
0xa1: {  	[spmem:s2] =	stream.indirect.scatter.add.f32 [tilespmem:s14], [sflag:$0xB], $0x80, s30, s12, $0xb8;
	[tilespmem:$0x1CC00] =	vst v63  }
0xa2: {  	s15 =	sadd.s32 s6, s18  }
0xa3: {  	[tilespmem:s3], [sflag:$0x5] =	stream.linear.gather [hbm4b:s15+s4], $0x80, $0x38;
	[tilespmem:$0x1CC00] =	vst v63  }
0xa4: {  	_ =	swait.ge [sflag:s29], $0x4000  }
0xa5: {  	[sflag:s29] =	ssyncset.done $0x0  }
0xa6: {  	[sflag:s29] =	ssyncadd.s32 $0xFFFFC000  }
0xa7: {  	_ =	swait.ge [sflag:s10], $0x80  }
0xa8: {  	[sflag:s10] =	ssyncset.done $0x0  }
0xa9: {  	[sflag:s10] =	ssyncadd.s32 $0xFFFFFF80  }
0xaa: {  	_ =	swait.ge [sflag:s11], $0x80  }
0xab: {  	[sflag:s11] =	ssyncset.done $0x0  }
0xac: {  	[sflag:s11] =	ssyncadd.s32 $0xFFFFFF80  }
0xad: {  	[tilespmem:s14], [sflag:$0x1] =	stream.indirect.gather [hbm4b:s1+s12], $0x80, s0, s12, $0xb8;
	[tilespmem:$0x1CC00] =	vst v63  }
0xae: {  	_ =	swait.ge [sflag:s23], $0x4000  }
0xaf: {  	s17 =	rddreg [dreg:$0x7];
	[sflag:s23] =	ssyncset.done $0x0  }
0xb0: {  	[sflag:s23] =	ssyncadd.s32 $0xFFFFC000;
	s15 =	sadd.s32 $0x0, s17  }
0xb1: {  	[tilespmem:s7], [sflag:$0x4] =	stream.linear.gather [hbm4b:s15+s4], $0x80, $0x38;
	[tilespmem:$0x1CC00] =	vst v63  }
0xb2: {  	s18 =	rddreg [dreg:$0x6]  }
0xb3: {  	[spmem:s2] =	stream.indirect.scatter.add.f32 [tilespmem:s9], [sflag:$0xC], $0x80, s24, s12, $0xb8;
	[tilespmem:$0x1CC00] =	vst v63  }
0xb4: {  	s25 =	sadd.s32 $0x0, s18  }
0xb5: {  	[tilespmem:s8], [sflag:$0x6] =	stream.linear.gather [hbm4b:s25+s4], $0x80, $0x38;
	[tilespmem:$0x1CC00] =	vst v63  }
0xb6: {  	_ =	swait.ge [sflag:s16], $0x4000  }
0xb7: {  	[sflag:s16] =	ssyncset.done $0x0  }
0xb8: {  	[sflag:s16] =	ssyncadd.s32 $0xFFFFC000  }
0xb9: {  	_ =	swait.ge [sflag:s19], $0x80  }
0xba: {  	[sflag:s19] =	ssyncset.done $0x0  }
0xbb: {  	[sflag:s19] =	ssyncadd.s32 $0xFFFFFF80  }
0xbc: {  	_ =	swait.ge [sflag:s20], $0x80  }
0xbd: {  	[sflag:s20] =	ssyncset.done $0x0  }
0xbe: {  	[sflag:s20] =	ssyncadd.s32 $0xFFFFFF80  }
0xbf: {  	[tilespmem:s9], [sflag:$0x2] =	stream.indirect.gather [hbm4b:s1+s12], $0x80, s7, s12, $0xb8;
	[tilespmem:$0x1CC00] =	vst v63  }
0xc0: {  	_ =	swait.ge [sflag:s21], $0x4000  }
0xc1: {  	s17 =	rddreg [dreg:$0x5];
	[sflag:s21] =	ssyncset.done $0x0  }
0xc2: {  	s18 =	rddreg [dreg:$0x4];
	[sflag:s21] =	ssyncadd.s32 $0xFFFFC000;
	s15 =	sadd.s32 $0x0, s17  }
0xc3: {  	[tilespmem:s0], [sflag:$0x3] =	stream.linear.gather [hbm4b:s15+s4], $0x80, $0x38;
	[tilespmem:$0x1CC00] =	vst v63  }
0xc4: {  	s25 =	simm.s32 $0x40;
	s17 =	sadd.s32 $0x200, s13;
	s15 =	sadd.s32 $0x0, s18  }
0xc5: {  	[spmem:s2] =	stream.indirect.scatter.add.f32 [tilespmem:s14], [sflag:$0x9], $0x80, s3, s12, $0xb8;
	[tilespmem:$0x1CC00] =	vst v63  }
.LBB2_4:
0xc6: {  	[tilespmem:s30], [sflag:$0x7] =	stream.linear.gather [hbm4b:s15+s4], $0x80, $0x38;
	[tilespmem:$0x1CC00] =	vst v63  }
0xc7: {  	_ =	swait.ge [sflag:s22], $0x4000  }
0xc8: {  	[sflag:s22] =	ssyncset.done $0x0  }
0xc9: {  	[sflag:s22] =	ssyncadd.s32 $0xFFFFC000  }
0xca: {  	_ =	swait.ge [sflag:s10], $0x80  }
0xcb: {  	[sflag:s10] =	ssyncset.done $0x0  }
0xcc: {  	[sflag:s10] =	ssyncadd.s32 $0xFFFFFF80  }
0xcd: {  	_ =	swait.ge [sflag:s31], $0x80  }
0xce: {  	[sflag:s31] =	ssyncset.done $0x0  }
0xcf: {  	[sflag:s31] =	ssyncadd.s32 $0xFFFFFF80  }
0xd0: {  	[tilespmem:s14], [sflag:$0x1] =	stream.indirect.gather [hbm4b:s1+s12], $0x80, s0, s12, $0xb8;
	[tilespmem:$0x1CC00] =	vst v63  }
0xd1: {  	_ =	swait.ge [sflag:s23], $0x4000  }
0xd2: {  	s15 =	smov.u32 s25;
	s13 =	rddreg [dreg:$0x9];
	[sflag:s23] =	ssyncset.done $0x0  }
0xd3: {  	[sflag:s23] =	ssyncadd.s32 $0xFFFFC000;
	s13 =	sadd.s32 s15, s13  }
0xd4: {  	[tilespmem:s7], [sflag:$0x4] =	stream.linear.gather [hbm4b:s13+s4], $0x80, $0x38;
	[tilespmem:$0x1CC00] =	vst v63  }
0xd5: {  	s18 =	rddreg [dreg:$0x8]  }
0xd6: {  	[spmem:s2] =	stream.indirect.scatter.add.f32 [tilespmem:s9], [sflag:$0xA], $0x80, s8, s12, $0xb8;
	[tilespmem:$0x1CC00] =	vst v63  }
0xd7: {  	s18 =	sadd.s32 s15, s18  }
0xd8: {  	[tilespmem:s24], [sflag:$0x8] =	stream.linear.gather [hbm4b:s18+s4], $0x80, $0x38;
	[tilespmem:$0x1CC00] =	vst v63  }
0xd9: {  	_ =	swait.ge [sflag:s26], $0x4000  }
0xda: {  	[sflag:s26] =	ssyncset.done $0x0  }
0xdb: {  	[sflag:s26] =	ssyncadd.s32 $0xFFFFC000  }
0xdc: {  	_ =	swait.ge [sflag:s19], $0x80  }
0xdd: {  	[sflag:s19] =	ssyncset.done $0x0  }
0xde: {  	[sflag:s19] =	ssyncadd.s32 $0xFFFFFF80  }
0xdf: {  	_ =	swait.ge [sflag:s28], $0x80  }
0xe0: {  	[sflag:s28] =	ssyncset.done $0x0  }
0xe1: {  	[sflag:s28] =	ssyncadd.s32 $0xFFFFFF80  }
0xe2: {  	[tilespmem:s9], [sflag:$0x2] =	stream.indirect.gather [hbm4b:s1+s12], $0x80, s7, s12, $0xb8;
	[tilespmem:$0x1CC00] =	vst v63  }
0xe3: {  	_ =	swait.ge [sflag:s21], $0x4000  }
0xe4: {  	s13 =	sshrl.u32 s17, $0x3;
	[sflag:s21] =	ssyncset.done $0x0  }
0xe5: {  	s18 =	sadd.s32 s5, s13;
	[sflag:s21] =	ssyncadd.s32 $0xFFFFC000  }
0xe6: {  	[tilespmem:s0], [sflag:$0x3] =	stream.linear.gather [hbm4b:s18+s4], $0x80, $0x38;
	[tilespmem:$0x1CC00] =	vst v63  }
0xe7: {  	_ = 	snop  }
0xe8: {  	[spmem:s2] =	stream.indirect.scatter.add.f32 [tilespmem:s14], [sflag:$0xB], $0x80, s30, s12, $0xb8;
	[tilespmem:$0x1CC00] =	vst v63  }
0xe9: {  	s13 =	sadd.s32 s6, s13  }
0xea: {  	[tilespmem:s3], [sflag:$0x5] =	stream.linear.gather [hbm4b:s13+s4], $0x80, $0x38;
	[tilespmem:$0x1CC00] =	vst v63  }
0xeb: {  	_ =	swait.ge [sflag:s29], $0x4000  }
0xec: {  	[sflag:s29] =	ssyncset.done $0x0  }
0xed: {  	[sflag:s29] =	ssyncadd.s32 $0xFFFFC000  }
0xee: {  	_ =	swait.ge [sflag:s10], $0x80  }
0xef: {  	[sflag:s10] =	ssyncset.done $0x0  }
0xf0: {  	[sflag:s10] =	ssyncadd.s32 $0xFFFFFF80  }
0xf1: {  	_ =	swait.ge [sflag:s11], $0x80  }
0xf2: {  	[sflag:s11] =	ssyncset.done $0x0  }
0xf3: {  	[sflag:s11] =	ssyncadd.s32 $0xFFFFFF80  }
0xf4: {  	[tilespmem:s14], [sflag:$0x1] =	stream.indirect.gather [hbm4b:s1+s12], $0x80, s0, s12, $0xb8;
	[tilespmem:$0x1CC00] =	vst v63  }
0xf5: {  	_ =	swait.ge [sflag:s23], $0x4000  }
0xf6: {  	s18 =	rddreg [dreg:$0x7];
	[sflag:s23] =	ssyncset.done $0x0  }
0xf7: {  	[sflag:s23] =	ssyncadd.s32 $0xFFFFC000;
	s13 =	sadd.s32 s15, s18  }
0xf8: {  	[tilespmem:s7], [sflag:$0x4] =	stream.linear.gather [hbm4b:s13+s4], $0x80, $0x38;
	[tilespmem:$0x1CC00] =	vst v63  }
0xf9: {  	s18 =	rddreg [dreg:$0x6]  }
0xfa: {  	[spmem:s2] =	stream.indirect.scatter.add.f32 [tilespmem:s9], [sflag:$0xC], $0x80, s24, s12, $0xb8;
	[tilespmem:$0x1CC00] =	vst v63  }
0xfb: {  	s18 =	sadd.s32 s15, s18  }
0xfc: {  	[tilespmem:s8], [sflag:$0x6] =	stream.linear.gather [hbm4b:s18+s4], $0x80, $0x38;
	[tilespmem:$0x1CC00] =	vst v63  }
0xfd: {  	_ =	swait.ge [sflag:s16], $0x4000  }
0xfe: {  	[sflag:s16] =	ssyncset.done $0x0  }
0xff: {  	[sflag:s16] =	ssyncadd.s32 $0xFFFFC000  }
0x100: {  	_ =	swait.ge [sflag:s19], $0x80  }
0x101: {  	[sflag:s19] =	ssyncset.done $0x0  }
0x102: {  	[sflag:s19] =	ssyncadd.s32 $0xFFFFFF80  }
0x103: {  	_ =	swait.ge [sflag:s20], $0x80  }
0x104: {  	[sflag:s20] =	ssyncset.done $0x0  }
0x105: {  	[sflag:s20] =	ssyncadd.s32 $0xFFFFFF80  }
0x106: {  	[tilespmem:s9], [sflag:$0x2] =	stream.indirect.gather [hbm4b:s1+s12], $0x80, s7, s12, $0xb8;
	[tilespmem:$0x1CC00] =	vst v63  }
0x107: {  	p0 =	sne.s32 s25, $0x440;
	_ =	swait.ge [sflag:s21], $0x4000  }
.Ltmp1:
0x108: {  	s13 =	rddreg [dreg:$0x5];
	[sflag:s21] =	ssyncset.done $0x0;
	(pc) =	sbr.rel @p0 .LBB2_4-.Ltmp1, $4  }
0x109: {  	s18 =	rddreg [dreg:$0x4];
	[sflag:s21] =	ssyncadd.s32 $0xFFFFC000;
	s13 =	sadd.s32 s15, s13  }
0x10a: {  	[tilespmem:s0], [sflag:$0x3] =	stream.linear.gather [hbm4b:s13+s4], $0x80, $0x38;
	[tilespmem:$0x1CC00] =	vst v63  }
0x10b: {  	s25 =	sadd.s32 $0x40, s25;
	s17 =	sadd.s32 $0x200, s17;
	s15 =	sadd.s32 s15, s18  }
0x10c: {  	[spmem:s2] =	stream.indirect.scatter.add.f32 [tilespmem:s14], [sflag:$0x9], $0x80, s3, s12, $0xb8;
	[tilespmem:$0x1CC00] =	vst v63  }
0x10d: {  	[tilespmem:s30], [sflag:$0x7] =	stream.linear.gather [hbm4b:s15+s4], $0x80, $0x38;
	[tilespmem:$0x1CC00] =	vst v63  }
0x10e: {  	_ =	swait.ge [sflag:s22], $0x4000  }
0x10f: {  	[sflag:s22] =	ssyncset.done $0x0  }
0x110: {  	[sflag:s22] =	ssyncadd.s32 $0xFFFFC000  }
0x111: {  	_ =	swait.ge [sflag:s10], $0x80  }
0x112: {  	[sflag:s10] =	ssyncset.done $0x0  }
0x113: {  	[sflag:s10] =	ssyncadd.s32 $0xFFFFFF80  }
0x114: {  	_ =	swait.ge [sflag:s31], $0x80  }
0x115: {  	[sflag:s31] =	ssyncset.done $0x0  }
0x116: {  	[sflag:s31] =	ssyncadd.s32 $0xFFFFFF80  }
0x117: {  	[tilespmem:s14], [sflag:$0x1] =	stream.indirect.gather [hbm4b:s1+s12], $0x80, s0, s12, $0xb8;
	[tilespmem:$0x1CC00] =	vst v63  }
0x118: {  	_ =	swait.ge [sflag:s23], $0x4000  }
0x119: {  	[sflag:s23] =	ssyncset.done $0x0  }
0x11a: {  	s13 =	rddreg [dreg:$0x14];
	[sflag:s23] =	ssyncadd.s32 $0xFFFFC000  }
0x11b: {  	[tilespmem:s7], [sflag:$0x4] =	stream.linear.gather [hbm4b:s13+s4], $0x80, $0x38;
	[tilespmem:$0x1CC00] =	vst v63  }
0x11c: {  	_ = 	snop  }
0x11d: {  	[spmem:s2] =	stream.indirect.scatter.add.f32 [tilespmem:s9], [sflag:$0xA], $0x80, s8, s12, $0xb8;
	[tilespmem:$0x1CC00] =	vst v63  }
0x11e: {  	s15 =	rddreg [dreg:$0x15]  }
0x11f: {  	[tilespmem:s24], [sflag:$0x8] =	stream.linear.gather [hbm4b:s15+s4], $0x80, $0x38;
	[tilespmem:$0x1CC00] =	vst v63  }
0x120: {  	_ =	swait.ge [sflag:s26], $0x4000  }
0x121: {  	[sflag:s26] =	ssyncset.done $0x0  }
0x122: {  	[sflag:s26] =	ssyncadd.s32 $0xFFFFC000  }
0x123: {  	_ =	swait.ge [sflag:s19], $0x80  }
0x124: {  	[sflag:s19] =	ssyncset.done $0x0  }
0x125: {  	[sflag:s19] =	ssyncadd.s32 $0xFFFFFF80  }
0x126: {  	_ =	swait.ge [sflag:s28], $0x80  }
0x127: {  	[sflag:s28] =	ssyncset.done $0x0  }
0x128: {  	[sflag:s28] =	ssyncadd.s32 $0xFFFFFF80  }
0x129: {  	[tilespmem:s9], [sflag:$0x2] =	stream.indirect.gather [hbm4b:s1+s12], $0x80, s7, s12, $0xb8;
	[tilespmem:$0x1CC00] =	vst v63  }
0x12a: {  	_ =	swait.ge [sflag:s21], $0x4000  }
0x12b: {  	[sflag:s21] =	ssyncset.done $0x0  }
0x12c: {  	s17 =	rddreg [dreg:$0x16];
	[sflag:s21] =	ssyncadd.s32 $0xFFFFC000  }
0x12d: {  	[tilespmem:s0], [sflag:$0x3] =	stream.linear.gather [hbm4b:s17+s4], $0x80, $0x38;
	[tilespmem:$0x1CC00] =	vst v63  }
0x12e: {  	_ = 	snop  }
0x12f: {  	[spmem:s2] =	stream.indirect.scatter.add.f32 [tilespmem:s14], [sflag:$0xB], $0x80, s30, s12, $0xb8;
	[tilespmem:$0x1CC00] =	vst v63  }
0x130: {  	s18 =	rddreg [dreg:$0x17]  }
0x131: {  	[tilespmem:s3], [sflag:$0x5] =	stream.linear.gather [hbm4b:s18+s4], $0x80, $0x38;
	[tilespmem:$0x1CC00] =	vst v63  }
0x132: {  	_ =	swait.ge [sflag:s29], $0x4000  }
0x133: {  	[sflag:s29] =	ssyncset.done $0x0  }
0x134: {  	[sflag:s29] =	ssyncadd.s32 $0xFFFFC000  }
0x135: {  	_ =	swait.ge [sflag:s10], $0x80  }
0x136: {  	[sflag:s10] =	ssyncset.done $0x0  }
0x137: {  	[sflag:s10] =	ssyncadd.s32 $0xFFFFFF80  }
0x138: {  	_ =	swait.ge [sflag:s11], $0x80  }
0x139: {  	[sflag:s11] =	ssyncset.done $0x0  }
0x13a: {  	[sflag:s11] =	ssyncadd.s32 $0xFFFFFF80  }
0x13b: {  	[tilespmem:s14], [sflag:$0x1] =	stream.indirect.gather [hbm4b:s1+s12], $0x80, s0, s12, $0xb8;
	[tilespmem:$0x1CC00] =	vst v63  }
0x13c: {  	_ =	swait.ge [sflag:s23], $0x4000  }
0x13d: {  	[sflag:s23] =	ssyncset.done $0x0  }
0x13e: {  	s25 =	rddreg [dreg:$0x18];
	[sflag:s23] =	ssyncadd.s32 $0xFFFFC000  }
0x13f: {  	[tilespmem:s7], [sflag:$0x4] =	stream.linear.gather [hbm4b:s25+s4], $0x80, $0x38;
	[tilespmem:$0x1CC00] =	vst v63  }
0x140: {  	_ = 	snop  }
0x141: {  	[spmem:s2] =	stream.indirect.scatter.add.f32 [tilespmem:s9], [sflag:$0xC], $0x80, s24, s12, $0xb8;
	[tilespmem:$0x1CC00] =	vst v63  }
0x142: {  	s15 =	rddreg [dreg:$0x19]  }
0x143: {  	[tilespmem:s8], [sflag:$0x6] =	stream.linear.gather [hbm4b:s15+s4], $0x80, $0x38;
	[tilespmem:$0x1CC00] =	vst v63  }
0x144: {  	_ =	swait.ge [sflag:s16], $0x4000  }
0x145: {  	[sflag:s16] =	ssyncset.done $0x0  }
0x146: {  	[sflag:s16] =	ssyncadd.s32 $0xFFFFC000  }
0x147: {  	_ =	swait.ge [sflag:s19], $0x80  }
0x148: {  	[sflag:s19] =	ssyncset.done $0x0  }
0x149: {  	[sflag:s19] =	ssyncadd.s32 $0xFFFFFF80  }
0x14a: {  	_ =	swait.ge [sflag:s20], $0x80  }
0x14b: {  	[sflag:s20] =	ssyncset.done $0x0  }
0x14c: {  	[sflag:s20] =	ssyncadd.s32 $0xFFFFFF80  }
0x14d: {  	[tilespmem:s9], [sflag:$0x2] =	stream.indirect.gather [hbm4b:s1+s12], $0x80, s7, s12, $0xb8;
	[tilespmem:$0x1CC00] =	vst v63  }
0x14e: {  	_ =	swait.ge [sflag:s21], $0x4000  }
0x14f: {  	[sflag:s21] =	ssyncset.done $0x0  }
0x150: {  	[sflag:s21] =	ssyncadd.s32 $0xFFFFC000  }
0x151: {  	[spmem:s2] =	stream.indirect.scatter.add.f32 [tilespmem:s14], [sflag:$0x9], $0x80, s3, s12, $0xb8;
	[tilespmem:$0x1CC00] =	vst v63  }
0x152: {  	_ =	swait.ge [sflag:s22], $0x4000  }
0x153: {  	[sflag:s22] =	ssyncset.done $0x0  }
0x154: {  	[sflag:s22] =	ssyncadd.s32 $0xFFFFC000  }
0x155: {  	_ =	swait.ge [sflag:s23], $0x4000  }
0x156: {  	[sflag:s23] =	ssyncset.done $0x0  }
0x157: {  	[sflag:s23] =	ssyncadd.s32 $0xFFFFC000  }
0x158: {  	[spmem:s2] =	stream.indirect.scatter.add.f32 [tilespmem:s9], [sflag:$0xA], $0x80, s8, s12, $0xb8;
	[tilespmem:$0x1CC00] =	vst v63  }
0x159: {  	_ =	swait.ge [sflag:s26], $0x4000  }
0x15a: {  	[sflag:s26] =	ssyncset.done $0x0  }
0x15b: {  	s17 =	simm.s32 $0xD;
	[sflag:s26] =	ssyncadd.s32 $0xFFFFC000  }
0x15c: {  	_ =	swait.ge [sflag:s17], $0x800  }
0x15d: {  	s18 =	simm.s32 $0x1C380;
	[sflag:s17] =	ssyncset.done $0x0  }
0x15e: {  	s25 =	simm.s32 $0x10;
	[sflag:s17] =	ssyncadd.s32 $0xFFFFF800;
	s17 =	simm.s32 $0x1C400  }
0x15f: {  	[spmem:s2] =	stream.indirect.scatter.add.f32 [tilespmem:s17], [sflag:$0xF], $0x80, s18, s25, $0xb8;
	[tilespmem:$0x1CC00] =	vst v63  }
0x160: {  	s25 =	simm.s32 $0xF  }
0x161: {  	_ =	swait.ge [sflag:s25], $0x800  }
0x162: {  	[sflag:s25] =	ssyncset.done $0x0  }
0x163: {  	[sflag:s25] =	ssyncadd.s32 $0xFFFFF800  }
0x164: {  	s18 =	stileid.u32;
	[bflag:$0x0] =	sbarrier.arrive $0xFFFF  }
0x165: {  	s13 =	sshll.u32 s18, $0x6;
	s18 =	rddreg [dreg:$0x10]  }
0x166: {  	s13 =	sor.u32 $0x1C0F, s13;
	s17 =	rddreg [dreg:$0x1a];
	s15 =	sshrl.u32 s18, $0x3  }
0x167: {  	[hbm:s17], [sflag:s13] =	dma.local [spmem:s15], $0x2800  }
0x168: {  	_ =	swait.ge [sflag:s25], $0x2800  }
0x169: {  	s13 =	sld [smem:$0x7FD];
	_ =	sdelay $0x2  }
0x16a: {  	s17 =	sadd.s32 $0x1, s13;
	s13 =	rddreg [dreg:$0x1b]  }
0x16b: {  	p0 =	sne.s32 s17, s13  }
.Ltmp2:
0x16c: {  	_ = 	snop;
	(pc) =	sbr.rel @p0 .LBB2_1-.Ltmp2, $3  }
0x16d: {  	_ =	sdelay $0x1  }
0x16e: {  	[sflag:s25] =	ssyncset.done $0x0  }
0x16f: {  	s15 =	simm.s32 $0x1C380;
	[sflag:s25] =	ssyncadd.s32 $0xFFFFD800;
	s25 =	simm.s32 $0x1C300  }
0x170: {  	_ =	sfence.sel $0x180000  }
0x171: {  	[bflag:$0x0] =	sbarrier.arrive $0xFFFF  }
0x172: {  	_ =	strace $0x9000004A  }
0x173: {  	s0 =	stileid.u32;
	[bflag:$0x2] =	sbarrier.arrive $0xFFFF  }
0x174: {  	p0 =	sne.s32 s0, $0x0;
	s0 =	rddreg [dreg:$0x3]  }
0x175: {  	s0 =	sadd.s32 @!p0 $0x100000, s0  }
0x176: {  	[sflag:s0] =	ssyncadd.tile.s32 @!p0 $0x1;
	_ =	shalt  }
.Lfunc_end2:
_tile_overlayer_lowered:
.L_overlay_start_2:
0x177: {  	(tag) =	ssettag $0x2  }
0x178: {  	s0 =	rddreg [dreg:$0x0];
	s2 =	stileid.u32  }
0x179: {  	s1 =	rddreg [dreg:$0x1];
	p0 =	sne.s32 s2, $0x0  }
0x17a: {  	s3 =	rddreg [dreg:$0x2];
	[bflag:$0x3] =	sbarrier.arrive $0xFFFF;
	s2 =	simm.s32 @!p0 $0x1C0F  }
0x17b: {  	[timem:s3], [sflag:s2] =	dma.local @!p0 [hbm:s0], s1  }
0x17c: {  	s0 =	simm.s32 @!p0 $0xF  }
0x17d: {  	_ =	swait.ge @!p0 [sflag:s0], s1  }
0x17e: {  	s1 =	ssub.s32 @!p0 $0x0, s1;
	[sflag:s0] =	ssyncset.done @!p0 $0x0  }
0x17f: {  	[sflag:s0] =	ssyncadd.s32 @!p0 s1  }
0x180: {  	[bflag:$0x3] =	sbarrier.arrive $0xFFFF  }
0x181: {  	_ =	shalt  }

</sc_bundles>
